<compile_context>
chip_gen: v7x
topology: tpu7x:2x2x1
jax: 0.10.2.dev20260603
libtpu: 0.0.44.dev20260713+nightly
codegen_flags: <defaults>
</compile_context>

<pallas_src>
import functools

import jax
import jax.numpy as jnp
from jax import lax
from jax.experimental import pallas as pl
from jax.experimental.pallas import tpu as pltpu
from jax.experimental.pallas import tpu_sc as plsc

N = 10000
E = 320000
D = 128
H = 128

NC = 2
NS = 16
NW = NC * NS
L = 16

EPT = E // NW
CH = 80
NCHUNK = EPT // CH
WPT = 624
TAIL = N - NS * WPT
ZROWS = 16

_mesh = plsc.VectorSubcoreMesh(core_axis_name="c", subcore_axis_name="s")
_sc_params = pltpu.CompilerParams(needs_layout_passes=False)

_Z16 = functools.partial(jnp.zeros, (L,), jnp.float32)


def _zero_1d(ref, nwords):
    def body(i, c):
        ref[pl.ds(i * L, L)] = _Z16()
        return c
    lax.fori_loop(0, nwords // L, body, 0)


@functools.partial(
    pl.kernel,
    out_type=jax.ShapeDtypeStruct((NW, N), jnp.float32),
    mesh=_mesh,
    compiler_params=_sc_params,
    scratch_types=[
        pltpu.VMEM((NCHUNK, 2, CH), jnp.int32),
        pltpu.VMEM((N,), jnp.float32),
    ],
)
def _sc_deg(es_hbm, out_hbm, es_v, acc_v):
    c = lax.axis_index("c")
    s = lax.axis_index("s")
    wid = c * NS + s
    _zero_1d(acc_v, N)
    pltpu.sync_copy(es_hbm.at[wid], es_v)
    ones = jnp.ones((L,), jnp.float32)

    def body(k, carry):
        for j in range(CH // L):
            di = es_v[k, 1, pl.ds(j * L, L)]
            plsc.addupdate_scatter(acc_v, [di], ones)
        return carry

    lax.fori_loop(0, NCHUNK, body, 0)
    pltpu.sync_copy(acc_v, out_hbm.at[wid])


_RING = 3


@functools.partial(
    pl.kernel,
    out_type=jax.ShapeDtypeStruct((NC, N, D), jnp.float32),
    mesh=_mesh,
    compiler_params=_sc_params,
    scratch_types=(
        [pltpu.VMEM_SHARED((N, D), jnp.float32)]
        + [pltpu.VMEM((CH, D), jnp.float32)] * _RING
        + [pltpu.VMEM((2, CH), jnp.int32)] * _RING
        + [pltpu.VMEM((ZROWS, D), jnp.float32)]
        + [pltpu.SemaphoreType.DMA] * (2 * _RING)
    ),
)
def _sc_rows(p1_hbm, es_hbm, out_hbm, acc,
             rows0, rows1, rows2, idx0, idx1, idx2, zbuf,
             g0, g1, g2, i0, i1, i2):
    c = lax.axis_index("c")
    s = lax.axis_index("s")
    wid = c * NS + s
    bufs = ((rows0, idx0, g0, i0), (rows1, idx1, g1, i1), (rows2, idx2, g2, i2))

    def _iload(k, ib, isem):
        pltpu.async_copy(es_hbm.at[wid, k], ib, isem)

    def _iwait(k, ib, isem):
        pltpu.make_async_copy(es_hbm.at[wid, k], ib, isem).wait()

    def _gissue(ib, rb, gsem):
        pltpu.async_copy(p1_hbm.at[ib.at[0]], rb, gsem)

    def _gwait(ib, rb, gsem):
        pltpu.make_async_copy(p1_hbm.at[ib.at[0]], rb, gsem).wait()

    def _scat(ib, rb):
        pltpu.sync_copy(rb, acc.at[ib.at[1]], add=True)

    def zrow(i, carry):
        for j in range(D // L):
            zbuf[i, pl.ds(j * L, L)] = _Z16()
        return carry

    lax.fori_loop(0, ZROWS, zrow, 0)
    for r in range(WPT // ZROWS):
        pltpu.sync_copy(zbuf, acc.at[pl.ds(s * WPT + r * ZROWS, ZROWS)])

    @pl.when(s == NS - 1)
    def _zero_tail():
        pltpu.sync_copy(zbuf.at[pl.ds(0, TAIL)], acc.at[pl.ds(NS * WPT, TAIL)])

    for b in range(_RING):
        _iload(b, bufs[b][1], bufs[b][3])
    for b in range(2):
        _iwait(b, bufs[b][1], bufs[b][3])
        _gissue(bufs[b][1], bufs[b][0], bufs[b][2])

    pltpu.sync_copy(acc.at[pl.ds(s * WPT, 8)], zbuf.at[pl.ds(0, 8)])
    plsc.subcore_barrier()


    def body(i, carry):
        for b in range(_RING):
            kk = _RING * i + b
            rb, ib, gs, isem = bufs[b]
            rb2, ib2, gs2, isem2 = bufs[(b + 2) % _RING]
            _gwait(ib, rb, gs)
            _scat(ib, rb)

            @pl.when(kk <= NCHUNK - 1 - _RING)
            def _prefetch_idx():
                _iload(kk + _RING, ib, isem)

            @pl.when(kk <= NCHUNK - 3)
            def _prefetch_rows():
                _iwait(kk + 2, ib2, isem2)
                _gissue(ib2, rb2, gs2)
        return carry

    lax.fori_loop(0, NCHUNK // _RING, body, 0)
    for kk in range(_RING * (NCHUNK // _RING), NCHUNK):
        rb, ib, gs, isem = bufs[kk % _RING]
        _gwait(ib, rb, gs)
        _scat(ib, rb)
    plsc.subcore_barrier()
    pltpu.sync_copy(acc.at[pl.ds(s * WPT, 8)], zbuf.at[pl.ds(8, 8)])
    plsc.subcore_barrier()
    pltpu.sync_copy(acc.at[pl.ds(s * WPT, WPT)],
                    out_hbm.at[c, pl.ds(s * WPT, WPT)])

    @pl.when(s == NS - 1)
    def _write_tail():
        pltpu.sync_copy(acc.at[pl.ds(NS * WPT, TAIL)],
                        out_hbm.at[c, pl.ds(NS * WPT, TAIL)])


@functools.partial(
    pl.kernel,
    out_type=jax.ShapeDtypeStruct((NW, N), jnp.float32),
    mesh=_mesh,
    compiler_params=_sc_params,
    scratch_types=[
        pltpu.VMEM((NCHUNK, 2, CH), jnp.int32),
        pltpu.VMEM((N,), jnp.float32),
        pltpu.VMEM((N,), jnp.float32),
    ],
)
def _sc_scalar(es_hbm, p2_hbm, out_hbm, es_v, p2_v, acc_v):
    c = lax.axis_index("c")
    s = lax.axis_index("s")
    wid = c * NS + s
    _zero_1d(acc_v, N)
    pltpu.sync_copy(p2_hbm, p2_v)
    pltpu.sync_copy(es_hbm.at[wid], es_v)

    def body(k, carry):
        for j in range(CH // L):
            si = es_v[k, 0, pl.ds(j * L, L)]
            di = es_v[k, 1, pl.ds(j * L, L)]
            vals = plsc.load_gather(p2_v, [si])
            plsc.addupdate_scatter(acc_v, [di], vals)
        return carry

    lax.fori_loop(0, NCHUNK, body, 0)
    pltpu.sync_copy(acc_v, out_hbm.at[wid])


_RB = 2000


def _tc1_body(degp_ref, x_ref, w1_ref, p1_ref, dis_ref):
    deg = jnp.sum(degp_ref[...], axis=1) + 1.0
    dis = lax.rsqrt(deg)
    h = jnp.dot(x_ref[...], w1_ref[...], preferred_element_type=jnp.float32)
    p1_ref[...] = h * dis[:, None]
    dis_ref[...] = dis[:, None]


def _tc2_body(aggp_ref, p1_ref, dis_ref, b1_ref, w2_ref, p2_ref):
    a = aggp_ref[0] + aggp_ref[1] + p1_ref[...]
    o1 = a * dis_ref[...] + b1_ref[...]
    r = jnp.maximum(o1, 0.0)
    h2 = jnp.dot(r, w2_ref[...], preferred_element_type=jnp.float32)
    p2_ref[...] = h2 * dis_ref[...]


def _tc3_body(a2p_ref, p2_ref, dis_ref, b2_ref, out_ref):
    ssum = jnp.sum(a2p_ref[...], axis=1)[:, None] + p2_ref[...]
    out_ref[...] = ssum * dis_ref[...] + b2_ref[0, 0]


def kernel(x, edge_index, W1, b1, W2, b2):
    es = edge_index.reshape(2, NW, NCHUNK, CH).transpose(1, 2, 0, 3)

    deg_parts = _sc_deg(es)

    p1, dis = pl.pallas_call(
        _tc1_body,
        grid=(N // _RB,),
        in_specs=[
            pl.BlockSpec((_RB, NW), lambda i: (i, 0)),
            pl.BlockSpec((_RB, D), lambda i: (i, 0)),
            pl.BlockSpec((D, H), lambda i: (0, 0)),
        ],
        out_specs=[
            pl.BlockSpec((_RB, H), lambda i: (i, 0)),
            pl.BlockSpec((_RB, 1), lambda i: (i, 0)),
        ],
        out_shape=[
            jax.ShapeDtypeStruct((N, H), jnp.float32),
            jax.ShapeDtypeStruct((N, 1), jnp.float32),
        ],
    )(deg_parts.T, x, W1)

    agg_parts = _sc_rows(p1, es)

    p2 = pl.pallas_call(
        _tc2_body,
        grid=(N // _RB,),
        in_specs=[
            pl.BlockSpec((NC, _RB, H), lambda i: (0, i, 0)),
            pl.BlockSpec((_RB, H), lambda i: (i, 0)),
            pl.BlockSpec((_RB, 1), lambda i: (i, 0)),
            pl.BlockSpec((1, H), lambda i: (0, 0)),
            pl.BlockSpec((H, 1), lambda i: (0, 0)),
        ],
        out_specs=pl.BlockSpec((_RB, 1), lambda i: (i, 0)),
        out_shape=jax.ShapeDtypeStruct((N, 1), jnp.float32),
    )(agg_parts, p1, dis, b1.reshape(1, H), W2)

    agg2_parts = _sc_scalar(es, p2.reshape(N))

    out = pl.pallas_call(
        _tc3_body,
        grid=(N // _RB,),
        in_specs=[
            pl.BlockSpec((_RB, NW), lambda i: (i, 0)),
            pl.BlockSpec((_RB, 1), lambda i: (i, 0)),
            pl.BlockSpec((_RB, 1), lambda i: (i, 0)),
            pl.BlockSpec((1, 1), lambda i: (0, 0)),
        ],
        out_specs=pl.BlockSpec((_RB, 1), lambda i: (i, 0)),
        out_shape=jax.ShapeDtypeStruct((N, 1), jnp.float32),
    )(agg2_parts.T, p2, dis, b2.reshape(1, 1))

    return out.reshape(N)

# --- scband reference (transcript-rebuilt; emitter-appended) ---
"""Pipeline reference for scband-gcn-36541581754948 (READ-ONLY COPY).

The authoritative reference and input builder live on the scoring server;
editing this copy changes nothing except your own understanding.
"""

import jax, jax.numpy as jnp
import numpy as np

N = 10000
E = 320000
D = 128
H = 128


def setup_inputs(seed: int = 0) -> dict:
    key = jax.random.key(seed)
    k1, k2, k3, k4, k5, k6 = jax.random.split(key, 6)
    x = jax.random.normal(k1, (N, D), dtype=jnp.float32)
    edge_index = jax.random.randint(k2, (2, E), 0, N, dtype=jnp.int32)
    W1 = jax.random.normal(k3, (D, H), dtype=jnp.float32) * (1.0 / np.sqrt(D))
    b1 = jnp.zeros((H,), dtype=jnp.float32)
    W2 = jax.random.normal(k4, (H, 1), dtype=jnp.float32) * (1.0 / np.sqrt(H))
    b2 = jnp.zeros((1,), dtype=jnp.float32)
    return {"x": x, "edge_index": edge_index, "W1": W1, "b1": b1, "W2": W2, "b2": b2}


def _gcn_conv(h_in, src, dst, W, b, n_nodes):
    # linear transform
    h = h_in @ W
    # add self loops
    loop = jnp.arange(n_nodes, dtype=src.dtype)
    src_sl = jnp.concatenate([src, loop])
    dst_sl = jnp.concatenate([dst, loop])
    # symmetric normalization D^{-1/2} (A+I) D^{-1/2}
    deg = jnp.zeros((n_nodes,), dtype=h.dtype).at[dst_sl].add(1.0)
    deg_inv_sqrt = jax.lax.rsqrt(deg)
    deg_inv_sqrt = jnp.where(jnp.isinf(deg_inv_sqrt), 0.0, deg_inv_sqrt)
    norm = deg_inv_sqrt[src_sl] * deg_inv_sqrt[dst_sl]
    # message passing: gather from src, scatter-add to dst
    msgs = norm[:, None] * h[src_sl]
    out = jnp.zeros((n_nodes, h.shape[1]), dtype=h.dtype).at[dst_sl].add(msgs)
    return out + b


def reference(x, edge_index, W1, b1, W2, b2):
    src = edge_index[0]
    dst = edge_index[1]
    h = _gcn_conv(x, src, dst, W1, b1, N)
    h = jax.nn.relu(h)
    # dropout p=0.0 (eval) -> identity
    h = _gcn_conv(h, src, dst, W2, b2, N)
    return jnp.squeeze(h, axis=-1)

if __name__ == "__main__":
    import jax
    _d = setup_inputs()
    print(jax.jit(kernel)(*tuple(_d.values())))

</pallas_src>

<mosaic_0001>
#map = affine_map<(d0, d1) -> (0, 0, 0, 0)>
#map1 = affine_map<(d0, d1) -> (0)>
#map2 = affine_map<(d0, d1) -> (0, 0)>
module attributes {stable_mosaic.version = 14 : i64} {
  func.func @_sc_scalar(%arg0: i32, %arg1: i32, %arg2: memref<32x125x2x80xi32, #tpu.memory_space<hbm>>, %arg3: memref<10000xf32, #tpu.memory_space<hbm>>, %arg4: memref<32x10000xf32, #tpu.memory_space<hbm>>, %arg5: memref<125x2x80xi32, #tpu.memory_space<vmem>>, %arg6: memref<10000xf32, #tpu.memory_space<vmem>>, %arg7: memref<10000xf32, #tpu.memory_space<vmem>>) attributes {dimension_semantics = [#tpu.dimension_semantics<core_parallel>, #tpu.dimension_semantics<subcore_parallel>], iteration_bounds = array<i64: 2, 16>, scalar_prefetch = 0 : i64, scratch_operands = 3 : i64, tpu.core_type = #tpu.core_type<sc_vector_subcore>, window_params = [{transform_indices = #map}, {transform_indices = #map1}, {transform_indices = #map2}]} {
    %mul3A = arith.constant 16 : i32
    %mul3A_0 = arith.muli %arg0, %mul3A : i32
    %add3A = arith.addi %mul3A_0, %arg1 : i32
    %scan3A = arith.constant 0 : i32
    %scan3A_1 = arith.constant 0 : i32
    %scan3A_2 = arith.constant 625 : i32
    %scan3A_3 = arith.addi %scan3A_1, %scan3A_2 : i32
    %scan3A_4 = arith.constant 1 : i32
    scf.for %scan3A_12 = %scan3A_1 to %scan3A_3 step %scan3A_4  : i32 {
      %broadcast_in_dim3A = arith.constant 0.000000e+00 : f32
      %broadcast_in_dim3A_13 = vector.broadcast %broadcast_in_dim3A : f32 to vector<16xf32>
      %mul3A_14 = arith.constant 16 : i32
      %mul3A_15 = arith.muli %scan3A_12, %mul3A_14 : i32
      %swap3A = arith.index_cast %mul3A_15 : i32 to index
      %swap3A_16 = tpu.vector_load %arg7[%swap3A] {strides = array<i32>} : memref<10000xf32, #tpu.memory_space<vmem>>, vector<16xf32>,
      tpu.vector_store %arg7[%swap3A], %broadcast_in_dim3A_13 {strides = array<i32>} : memref<10000xf32, #tpu.memory_space<vmem>>, vector<16xf32>,
    }
    %scan3A_5 = arith.constant 625 : i32
    "tpu.region"() ({
      %run_scoped3A = tpu.sem_alloc : memref<!tpu.dma_semaphore, #tpu.memory_space<semaphore_mem>>
      tpu.enqueue_dma source(%arg3 : memref<10000xf32, #tpu.memory_space<hbm>>) target(%arg6 : memref<10000xf32, #tpu.memory_space<vmem>>) target_semaphore(%run_scoped3A : memref<!tpu.dma_semaphore, #tpu.memory_space<semaphore_mem>>)
      tpu.wait_dma2 semaphore(%run_scoped3A : memref<!tpu.dma_semaphore, #tpu.memory_space<semaphore_mem>>) src(%arg3 : memref<10000xf32, #tpu.memory_space<hbm>>) dst(%arg6 : memref<10000xf32, #tpu.memory_space<vmem>>)
      tpu.yield
    }) : () -> ()
    "tpu.region"() ({
      %run_scoped3A = tpu.sem_alloc : memref<!tpu.dma_semaphore, #tpu.memory_space<semaphore_mem>>
      %dma_start3A = arith.constant 0 : i32
      %dma_start3A_12 = arith.constant 0 : i32
      %dma_start3A_13 = arith.constant 0 : i32
      %dma_start3A_14 = tpu.memref_slice %arg2[%add3A, %dma_start3A, %dma_start3A_12, %dma_start3A_13] : memref<32x125x2x80xi32, #tpu.memory_space<hbm>> -> memref<1x125x2x80xi32, #tpu.memory_space<hbm>>
      %dma_start3A_15 = tpu.memref_squeeze %dma_start3A_14 : memref<1x125x2x80xi32, #tpu.memory_space<hbm>> -> memref<125x2x80xi32, #tpu.memory_space<hbm>>
      %dma_start3A_16 = arith.constant 0 : i32
      %dma_start3A_17 = arith.constant 0 : i32
      %dma_start3A_18 = arith.constant 0 : i32
      %dma_start3A_19 = tpu.memref_slice %arg2[%add3A, %dma_start3A_16, %dma_start3A_17, %dma_start3A_18] : memref<32x125x2x80xi32, #tpu.memory_space<hbm>> -> memref<1x125x2x80xi32, #tpu.memory_space<hbm>>
      %dma_start3A_20 = tpu.memref_squeeze %dma_start3A_19 : memref<1x125x2x80xi32, #tpu.memory_space<hbm>> -> memref<125x2x80xi32, #tpu.memory_space<hbm>>
      tpu.enqueue_dma source(%dma_start3A_20 : memref<125x2x80xi32, #tpu.memory_space<hbm>>) target(%arg5 : memref<125x2x80xi32, #tpu.memory_space<vmem>>) target_semaphore(%run_scoped3A : memref<!tpu.dma_semaphore, #tpu.memory_space<semaphore_mem>>)
      %dma_wait3A = arith.constant 0 : i32
      %dma_wait3A_21 = arith.constant 0 : i32
      %dma_wait3A_22 = arith.constant 0 : i32
      %dma_wait3A_23 = tpu.memref_slice %arg2[%add3A, %dma_wait3A, %dma_wait3A_21, %dma_wait3A_22] : memref<32x125x2x80xi32, #tpu.memory_space<hbm>> -> memref<1x125x2x80xi32, #tpu.memory_space<hbm>>
      %dma_wait3A_24 = tpu.memref_squeeze %dma_wait3A_23 : memref<1x125x2x80xi32, #tpu.memory_space<hbm>> -> memref<125x2x80xi32, #tpu.memory_space<hbm>>
      %dma_wait3A_25 = arith.constant 0 : i32
      %dma_wait3A_26 = arith.constant 0 : i32
      %dma_wait3A_27 = arith.constant 0 : i32
      %dma_wait3A_28 = tpu.memref_slice %arg2[%add3A, %dma_wait3A_25, %dma_wait3A_26, %dma_wait3A_27] : memref<32x125x2x80xi32, #tpu.memory_space<hbm>> -> memref<1x125x2x80xi32, #tpu.memory_space<hbm>>
      %dma_wait3A_29 = tpu.memref_squeeze %dma_wait3A_28 : memref<1x125x2x80xi32, #tpu.memory_space<hbm>> -> memref<125x2x80xi32, #tpu.memory_space<hbm>>
      tpu.wait_dma2 semaphore(%run_scoped3A : memref<!tpu.dma_semaphore, #tpu.memory_space<semaphore_mem>>) src(%dma_wait3A_29 : memref<125x2x80xi32, #tpu.memory_space<hbm>>) dst(%arg5 : memref<125x2x80xi32, #tpu.memory_space<vmem>>)
      tpu.yield
    }) : () -> ()
    %scan3A_6 = arith.constant 0 : i32
    %scan3A_7 = arith.constant 0 : i32
    %scan3A_8 = arith.constant 125 : i32
    %scan3A_9 = arith.addi %scan3A_7, %scan3A_8 : i32
    %scan3A_10 = arith.constant 1 : i32
    scf.for %scan3A_12 = %scan3A_7 to %scan3A_9 step %scan3A_10  : i32 {
      %get3A = arith.constant 0 : i32
      %get3A_13 = arith.index_cast %scan3A_12 : i32 to index
      %get3A_14 = arith.index_cast %get3A : i32 to index
      %get3A_15 = arith.constant 0 : index
      %get3A_16 = tpu.vector_load %arg5[%get3A_13, %get3A_14, %get3A_15] {strides = array<i32>} : memref<125x2x80xi32, #tpu.memory_space<vmem>>, vector<16xi32>,
      %get3A_17 = arith.constant 1 : i32
      %get3A_18 = arith.index_cast %scan3A_12 : i32 to index
      %get3A_19 = arith.index_cast %get3A_17 : i32 to index
      %get3A_20 = arith.constant 0 : index
      %get3A_21 = tpu.vector_load %arg5[%get3A_18, %get3A_19, %get3A_20] {strides = array<i32>} : memref<125x2x80xi32, #tpu.memory_space<vmem>>, vector<16xi32>,
      %gather3A = tpu.vector_load_idx %arg6[%get3A_16] : memref<10000xf32, #tpu.memory_space<vmem>>[vector<16xi32>], vector<16xf32>,
      tpu.vector_store_idx %arg7[%get3A_21], %gather3A {add = true} : memref<10000xf32, #tpu.memory_space<vmem>>[vector<16xi32>], vector<16xf32>,
      %get3A_22 = arith.constant 0 : i32
      %get3A_23 = arith.index_cast %scan3A_12 : i32 to index
      %get3A_24 = arith.index_cast %get3A_22 : i32 to index
      %get3A_25 = arith.constant 16 : index
      %get3A_26 = tpu.vector_load %arg5[%get3A_23, %get3A_24, %get3A_25] {strides = array<i32>} : memref<125x2x80xi32, #tpu.memory_space<vmem>>, vector<16xi32>,
      %get3A_27 = arith.constant 1 : i32
      %get3A_28 = arith.index_cast %scan3A_12 : i32 to index
      %get3A_29 = arith.index_cast %get3A_27 : i32 to index
      %get3A_30 = arith.constant 16 : index
      %get3A_31 = tpu.vector_load %arg5[%get3A_28, %get3A_29, %get3A_30] {strides = array<i32>} : memref<125x2x80xi32, #tpu.memory_space<vmem>>, vector<16xi32>,
      %gather3A_32 = tpu.vector_load_idx %arg6[%get3A_26] : memref<10000xf32, #tpu.memory_space<vmem>>[vector<16xi32>], vector<16xf32>,
      tpu.vector_store_idx %arg7[%get3A_31], %gather3A_32 {add = true} : memref<10000xf32, #tpu.memory_space<vmem>>[vector<16xi32>], vector<16xf32>,
      %get3A_33 = arith.constant 0 : i32
      %get3A_34 = arith.index_cast %scan3A_12 : i32 to index
      %get3A_35 = arith.index_cast %get3A_33 : i32 to index
      %get3A_36 = arith.constant 32 : index
      %get3A_37 = tpu.vector_load %arg5[%get3A_34, %get3A_35, %get3A_36] {strides = array<i32>} : memref<125x2x80xi32, #tpu.memory_space<vmem>>, vector<16xi32>,
      %get3A_38 = arith.constant 1 : i32
      %get3A_39 = arith.index_cast %scan3A_12 : i32 to index
      %get3A_40 = arith.index_cast %get3A_38 : i32 to index
      %get3A_41 = arith.constant 32 : index
      %get3A_42 = tpu.vector_load %arg5[%get3A_39, %get3A_40, %get3A_41] {strides = array<i32>} : memref<125x2x80xi32, #tpu.memory_space<vmem>>, vector<16xi32>,
      %gather3A_43 = tpu.vector_load_idx %arg6[%get3A_37] : memref<10000xf32, #tpu.memory_space<vmem>>[vector<16xi32>], vector<16xf32>,
      tpu.vector_store_idx %arg7[%get3A_42], %gather3A_43 {add = true} : memref<10000xf32, #tpu.memory_space<vmem>>[vector<16xi32>], vector<16xf32>,
      %get3A_44 = arith.constant 0 : i32
      %get3A_45 = arith.index_cast %scan3A_12 : i32 to index
      %get3A_46 = arith.index_cast %get3A_44 : i32 to index
      %get3A_47 = arith.constant 48 : index
      %get3A_48 = tpu.vector_load %arg5[%get3A_45, %get3A_46, %get3A_47] {strides = array<i32>} : memref<125x2x80xi32, #tpu.memory_space<vmem>>, vector<16xi32>,
      %get3A_49 = arith.constant 1 : i32
      %get3A_50 = arith.index_cast %scan3A_12 : i32 to index
      %get3A_51 = arith.index_cast %get3A_49 : i32 to index
      %get3A_52 = arith.constant 48 : index
      %get3A_53 = tpu.vector_load %arg5[%get3A_50, %get3A_51, %get3A_52] {strides = array<i32>} : memref<125x2x80xi32, #tpu.memory_space<vmem>>, vector<16xi32>,
      %gather3A_54 = tpu.vector_load_idx %arg6[%get3A_48] : memref<10000xf32, #tpu.memory_space<vmem>>[vector<16xi32>], vector<16xf32>,
      tpu.vector_store_idx %arg7[%get3A_53], %gather3A_54 {add = true} : memref<10000xf32, #tpu.memory_space<vmem>>[vector<16xi32>], vector<16xf32>,
      %get3A_55 = arith.constant 0 : i32
      %get3A_56 = arith.index_cast %scan3A_12 : i32 to index
      %get3A_57 = arith.index_cast %get3A_55 : i32 to index
      %get3A_58 = arith.constant 64 : index
      %get3A_59 = tpu.vector_load %arg5[%get3A_56, %get3A_57, %get3A_58] {strides = array<i32>} : memref<125x2x80xi32, #tpu.memory_space<vmem>>, vector<16xi32>,
      %get3A_60 = arith.constant 1 : i32
      %get3A_61 = arith.index_cast %scan3A_12 : i32 to index
      %get3A_62 = arith.index_cast %get3A_60 : i32 to index
      %get3A_63 = arith.constant 64 : index
      %get3A_64 = tpu.vector_load %arg5[%get3A_61, %get3A_62, %get3A_63] {strides = array<i32>} : memref<125x2x80xi32, #tpu.memory_space<vmem>>, vector<16xi32>,
      %gather3A_65 = tpu.vector_load_idx %arg6[%get3A_59] : memref<10000xf32, #tpu.memory_space<vmem>>[vector<16xi32>], vector<16xf32>,
      tpu.vector_store_idx %arg7[%get3A_64], %gather3A_65 {add = true} : memref<10000xf32, #tpu.memory_space<vmem>>[vector<16xi32>], vector<16xf32>,
    }
    %scan3A_11 = arith.constant 125 : i32
    "tpu.region"() ({
      %run_scoped3A = tpu.sem_alloc : memref<!tpu.dma_semaphore, #tpu.memory_space<semaphore_mem>>
      %dma_start3A = arith.constant 0 : i32
      %dma_start3A_12 = tpu.memref_slice %arg4[%add3A, %dma_start3A] : memref<32x10000xf32, #tpu.memory_space<hbm>> -> memref<1x10000xf32, #tpu.memory_space<hbm>>
      %dma_start3A_13 = tpu.memref_squeeze %dma_start3A_12 : memref<1x10000xf32, #tpu.memory_space<hbm>> -> memref<10000xf32, #tpu.memory_space<hbm>>
      %dma_start3A_14 = arith.constant 0 : i32
      %dma_start3A_15 = tpu.memref_slice %arg4[%add3A, %dma_start3A_14] : memref<32x10000xf32, #tpu.memory_space<hbm>> -> memref<1x10000xf32, #tpu.memory_space<hbm>>
      %dma_start3A_16 = tpu.memref_squeeze %dma_start3A_15 : memref<1x10000xf32, #tpu.memory_space<hbm>> -> memref<10000xf32, #tpu.memory_space<hbm>>
      tpu.enqueue_dma source(%arg7 : memref<10000xf32, #tpu.memory_space<vmem>>) target(%dma_start3A_16 : memref<10000xf32, #tpu.memory_space<hbm>>) target_semaphore(%run_scoped3A : memref<!tpu.dma_semaphore, #tpu.memory_space<semaphore_mem>>)
      %dma_wait3A = arith.constant 0 : i32
      %dma_wait3A_17 = tpu.memref_slice %arg4[%add3A, %dma_wait3A] : memref<32x10000xf32, #tpu.memory_space<hbm>> -> memref<1x10000xf32, #tpu.memory_space<hbm>>
      %dma_wait3A_18 = tpu.memref_squeeze %dma_wait3A_17 : memref<1x10000xf32, #tpu.memory_space<hbm>> -> memref<10000xf32, #tpu.memory_space<hbm>>
      %dma_wait3A_19 = arith.constant 0 : i32
      %dma_wait3A_20 = tpu.memref_slice %arg4[%add3A, %dma_wait3A_19] : memref<32x10000xf32, #tpu.memory_space<hbm>> -> memref<1x10000xf32, #tpu.memory_space<hbm>>
      %dma_wait3A_21 = tpu.memref_squeeze %dma_wait3A_20 : memref<1x10000xf32, #tpu.memory_space<hbm>> -> memref<10000xf32, #tpu.memory_space<hbm>>
      tpu.wait_dma2 semaphore(%run_scoped3A : memref<!tpu.dma_semaphore, #tpu.memory_space<semaphore_mem>>) src(%arg7 : memref<10000xf32, #tpu.memory_space<vmem>>) dst(%dma_wait3A_21 : memref<10000xf32, #tpu.memory_space<hbm>>)
      tpu.yield
    }) : () -> ()
    return
  }
}

#map = affine_map<(d0, d1) -> (0, 0)>
#map1 = affine_map<(d0, d1) -> (0, 0, 0, 0)>
#map2 = affine_map<(d0, d1) -> (0, 0, 0)>
module attributes {stable_mosaic.version = 14 : i64} {
  func.func @_sc_rows(%arg0: i32, %arg1: i32, %arg2: memref<10000x128xf32, #tpu.memory_space<hbm>>, %arg3: memref<32x125x2x80xi32, #tpu.memory_space<hbm>>, %arg4: memref<2x10000x128xf32, #tpu.memory_space<hbm>>, %arg5: memref<10000x128xf32, #tpu.memory_space<vmem_shared>>, %arg6: memref<80x128xf32, #tpu.memory_space<vmem>>, %arg7: memref<80x128xf32, #tpu.memory_space<vmem>>, %arg8: memref<80x128xf32, #tpu.memory_space<vmem>>, %arg9: memref<2x80xi32, #tpu.memory_space<vmem>>, %arg10: memref<2x80xi32, #tpu.memory_space<vmem>>, %arg11: memref<2x80xi32, #tpu.memory_space<vmem>>, %arg12: memref<16x128xf32, #tpu.memory_space<vmem>>, %arg13: memref<!tpu.dma_semaphore, #tpu.memory_space<semaphore_mem>>, %arg14: memref<!tpu.dma_semaphore, #tpu.memory_space<semaphore_mem>>, %arg15: memref<!tpu.dma_semaphore, #tpu.memory_space<semaphore_mem>>, %arg16: memref<!tpu.dma_semaphore, #tpu.memory_space<semaphore_mem>>, %arg17: memref<!tpu.dma_semaphore, #tpu.memory_space<semaphore_mem>>, %arg18: memref<!tpu.dma_semaphore, #tpu.memory_space<semaphore_mem>>) attributes {dimension_semantics = [#tpu.dimension_semantics<core_parallel>, #tpu.dimension_semantics<subcore_parallel>], iteration_bounds = array<i64: 2, 16>, scalar_prefetch = 0 : i64, scratch_operands = 14 : i64, tpu.core_type = #tpu.core_type<sc_vector_subcore>, window_params = [{transform_indices = #map}, {transform_indices = #map1}, {transform_indices = #map2}]} {
    %mul3A = arith.constant 16 : i32
    %mul3A_0 = arith.muli %arg0, %mul3A : i32
    %add3A = arith.addi %mul3A_0, %arg1 : i32
    %scan3A = arith.constant 0 : i32
    %scan3A_1 = arith.constant 0 : i32
    %scan3A_2 = arith.constant 16 : i32
    %scan3A_3 = arith.addi %scan3A_1, %scan3A_2 : i32
    %scan3A_4 = arith.constant 1 : i32
    scf.for %scan3A_257 = %scan3A_1 to %scan3A_3 step %scan3A_4  : i32 {
      %broadcast_in_dim3A = arith.constant 0.000000e+00 : f32
      %broadcast_in_dim3A_258 = vector.broadcast %broadcast_in_dim3A : f32 to vector<16xf32>
      %swap3A = arith.index_cast %scan3A_257 : i32 to index
      %swap3A_259 = arith.constant 0 : index
      %swap3A_260 = tpu.vector_load %arg12[%swap3A, %swap3A_259] {strides = array<i32>} : memref<16x128xf32, #tpu.memory_space<vmem>>, vector<16xf32>,
      tpu.vector_store %arg12[%swap3A, %swap3A_259], %broadcast_in_dim3A_258 {strides = array<i32>} : memref<16x128xf32, #tpu.memory_space<vmem>>, vector<16xf32>,
      %broadcast_in_dim3A_261 = arith.constant 0.000000e+00 : f32
      %broadcast_in_dim3A_262 = vector.broadcast %broadcast_in_dim3A_261 : f32 to vector<16xf32>
      %swap3A_263 = arith.index_cast %scan3A_257 : i32 to index
      %swap3A_264 = arith.constant 16 : index
      %swap3A_265 = tpu.vector_load %arg12[%swap3A_263, %swap3A_264] {strides = array<i32>} : memref<16x128xf32, #tpu.memory_space<vmem>>, vector<16xf32>,
      tpu.vector_store %arg12[%swap3A_263, %swap3A_264], %broadcast_in_dim3A_262 {strides = array<i32>} : memref<16x128xf32, #tpu.memory_space<vmem>>, vector<16xf32>,
      %broadcast_in_dim3A_266 = arith.constant 0.000000e+00 : f32
      %broadcast_in_dim3A_267 = vector.broadcast %broadcast_in_dim3A_266 : f32 to vector<16xf32>
      %swap3A_268 = arith.index_cast %scan3A_257 : i32 to index
      %swap3A_269 = arith.constant 32 : index
      %swap3A_270 = tpu.vector_load %arg12[%swap3A_268, %swap3A_269] {strides = array<i32>} : memref<16x128xf32, #tpu.memory_space<vmem>>, vector<16xf32>,
      tpu.vector_store %arg12[%swap3A_268, %swap3A_269], %broadcast_in_dim3A_267 {strides = array<i32>} : memref<16x128xf32, #tpu.memory_space<vmem>>, vector<16xf32>,
      %broadcast_in_dim3A_271 = arith.constant 0.000000e+00 : f32
      %broadcast_in_dim3A_272 = vector.broadcast %broadcast_in_dim3A_271 : f32 to vector<16xf32>
      %swap3A_273 = arith.index_cast %scan3A_257 : i32 to index
      %swap3A_274 = arith.constant 48 : index
      %swap3A_275 = tpu.vector_load %arg12[%swap3A_273, %swap3A_274] {strides = array<i32>} : memref<16x128xf32, #tpu.memory_space<vmem>>, vector<16xf32>,
      tpu.vector_store %arg12[%swap3A_273, %swap3A_274], %broadcast_in_dim3A_272 {strides = array<i32>} : memref<16x128xf32, #tpu.memory_space<vmem>>, vector<16xf32>,
      %broadcast_in_dim3A_276 = arith.constant 0.000000e+00 : f32
      %broadcast_in_dim3A_277 = vector.broadcast %broadcast_in_dim3A_276 : f32 to vector<16xf32>
      %swap3A_278 = arith.index_cast %scan3A_257 : i32 to index
      %swap3A_279 = arith.constant 64 : index
      %swap3A_280 = tpu.vector_load %arg12[%swap3A_278, %swap3A_279] {strides = array<i32>} : memref<16x128xf32, #tpu.memory_space<vmem>>, vector<16xf32>,
      tpu.vector_store %arg12[%swap3A_278, %swap3A_279], %broadcast_in_dim3A_277 {strides = array<i32>} : memref<16x128xf32, #tpu.memory_space<vmem>>, vector<16xf32>,
      %broadcast_in_dim3A_281 = arith.constant 0.000000e+00 : f32
      %broadcast_in_dim3A_282 = vector.broadcast %broadcast_in_dim3A_281 : f32 to vector<16xf32>
      %swap3A_283 = arith.index_cast %scan3A_257 : i32 to index
      %swap3A_284 = arith.constant 80 : index
      %swap3A_285 = tpu.vector_load %arg12[%swap3A_283, %swap3A_284] {strides = array<i32>} : memref<16x128xf32, #tpu.memory_space<vmem>>, vector<16xf32>,
      tpu.vector_store %arg12[%swap3A_283, %swap3A_284], %broadcast_in_dim3A_282 {strides = array<i32>} : memref<16x128xf32, #tpu.memory_space<vmem>>, vector<16xf32>,
      %broadcast_in_dim3A_286 = arith.constant 0.000000e+00 : f32
      %broadcast_in_dim3A_287 = vector.broadcast %broadcast_in_dim3A_286 : f32 to vector<16xf32>
      %swap3A_288 = arith.index_cast %scan3A_257 : i32 to index
      %swap3A_289 = arith.constant 96 : index
      %swap3A_290 = tpu.vector_load %arg12[%swap3A_288, %swap3A_289] {strides = array<i32>} : memref<16x128xf32, #tpu.memory_space<vmem>>, vector<16xf32>,
      tpu.vector_store %arg12[%swap3A_288, %swap3A_289], %broadcast_in_dim3A_287 {strides = array<i32>} : memref<16x128xf32, #tpu.memory_space<vmem>>, vector<16xf32>,
      %broadcast_in_dim3A_291 = arith.constant 0.000000e+00 : f32
      %broadcast_in_dim3A_292 = vector.broadcast %broadcast_in_dim3A_291 : f32 to vector<16xf32>
      %swap3A_293 = arith.index_cast %scan3A_257 : i32 to index
      %swap3A_294 = arith.constant 112 : index
      %swap3A_295 = tpu.vector_load %arg12[%swap3A_293, %swap3A_294] {strides = array<i32>} : memref<16x128xf32, #tpu.memory_space<vmem>>, vector<16xf32>,
      tpu.vector_store %arg12[%swap3A_293, %swap3A_294], %broadcast_in_dim3A_292 {strides = array<i32>} : memref<16x128xf32, #tpu.memory_space<vmem>>, vector<16xf32>,
    }
    %scan3A_5 = arith.constant 16 : i32
    %mul3A_6 = arith.constant 624 : i32
    %mul3A_7 = arith.muli %arg1, %mul3A_6 : i32
    %add3A_8 = arith.constant 0 : i32
    %add3A_9 = arith.addi %mul3A_7, %add3A_8 : i32
    "tpu.region"() ({
      %run_scoped3A_257 = tpu.sem_alloc : memref<!tpu.dma_semaphore, #tpu.memory_space<semaphore_mem>>
      %dma_start3A_258 = arith.constant 0 : i32
      %dma_start3A_259 = tpu.memref_slice %arg5[%add3A_9, %dma_start3A_258] : memref<10000x128xf32, #tpu.memory_space<vmem_shared>> -> memref<16x128xf32, #tpu.memory_space<vmem_shared>>
      %dma_start3A_260 = arith.constant 0 : i32
      %dma_start3A_261 = tpu.memref_slice %arg5[%add3A_9, %dma_start3A_260] : memref<10000x128xf32, #tpu.memory_space<vmem_shared>> -> memref<16x128xf32, #tpu.memory_space<vmem_shared>>
      tpu.enqueue_dma source(%arg12 : memref<16x128xf32, #tpu.memory_space<vmem>>) target(%dma_start3A_261 : memref<16x128xf32, #tpu.memory_space<vmem_shared>>) target_semaphore(%run_scoped3A_257 : memref<!tpu.dma_semaphore, #tpu.memory_space<semaphore_mem>>)
      %dma_wait3A_262 = arith.constant 0 : i32
      %dma_wait3A_263 = tpu.memref_slice %arg5[%add3A_9, %dma_wait3A_262] : memref<10000x128xf32, #tpu.memory_space<vmem_shared>> -> memref<16x128xf32, #tpu.memory_space<vmem_shared>>
      %dma_wait3A_264 = arith.constant 0 : i32
      %dma_wait3A_265 = tpu.memref_slice %arg5[%add3A_9, %dma_wait3A_264] : memref<10000x128xf32, #tpu.memory_space<vmem_shared>> -> memref<16x128xf32, #tpu.memory_space<vmem_shared>>
      tpu.wait_dma2 semaphore(%run_scoped3A_257 : memref<!tpu.dma_semaphore, #tpu.memory_space<semaphore_mem>>) src(%arg12 : memref<16x128xf32, #tpu.memory_space<vmem>>) dst(%dma_wait3A_265 : memref<16x128xf32, #tpu.memory_space<vmem_shared>>)
      tpu.yield
    }) : () -> ()
    %mul3A_10 = arith.constant 624 : i32
    %mul3A_11 = arith.muli %arg1, %mul3A_10 : i32
    %add3A_12 = arith.constant 16 : i32
    %add3A_13 = arith.addi %mul3A_11, %add3A_12 : i32
    "tpu.region"() ({
      %run_scoped3A_257 = tpu.sem_alloc : memref<!tpu.dma_semaphore, #tpu.memory_space<semaphore_mem>>
      %dma_start3A_258 = arith.constant 0 : i32
      %dma_start3A_259 = tpu.memref_slice %arg5[%add3A_13, %dma_start3A_258] : memref<10000x128xf32, #tpu.memory_space<vmem_shared>> -> memref<16x128xf32, #tpu.memory_space<vmem_shared>>
      %dma_start3A_260 = arith.constant 0 : i32
      %dma_start3A_261 = tpu.memref_slice %arg5[%add3A_13, %dma_start3A_260] : memref<10000x128xf32, #tpu.memory_space<vmem_shared>> -> memref<16x128xf32, #tpu.memory_space<vmem_shared>>
      tpu.enqueue_dma source(%arg12 : memref<16x128xf32, #tpu.memory_space<vmem>>) target(%dma_start3A_261 : memref<16x128xf32, #tpu.memory_space<vmem_shared>>) target_semaphore(%run_scoped3A_257 : memref<!tpu.dma_semaphore, #tpu.memory_space<semaphore_mem>>)
      %dma_wait3A_262 = arith.constant 0 : i32
      %dma_wait3A_263 = tpu.memref_slice %arg5[%add3A_13, %dma_wait3A_262] : memref<10000x128xf32, #tpu.memory_space<vmem_shared>> -> memref<16x128xf32, #tpu.memory_space<vmem_shared>>
      %dma_wait3A_264 = arith.constant 0 : i32
      %dma_wait3A_265 = tpu.memref_slice %arg5[%add3A_13, %dma_wait3A_264] : memref<10000x128xf32, #tpu.memory_space<vmem_shared>> -> memref<16x128xf32, #tpu.memory_space<vmem_shared>>
      tpu.wait_dma2 semaphore(%run_scoped3A_257 : memref<!tpu.dma_semaphore, #tpu.memory_space<semaphore_mem>>) src(%arg12 : memref<16x128xf32, #tpu.memory_space<vmem>>) dst(%dma_wait3A_265 : memref<16x128xf32, #tpu.memory_space<vmem_shared>>)
      tpu.yield
    }) : () -> ()
    %mul3A_14 = arith.constant 624 : i32
    %mul3A_15 = arith.muli %arg1, %mul3A_14 : i32
    %add3A_16 = arith.constant 32 : i32
    %add3A_17 = arith.addi %mul3A_15, %add3A_16 : i32
    "tpu.region"() ({
      %run_scoped3A_257 = tpu.sem_alloc : memref<!tpu.dma_semaphore, #tpu.memory_space<semaphore_mem>>
      %dma_start3A_258 = arith.constant 0 : i32
      %dma_start3A_259 = tpu.memref_slice %arg5[%add3A_17, %dma_start3A_258] : memref<10000x128xf32, #tpu.memory_space<vmem_shared>> -> memref<16x128xf32, #tpu.memory_space<vmem_shared>>
      %dma_start3A_260 = arith.constant 0 : i32
      %dma_start3A_261 = tpu.memref_slice %arg5[%add3A_17, %dma_start3A_260] : memref<10000x128xf32, #tpu.memory_space<vmem_shared>> -> memref<16x128xf32, #tpu.memory_space<vmem_shared>>
      tpu.enqueue_dma source(%arg12 : memref<16x128xf32, #tpu.memory_space<vmem>>) target(%dma_start3A_261 : memref<16x128xf32, #tpu.memory_space<vmem_shared>>) target_semaphore(%run_scoped3A_257 : memref<!tpu.dma_semaphore, #tpu.memory_space<semaphore_mem>>)
      %dma_wait3A_262 = arith.constant 0 : i32
      %dma_wait3A_263 = tpu.memref_slice %arg5[%add3A_17, %dma_wait3A_262] : memref<10000x128xf32, #tpu.memory_space<vmem_shared>> -> memref<16x128xf32, #tpu.memory_space<vmem_shared>>
      %dma_wait3A_264 = arith.constant 0 : i32
      %dma_wait3A_265 = tpu.memref_slice %arg5[%add3A_17, %dma_wait3A_264] : memref<10000x128xf32, #tpu.memory_space<vmem_shared>> -> memref<16x128xf32, #tpu.memory_space<vmem_shared>>
      tpu.wait_dma2 semaphore(%run_scoped3A_257 : memref<!tpu.dma_semaphore, #tpu.memory_space<semaphore_mem>>) src(%arg12 : memref<16x128xf32, #tpu.memory_space<vmem>>) dst(%dma_wait3A_265 : memref<16x128xf32, #tpu.memory_space<vmem_shared>>)
      tpu.yield
    }) : () -> ()
    %mul3A_18 = arith.constant 624 : i32
    %mul3A_19 = arith.muli %arg1, %mul3A_18 : i32
    %add3A_20 = arith.constant 48 : i32
    %add3A_21 = arith.addi %mul3A_19, %add3A_20 : i32
    "tpu.region"() ({
      %run_scoped3A_257 = tpu.sem_alloc : memref<!tpu.dma_semaphore, #tpu.memory_space<semaphore_mem>>
      %dma_start3A_258 = arith.constant 0 : i32
      %dma_start3A_259 = tpu.memref_slice %arg5[%add3A_21, %dma_start3A_258] : memref<10000x128xf32, #tpu.memory_space<vmem_shared>> -> memref<16x128xf32, #tpu.memory_space<vmem_shared>>
      %dma_start3A_260 = arith.constant 0 : i32
      %dma_start3A_261 = tpu.memref_slice %arg5[%add3A_21, %dma_start3A_260] : memref<10000x128xf32, #tpu.memory_space<vmem_shared>> -> memref<16x128xf32, #tpu.memory_space<vmem_shared>>
      tpu.enqueue_dma source(%arg12 : memref<16x128xf32, #tpu.memory_space<vmem>>) target(%dma_start3A_261 : memref<16x128xf32, #tpu.memory_space<vmem_shared>>) target_semaphore(%run_scoped3A_257 : memref<!tpu.dma_semaphore, #tpu.memory_space<semaphore_mem>>)
      %dma_wait3A_262 = arith.constant 0 : i32
      %dma_wait3A_263 = tpu.memref_slice %arg5[%add3A_21, %dma_wait3A_262] : memref<10000x128xf32, #tpu.memory_space<vmem_shared>> -> memref<16x128xf32, #tpu.memory_space<vmem_shared>>
      %dma_wait3A_264 = arith.constant 0 : i32
      %dma_wait3A_265 = tpu.memref_slice %arg5[%add3A_21, %dma_wait3A_264] : memref<10000x128xf32, #tpu.memory_space<vmem_shared>> -> memref<16x128xf32, #tpu.memory_space<vmem_shared>>
      tpu.wait_dma2 semaphore(%run_scoped3A_257 : memref<!tpu.dma_semaphore, #tpu.memory_space<semaphore_mem>>) src(%arg12 : memref<16x128xf32, #tpu.memory_space<vmem>>) dst(%dma_wait3A_265 : memref<16x128xf32, #tpu.memory_space<vmem_shared>>)
      tpu.yield
    }) : () -> ()
    %mul3A_22 = arith.constant 624 : i32
    %mul3A_23 = arith.muli %arg1, %mul3A_22 : i32
    %add3A_24 = arith.constant 64 : i32
    %add3A_25 = arith.addi %mul3A_23, %add3A_24 : i32
    "tpu.region"() ({
      %run_scoped3A_257 = tpu.sem_alloc : memref<!tpu.dma_semaphore, #tpu.memory_space<semaphore_mem>>
      %dma_start3A_258 = arith.constant 0 : i32
      %dma_start3A_259 = tpu.memref_slice %arg5[%add3A_25, %dma_start3A_258] : memref<10000x128xf32, #tpu.memory_space<vmem_shared>> -> memref<16x128xf32, #tpu.memory_space<vmem_shared>>
      %dma_start3A_260 = arith.constant 0 : i32
      %dma_start3A_261 = tpu.memref_slice %arg5[%add3A_25, %dma_start3A_260] : memref<10000x128xf32, #tpu.memory_space<vmem_shared>> -> memref<16x128xf32, #tpu.memory_space<vmem_shared>>
      tpu.enqueue_dma source(%arg12 : memref<16x128xf32, #tpu.memory_space<vmem>>) target(%dma_start3A_261 : memref<16x128xf32, #tpu.memory_space<vmem_shared>>) target_semaphore(%run_scoped3A_257 : memref<!tpu.dma_semaphore, #tpu.memory_space<semaphore_mem>>)
      %dma_wait3A_262 = arith.constant 0 : i32
      %dma_wait3A_263 = tpu.memref_slice %arg5[%add3A_25, %dma_wait3A_262] : memref<10000x128xf32, #tpu.memory_space<vmem_shared>> -> memref<16x128xf32, #tpu.memory_space<vmem_shared>>
      %dma_wait3A_264 = arith.constant 0 : i32
      %dma_wait3A_265 = tpu.memref_slice %arg5[%add3A_25, %dma_wait3A_264] : memref<10000x128xf32, #tpu.memory_space<vmem_shared>> -> memref<16x128xf32, #tpu.memory_space<vmem_shared>>
      tpu.wait_dma2 semaphore(%run_scoped3A_257 : memref<!tpu.dma_semaphore, #tpu.memory_space<semaphore_mem>>) src(%arg12 : memref<16x128xf32, #tpu.memory_space<vmem>>) dst(%dma_wait3A_265 : memref<16x128xf32, #tpu.memory_space<vmem_shared>>)
      tpu.yield
    }) : () -> ()
    %mul3A_26 = arith.constant 624 : i32
    %mul3A_27 = arith.muli %arg1, %mul3A_26 : i32
    %add3A_28 = arith.constant 80 : i32
    %add3A_29 = arith.addi %mul3A_27, %add3A_28 : i32
    "tpu.region"() ({
      %run_scoped3A_257 = tpu.sem_alloc : memref<!tpu.dma_semaphore, #tpu.memory_space<semaphore_mem>>
      %dma_start3A_258 = arith.constant 0 : i32
      %dma_start3A_259 = tpu.memref_slice %arg5[%add3A_29, %dma_start3A_258] : memref<10000x128xf32, #tpu.memory_space<vmem_shared>> -> memref<16x128xf32, #tpu.memory_space<vmem_shared>>
      %dma_start3A_260 = arith.constant 0 : i32
      %dma_start3A_261 = tpu.memref_slice %arg5[%add3A_29, %dma_start3A_260] : memref<10000x128xf32, #tpu.memory_space<vmem_shared>> -> memref<16x128xf32, #tpu.memory_space<vmem_shared>>
      tpu.enqueue_dma source(%arg12 : memref<16x128xf32, #tpu.memory_space<vmem>>) target(%dma_start3A_261 : memref<16x128xf32, #tpu.memory_space<vmem_shared>>) target_semaphore(%run_scoped3A_257 : memref<!tpu.dma_semaphore, #tpu.memory_space<semaphore_mem>>)
      %dma_wait3A_262 = arith.constant 0 : i32
      %dma_wait3A_263 = tpu.memref_slice %arg5[%add3A_29, %dma_wait3A_262] : memref<10000x128xf32, #tpu.memory_space<vmem_shared>> -> memref<16x128xf32, #tpu.memory_space<vmem_shared>>
      %dma_wait3A_264 = arith.constant 0 : i32
      %dma_wait3A_265 = tpu.memref_slice %arg5[%add3A_29, %dma_wait3A_264] : memref<10000x128xf32, #tpu.memory_space<vmem_shared>> -> memref<16x128xf32, #tpu.memory_space<vmem_shared>>
      tpu.wait_dma2 semaphore(%run_scoped3A_257 : memref<!tpu.dma_semaphore, #tpu.memory_space<semaphore_mem>>) src(%arg12 : memref<16x128xf32, #tpu.memory_space<vmem>>) dst(%dma_wait3A_265 : memref<16x128xf32, #tpu.memory_space<vmem_shared>>)
      tpu.yield
    }) : () -> ()
    %mul3A_30 = arith.constant 624 : i32
    %mul3A_31 = arith.muli %arg1, %mul3A_30 : i32
    %add3A_32 = arith.constant 96 : i32
    %add3A_33 = arith.addi %mul3A_31, %add3A_32 : i32
    "tpu.region"() ({
      %run_scoped3A_257 = tpu.sem_alloc : memref<!tpu.dma_semaphore, #tpu.memory_space<semaphore_mem>>
      %dma_start3A_258 = arith.constant 0 : i32
      %dma_start3A_259 = tpu.memref_slice %arg5[%add3A_33, %dma_start3A_258] : memref<10000x128xf32, #tpu.memory_space<vmem_shared>> -> memref<16x128xf32, #tpu.memory_space<vmem_shared>>
      %dma_start3A_260 = arith.constant 0 : i32
      %dma_start3A_261 = tpu.memref_slice %arg5[%add3A_33, %dma_start3A_260] : memref<10000x128xf32, #tpu.memory_space<vmem_shared>> -> memref<16x128xf32, #tpu.memory_space<vmem_shared>>
      tpu.enqueue_dma source(%arg12 : memref<16x128xf32, #tpu.memory_space<vmem>>) target(%dma_start3A_261 : memref<16x128xf32, #tpu.memory_space<vmem_shared>>) target_semaphore(%run_scoped3A_257 : memref<!tpu.dma_semaphore, #tpu.memory_space<semaphore_mem>>)
      %dma_wait3A_262 = arith.constant 0 : i32
      %dma_wait3A_263 = tpu.memref_slice %arg5[%add3A_33, %dma_wait3A_262] : memref<10000x128xf32, #tpu.memory_space<vmem_shared>> -> memref<16x128xf32, #tpu.memory_space<vmem_shared>>
      %dma_wait3A_264 = arith.constant 0 : i32
      %dma_wait3A_265 = tpu.memref_slice %arg5[%add3A_33, %dma_wait3A_264] : memref<10000x128xf32, #tpu.memory_space<vmem_shared>> -> memref<16x128xf32, #tpu.memory_space<vmem_shared>>
      tpu.wait_dma2 semaphore(%run_scoped3A_257 : memref<!tpu.dma_semaphore, #tpu.memory_space<semaphore_mem>>) src(%arg12 : memref<16x128xf32, #tpu.memory_space<vmem>>) dst(%dma_wait3A_265 : memref<16x128xf32, #tpu.memory_space<vmem_shared>>)
      tpu.yield
    }) : () -> ()
    %mul3A_34 = arith.constant 624 : i32
    %mul3A_35 = arith.muli %arg1, %mul3A_34 : i32
    %add3A_36 = arith.constant 112 : i32
    %add3A_37 = arith.addi %mul3A_35, %add3A_36 : i32
    "tpu.region"() ({
      %run_scoped3A_257 = tpu.sem_alloc : memref<!tpu.dma_semaphore, #tpu.memory_space<semaphore_mem>>
      %dma_start3A_258 = arith.constant 0 : i32
      %dma_start3A_259 = tpu.memref_slice %arg5[%add3A_37, %dma_start3A_258] : memref<10000x128xf32, #tpu.memory_space<vmem_shared>> -> memref<16x128xf32, #tpu.memory_space<vmem_shared>>
      %dma_start3A_260 = arith.constant 0 : i32
      %dma_start3A_261 = tpu.memref_slice %arg5[%add3A_37, %dma_start3A_260] : memref<10000x128xf32, #tpu.memory_space<vmem_shared>> -> memref<16x128xf32, #tpu.memory_space<vmem_shared>>
      tpu.enqueue_dma source(%arg12 : memref<16x128xf32, #tpu.memory_space<vmem>>) target(%dma_start3A_261 : memref<16x128xf32, #tpu.memory_space<vmem_shared>>) target_semaphore(%run_scoped3A_257 : memref<!tpu.dma_semaphore, #tpu.memory_space<semaphore_mem>>)
      %dma_wait3A_262 = arith.constant 0 : i32
      %dma_wait3A_263 = tpu.memref_slice %arg5[%add3A_37, %dma_wait3A_262] : memref<10000x128xf32, #tpu.memory_space<vmem_shared>> -> memref<16x128xf32, #tpu.memory_space<vmem_shared>>
      %dma_wait3A_264 = arith.constant 0 : i32
      %dma_wait3A_265 = tpu.memref_slice %arg5[%add3A_37, %dma_wait3A_264] : memref<10000x128xf32, #tpu.memory_space<vmem_shared>> -> memref<16x128xf32, #tpu.memory_space<vmem_shared>>
      tpu.wait_dma2 semaphore(%run_scoped3A_257 : memref<!tpu.dma_semaphore, #tpu.memory_space<semaphore_mem>>) src(%arg12 : memref<16x128xf32, #tpu.memory_space<vmem>>) dst(%dma_wait3A_265 : memref<16x128xf32, #tpu.memory_space<vmem_shared>>)
      tpu.yield
    }) : () -> ()
    %mul3A_38 = arith.constant 624 : i32
    %mul3A_39 = arith.muli %arg1, %mul3A_38 : i32
    %add3A_40 = arith.constant 128 : i32
    %add3A_41 = arith.addi %mul3A_39, %add3A_40 : i32
    "tpu.region"() ({
      %run_scoped3A_257 = tpu.sem_alloc : memref<!tpu.dma_semaphore, #tpu.memory_space<semaphore_mem>>
      %dma_start3A_258 = arith.constant 0 : i32
      %dma_start3A_259 = tpu.memref_slice %arg5[%add3A_41, %dma_start3A_258] : memref<10000x128xf32, #tpu.memory_space<vmem_shared>> -> memref<16x128xf32, #tpu.memory_space<vmem_shared>>
      %dma_start3A_260 = arith.constant 0 : i32
      %dma_start3A_261 = tpu.memref_slice %arg5[%add3A_41, %dma_start3A_260] : memref<10000x128xf32, #tpu.memory_space<vmem_shared>> -> memref<16x128xf32, #tpu.memory_space<vmem_shared>>
      tpu.enqueue_dma source(%arg12 : memref<16x128xf32, #tpu.memory_space<vmem>>) target(%dma_start3A_261 : memref<16x128xf32, #tpu.memory_space<vmem_shared>>) target_semaphore(%run_scoped3A_257 : memref<!tpu.dma_semaphore, #tpu.memory_space<semaphore_mem>>)
      %dma_wait3A_262 = arith.constant 0 : i32
      %dma_wait3A_263 = tpu.memref_slice %arg5[%add3A_41, %dma_wait3A_262] : memref<10000x128xf32, #tpu.memory_space<vmem_shared>> -> memref<16x128xf32, #tpu.memory_space<vmem_shared>>
      %dma_wait3A_264 = arith.constant 0 : i32
      %dma_wait3A_265 = tpu.memref_slice %arg5[%add3A_41, %dma_wait3A_264] : memref<10000x128xf32, #tpu.memory_space<vmem_shared>> -> memref<16x128xf32, #tpu.memory_space<vmem_shared>>
      tpu.wait_dma2 semaphore(%run_scoped3A_257 : memref<!tpu.dma_semaphore, #tpu.memory_space<semaphore_mem>>) src(%arg12 : memref<16x128xf32, #tpu.memory_space<vmem>>) dst(%dma_wait3A_265 : memref<16x128xf32, #tpu.memory_space<vmem_shared>>)
      tpu.yield
    }) : () -> ()
    %mul3A_42 = arith.constant 624 : i32
    %mul3A_43 = arith.muli %arg1, %mul3A_42 : i32
    %add3A_44 = arith.constant 144 : i32
    %add3A_45 = arith.addi %mul3A_43, %add3A_44 : i32
    "tpu.region"() ({
      %run_scoped3A_257 = tpu.sem_alloc : memref<!tpu.dma_semaphore, #tpu.memory_space<semaphore_mem>>
      %dma_start3A_258 = arith.constant 0 : i32
      %dma_start3A_259 = tpu.memref_slice %arg5[%add3A_45, %dma_start3A_258] : memref<10000x128xf32, #tpu.memory_space<vmem_shared>> -> memref<16x128xf32, #tpu.memory_space<vmem_shared>>
      %dma_start3A_260 = arith.constant 0 : i32
      %dma_start3A_261 = tpu.memref_slice %arg5[%add3A_45, %dma_start3A_260] : memref<10000x128xf32, #tpu.memory_space<vmem_shared>> -> memref<16x128xf32, #tpu.memory_space<vmem_shared>>
      tpu.enqueue_dma source(%arg12 : memref<16x128xf32, #tpu.memory_space<vmem>>) target(%dma_start3A_261 : memref<16x128xf32, #tpu.memory_space<vmem_shared>>) target_semaphore(%run_scoped3A_257 : memref<!tpu.dma_semaphore, #tpu.memory_space<semaphore_mem>>)
      %dma_wait3A_262 = arith.constant 0 : i32
      %dma_wait3A_263 = tpu.memref_slice %arg5[%add3A_45, %dma_wait3A_262] : memref<10000x128xf32, #tpu.memory_space<vmem_shared>> -> memref<16x128xf32, #tpu.memory_space<vmem_shared>>
      %dma_wait3A_264 = arith.constant 0 : i32
      %dma_wait3A_265 = tpu.memref_slice %arg5[%add3A_45, %dma_wait3A_264] : memref<10000x128xf32, #tpu.memory_space<vmem_shared>> -> memref<16x128xf32, #tpu.memory_space<vmem_shared>>
      tpu.wait_dma2 semaphore(%run_scoped3A_257 : memref<!tpu.dma_semaphore, #tpu.memory_space<semaphore_mem>>) src(%arg12 : memref<16x128xf32, #tpu.memory_space<vmem>>) dst(%dma_wait3A_265 : memref<16x128xf32, #tpu.memory_space<vmem_shared>>)
      tpu.yield
    }) : () -> ()
    %mul3A_46 = arith.constant 624 : i32
    %mul3A_47 = arith.muli %arg1, %mul3A_46 : i32
    %add3A_48 = arith.constant 160 : i32
    %add3A_49 = arith.addi %mul3A_47, %add3A_48 : i32
    "tpu.region"() ({
      %run_scoped3A_257 = tpu.sem_alloc : memref<!tpu.dma_semaphore, #tpu.memory_space<semaphore_mem>>
      %dma_start3A_258 = arith.constant 0 : i32
      %dma_start3A_259 = tpu.memref_slice %arg5[%add3A_49, %dma_start3A_258] : memref<10000x128xf32, #tpu.memory_space<vmem_shared>> -> memref<16x128xf32, #tpu.memory_space<vmem_shared>>
      %dma_start3A_260 = arith.constant 0 : i32
      %dma_start3A_261 = tpu.memref_slice %arg5[%add3A_49, %dma_start3A_260] : memref<10000x128xf32, #tpu.memory_space<vmem_shared>> -> memref<16x128xf32, #tpu.memory_space<vmem_shared>>
      tpu.enqueue_dma source(%arg12 : memref<16x128xf32, #tpu.memory_space<vmem>>) target(%dma_start3A_261 : memref<16x128xf32, #tpu.memory_space<vmem_shared>>) target_semaphore(%run_scoped3A_257 : memref<!tpu.dma_semaphore, #tpu.memory_space<semaphore_mem>>)
      %dma_wait3A_262 = arith.constant 0 : i32
      %dma_wait3A_263 = tpu.memref_slice %arg5[%add3A_49, %dma_wait3A_262] : memref<10000x128xf32, #tpu.memory_space<vmem_shared>> -> memref<16x128xf32, #tpu.memory_space<vmem_shared>>
      %dma_wait3A_264 = arith.constant 0 : i32
      %dma_wait3A_265 = tpu.memref_slice %arg5[%add3A_49, %dma_wait3A_264] : memref<10000x128xf32, #tpu.memory_space<vmem_shared>> -> memref<16x128xf32, #tpu.memory_space<vmem_shared>>
      tpu.wait_dma2 semaphore(%run_scoped3A_257 : memref<!tpu.dma_semaphore, #tpu.memory_space<semaphore_mem>>) src(%arg12 : memref<16x128xf32, #tpu.memory_space<vmem>>) dst(%dma_wait3A_265 : memref<16x128xf32, #tpu.memory_space<vmem_shared>>)
      tpu.yield
    }) : () -> ()
    %mul3A_50 = arith.constant 624 : i32
    %mul3A_51 = arith.muli %arg1, %mul3A_50 : i32
    %add3A_52 = arith.constant 176 : i32
    %add3A_53 = arith.addi %mul3A_51, %add3A_52 : i32
    "tpu.region"() ({
      %run_scoped3A_257 = tpu.sem_alloc : memref<!tpu.dma_semaphore, #tpu.memory_space<semaphore_mem>>
      %dma_start3A_258 = arith.constant 0 : i32
      %dma_start3A_259 = tpu.memref_slice %arg5[%add3A_53, %dma_start3A_258] : memref<10000x128xf32, #tpu.memory_space<vmem_shared>> -> memref<16x128xf32, #tpu.memory_space<vmem_shared>>
      %dma_start3A_260 = arith.constant 0 : i32
      %dma_start3A_261 = tpu.memref_slice %arg5[%add3A_53, %dma_start3A_260] : memref<10000x128xf32, #tpu.memory_space<vmem_shared>> -> memref<16x128xf32, #tpu.memory_space<vmem_shared>>
      tpu.enqueue_dma source(%arg12 : memref<16x128xf32, #tpu.memory_space<vmem>>) target(%dma_start3A_261 : memref<16x128xf32, #tpu.memory_space<vmem_shared>>) target_semaphore(%run_scoped3A_257 : memref<!tpu.dma_semaphore, #tpu.memory_space<semaphore_mem>>)
      %dma_wait3A_262 = arith.constant 0 : i32
      %dma_wait3A_263 = tpu.memref_slice %arg5[%add3A_53, %dma_wait3A_262] : memref<10000x128xf32, #tpu.memory_space<vmem_shared>> -> memref<16x128xf32, #tpu.memory_space<vmem_shared>>
      %dma_wait3A_264 = arith.constant 0 : i32
      %dma_wait3A_265 = tpu.memref_slice %arg5[%add3A_53, %dma_wait3A_264] : memref<10000x128xf32, #tpu.memory_space<vmem_shared>> -> memref<16x128xf32, #tpu.memory_space<vmem_shared>>
      tpu.wait_dma2 semaphore(%run_scoped3A_257 : memref<!tpu.dma_semaphore, #tpu.memory_space<semaphore_mem>>) src(%arg12 : memref<16x128xf32, #tpu.memory_space<vmem>>) dst(%dma_wait3A_265 : memref<16x128xf32, #tpu.memory_space<vmem_shared>>)
      tpu.yield
    }) : () -> ()
    %mul3A_54 = arith.constant 624 : i32
    %mul3A_55 = arith.muli %arg1, %mul3A_54 : i32
    %add3A_56 = arith.constant 192 : i32
    %add3A_57 = arith.addi %mul3A_55, %add3A_56 : i32
    "tpu.region"() ({
      %run_scoped3A_257 = tpu.sem_alloc : memref<!tpu.dma_semaphore, #tpu.memory_space<semaphore_mem>>
      %dma_start3A_258 = arith.constant 0 : i32
      %dma_start3A_259 = tpu.memref_slice %arg5[%add3A_57, %dma_start3A_258] : memref<10000x128xf32, #tpu.memory_space<vmem_shared>> -> memref<16x128xf32, #tpu.memory_space<vmem_shared>>
      %dma_start3A_260 = arith.constant 0 : i32
      %dma_start3A_261 = tpu.memref_slice %arg5[%add3A_57, %dma_start3A_260] : memref<10000x128xf32, #tpu.memory_space<vmem_shared>> -> memref<16x128xf32, #tpu.memory_space<vmem_shared>>
      tpu.enqueue_dma source(%arg12 : memref<16x128xf32, #tpu.memory_space<vmem>>) target(%dma_start3A_261 : memref<16x128xf32, #tpu.memory_space<vmem_shared>>) target_semaphore(%run_scoped3A_257 : memref<!tpu.dma_semaphore, #tpu.memory_space<semaphore_mem>>)
      %dma_wait3A_262 = arith.constant 0 : i32
      %dma_wait3A_263 = tpu.memref_slice %arg5[%add3A_57, %dma_wait3A_262] : memref<10000x128xf32, #tpu.memory_space<vmem_shared>> -> memref<16x128xf32, #tpu.memory_space<vmem_shared>>
      %dma_wait3A_264 = arith.constant 0 : i32
      %dma_wait3A_265 = tpu.memref_slice %arg5[%add3A_57, %dma_wait3A_264] : memref<10000x128xf32, #tpu.memory_space<vmem_shared>> -> memref<16x128xf32, #tpu.memory_space<vmem_shared>>
      tpu.wait_dma2 semaphore(%run_scoped3A_257 : memref<!tpu.dma_semaphore, #tpu.memory_space<semaphore_mem>>) src(%arg12 : memref<16x128xf32, #tpu.memory_space<vmem>>) dst(%dma_wait3A_265 : memref<16x128xf32, #tpu.memory_space<vmem_shared>>)
      tpu.yield
    }) : () -> ()
    %mul3A_58 = arith.constant 624 : i32
    %mul3A_59 = arith.muli %arg1, %mul3A_58 : i32
    %add3A_60 = arith.constant 208 : i32
    %add3A_61 = arith.addi %mul3A_59, %add3A_60 : i32
    "tpu.region"() ({
      %run_scoped3A_257 = tpu.sem_alloc : memref<!tpu.dma_semaphore, #tpu.memory_space<semaphore_mem>>
      %dma_start3A_258 = arith.constant 0 : i32
      %dma_start3A_259 = tpu.memref_slice %arg5[%add3A_61, %dma_start3A_258] : memref<10000x128xf32, #tpu.memory_space<vmem_shared>> -> memref<16x128xf32, #tpu.memory_space<vmem_shared>>
      %dma_start3A_260 = arith.constant 0 : i32
      %dma_start3A_261 = tpu.memref_slice %arg5[%add3A_61, %dma_start3A_260] : memref<10000x128xf32, #tpu.memory_space<vmem_shared>> -> memref<16x128xf32, #tpu.memory_space<vmem_shared>>
      tpu.enqueue_dma source(%arg12 : memref<16x128xf32, #tpu.memory_space<vmem>>) target(%dma_start3A_261 : memref<16x128xf32, #tpu.memory_space<vmem_shared>>) target_semaphore(%run_scoped3A_257 : memref<!tpu.dma_semaphore, #tpu.memory_space<semaphore_mem>>)
      %dma_wait3A_262 = arith.constant 0 : i32
      %dma_wait3A_263 = tpu.memref_slice %arg5[%add3A_61, %dma_wait3A_262] : memref<10000x128xf32, #tpu.memory_space<vmem_shared>> -> memref<16x128xf32, #tpu.memory_space<vmem_shared>>
      %dma_wait3A_264 = arith.constant 0 : i32
      %dma_wait3A_265 = tpu.memref_slice %arg5[%add3A_61, %dma_wait3A_264] : memref<10000x128xf32, #tpu.memory_space<vmem_shared>> -> memref<16x128xf32, #tpu.memory_space<vmem_shared>>
      tpu.wait_dma2 semaphore(%run_scoped3A_257 : memref<!tpu.dma_semaphore, #tpu.memory_space<semaphore_mem>>) src(%arg12 : memref<16x128xf32, #tpu.memory_space<vmem>>) dst(%dma_wait3A_265 : memref<16x128xf32, #tpu.memory_space<vmem_shared>>)
      tpu.yield
    }) : () -> ()
    %mul3A_62 = arith.constant 624 : i32
    %mul3A_63 = arith.muli %arg1, %mul3A_62 : i32
    %add3A_64 = arith.constant 224 : i32
    %add3A_65 = arith.addi %mul3A_63, %add3A_64 : i32
    "tpu.region"() ({
      %run_scoped3A_257 = tpu.sem_alloc : memref<!tpu.dma_semaphore, #tpu.memory_space<semaphore_mem>>
      %dma_start3A_258 = arith.constant 0 : i32
      %dma_start3A_259 = tpu.memref_slice %arg5[%add3A_65, %dma_start3A_258] : memref<10000x128xf32, #tpu.memory_space<vmem_shared>> -> memref<16x128xf32, #tpu.memory_space<vmem_shared>>
      %dma_start3A_260 = arith.constant 0 : i32
      %dma_start3A_261 = tpu.memref_slice %arg5[%add3A_65, %dma_start3A_260] : memref<10000x128xf32, #tpu.memory_space<vmem_shared>> -> memref<16x128xf32, #tpu.memory_space<vmem_shared>>
      tpu.enqueue_dma source(%arg12 : memref<16x128xf32, #tpu.memory_space<vmem>>) target(%dma_start3A_261 : memref<16x128xf32, #tpu.memory_space<vmem_shared>>) target_semaphore(%run_scoped3A_257 : memref<!tpu.dma_semaphore, #tpu.memory_space<semaphore_mem>>)
      %dma_wait3A_262 = arith.constant 0 : i32
      %dma_wait3A_263 = tpu.memref_slice %arg5[%add3A_65, %dma_wait3A_262] : memref<10000x128xf32, #tpu.memory_space<vmem_shared>> -> memref<16x128xf32, #tpu.memory_space<vmem_shared>>
      %dma_wait3A_264 = arith.constant 0 : i32
      %dma_wait3A_265 = tpu.memref_slice %arg5[%add3A_65, %dma_wait3A_264] : memref<10000x128xf32, #tpu.memory_space<vmem_shared>> -> memref<16x128xf32, #tpu.memory_space<vmem_shared>>
      tpu.wait_dma2 semaphore(%run_scoped3A_257 : memref<!tpu.dma_semaphore, #tpu.memory_space<semaphore_mem>>) src(%arg12 : memref<16x128xf32, #tpu.memory_space<vmem>>) dst(%dma_wait3A_265 : memref<16x128xf32, #tpu.memory_space<vmem_shared>>)
      tpu.yield
    }) : () -> ()
    %mul3A_66 = arith.constant 624 : i32
    %mul3A_67 = arith.muli %arg1, %mul3A_66 : i32
    %add3A_68 = arith.constant 240 : i32
    %add3A_69 = arith.addi %mul3A_67, %add3A_68 : i32
    "tpu.region"() ({
      %run_scoped3A_257 = tpu.sem_alloc : memref<!tpu.dma_semaphore, #tpu.memory_space<semaphore_mem>>
      %dma_start3A_258 = arith.constant 0 : i32
      %dma_start3A_259 = tpu.memref_slice %arg5[%add3A_69, %dma_start3A_258] : memref<10000x128xf32, #tpu.memory_space<vmem_shared>> -> memref<16x128xf32, #tpu.memory_space<vmem_shared>>
      %dma_start3A_260 = arith.constant 0 : i32
      %dma_start3A_261 = tpu.memref_slice %arg5[%add3A_69, %dma_start3A_260] : memref<10000x128xf32, #tpu.memory_space<vmem_shared>> -> memref<16x128xf32, #tpu.memory_space<vmem_shared>>
      tpu.enqueue_dma source(%arg12 : memref<16x128xf32, #tpu.memory_space<vmem>>) target(%dma_start3A_261 : memref<16x128xf32, #tpu.memory_space<vmem_shared>>) target_semaphore(%run_scoped3A_257 : memref<!tpu.dma_semaphore, #tpu.memory_space<semaphore_mem>>)
      %dma_wait3A_262 = arith.constant 0 : i32
      %dma_wait3A_263 = tpu.memref_slice %arg5[%add3A_69, %dma_wait3A_262] : memref<10000x128xf32, #tpu.memory_space<vmem_shared>> -> memref<16x128xf32, #tpu.memory_space<vmem_shared>>
      %dma_wait3A_264 = arith.constant 0 : i32
      %dma_wait3A_265 = tpu.memref_slice %arg5[%add3A_69, %dma_wait3A_264] : memref<10000x128xf32, #tpu.memory_space<vmem_shared>> -> memref<16x128xf32, #tpu.memory_space<vmem_shared>>
      tpu.wait_dma2 semaphore(%run_scoped3A_257 : memref<!tpu.dma_semaphore, #tpu.memory_space<semaphore_mem>>) src(%arg12 : memref<16x128xf32, #tpu.memory_space<vmem>>) dst(%dma_wait3A_265 : memref<16x128xf32, #tpu.memory_space<vmem_shared>>)
      tpu.yield
    }) : () -> ()
    %mul3A_70 = arith.constant 624 : i32
    %mul3A_71 = arith.muli %arg1, %mul3A_70 : i32
    %add3A_72 = arith.constant 256 : i32
    %add3A_73 = arith.addi %mul3A_71, %add3A_72 : i32
    "tpu.region"() ({
      %run_scoped3A_257 = tpu.sem_alloc : memref<!tpu.dma_semaphore, #tpu.memory_space<semaphore_mem>>
      %dma_start3A_258 = arith.constant 0 : i32
      %dma_start3A_259 = tpu.memref_slice %arg5[%add3A_73, %dma_start3A_258] : memref<10000x128xf32, #tpu.memory_space<vmem_shared>> -> memref<16x128xf32, #tpu.memory_space<vmem_shared>>
      %dma_start3A_260 = arith.constant 0 : i32
      %dma_start3A_261 = tpu.memref_slice %arg5[%add3A_73, %dma_start3A_260] : memref<10000x128xf32, #tpu.memory_space<vmem_shared>> -> memref<16x128xf32, #tpu.memory_space<vmem_shared>>
      tpu.enqueue_dma source(%arg12 : memref<16x128xf32, #tpu.memory_space<vmem>>) target(%dma_start3A_261 : memref<16x128xf32, #tpu.memory_space<vmem_shared>>) target_semaphore(%run_scoped3A_257 : memref<!tpu.dma_semaphore, #tpu.memory_space<semaphore_mem>>)
      %dma_wait3A_262 = arith.constant 0 : i32
      %dma_wait3A_263 = tpu.memref_slice %arg5[%add3A_73, %dma_wait3A_262] : memref<10000x128xf32, #tpu.memory_space<vmem_shared>> -> memref<16x128xf32, #tpu.memory_space<vmem_shared>>
      %dma_wait3A_264 = arith.constant 0 : i32
      %dma_wait3A_265 = tpu.memref_slice %arg5[%add3A_73, %dma_wait3A_264] : memref<10000x128xf32, #tpu.memory_space<vmem_shared>> -> memref<16x128xf32, #tpu.memory_space<vmem_shared>>
      tpu.wait_dma2 semaphore(%run_scoped3A_257 : memref<!tpu.dma_semaphore, #tpu.memory_space<semaphore_mem>>) src(%arg12 : memref<16x128xf32, #tpu.memory_space<vmem>>) dst(%dma_wait3A_265 : memref<16x128xf32, #tpu.memory_space<vmem_shared>>)
      tpu.yield
    }) : () -> ()
    %mul3A_74 = arith.constant 624 : i32
    %mul3A_75 = arith.muli %arg1, %mul3A_74 : i32
    %add3A_76 = arith.constant 272 : i32
    %add3A_77 = arith.addi %mul3A_75, %add3A_76 : i32
    "tpu.region"() ({
      %run_scoped3A_257 = tpu.sem_alloc : memref<!tpu.dma_semaphore, #tpu.memory_space<semaphore_mem>>
      %dma_start3A_258 = arith.constant 0 : i32
      %dma_start3A_259 = tpu.memref_slice %arg5[%add3A_77, %dma_start3A_258] : memref<10000x128xf32, #tpu.memory_space<vmem_shared>> -> memref<16x128xf32, #tpu.memory_space<vmem_shared>>
      %dma_start3A_260 = arith.constant 0 : i32
      %dma_start3A_261 = tpu.memref_slice %arg5[%add3A_77, %dma_start3A_260] : memref<10000x128xf32, #tpu.memory_space<vmem_shared>> -> memref<16x128xf32, #tpu.memory_space<vmem_shared>>
      tpu.enqueue_dma source(%arg12 : memref<16x128xf32, #tpu.memory_space<vmem>>) target(%dma_start3A_261 : memref<16x128xf32, #tpu.memory_space<vmem_shared>>) target_semaphore(%run_scoped3A_257 : memref<!tpu.dma_semaphore, #tpu.memory_space<semaphore_mem>>)
      %dma_wait3A_262 = arith.constant 0 : i32
      %dma_wait3A_263 = tpu.memref_slice %arg5[%add3A_77, %dma_wait3A_262] : memref<10000x128xf32, #tpu.memory_space<vmem_shared>> -> memref<16x128xf32, #tpu.memory_space<vmem_shared>>
      %dma_wait3A_264 = arith.constant 0 : i32
      %dma_wait3A_265 = tpu.memref_slice %arg5[%add3A_77, %dma_wait3A_264] : memref<10000x128xf32, #tpu.memory_space<vmem_shared>> -> memref<16x128xf32, #tpu.memory_space<vmem_shared>>
      tpu.wait_dma2 semaphore(%run_scoped3A_257 : memref<!tpu.dma_semaphore, #tpu.memory_space<semaphore_mem>>) src(%arg12 : memref<16x128xf32, #tpu.memory_space<vmem>>) dst(%dma_wait3A_265 : memref<16x128xf32, #tpu.memory_space<vmem_shared>>)
      tpu.yield
    }) : () -> ()
    %mul3A_78 = arith.constant 624 : i32
    %mul3A_79 = arith.muli %arg1, %mul3A_78 : i32
    %add3A_80 = arith.constant 288 : i32
    %add3A_81 = arith.addi %mul3A_79, %add3A_80 : i32
    "tpu.region"() ({
      %run_scoped3A_257 = tpu.sem_alloc : memref<!tpu.dma_semaphore, #tpu.memory_space<semaphore_mem>>
      %dma_start3A_258 = arith.constant 0 : i32
      %dma_start3A_259 = tpu.memref_slice %arg5[%add3A_81, %dma_start3A_258] : memref<10000x128xf32, #tpu.memory_space<vmem_shared>> -> memref<16x128xf32, #tpu.memory_space<vmem_shared>>
      %dma_start3A_260 = arith.constant 0 : i32
      %dma_start3A_261 = tpu.memref_slice %arg5[%add3A_81, %dma_start3A_260] : memref<10000x128xf32, #tpu.memory_space<vmem_shared>> -> memref<16x128xf32, #tpu.memory_space<vmem_shared>>
      tpu.enqueue_dma source(%arg12 : memref<16x128xf32, #tpu.memory_space<vmem>>) target(%dma_start3A_261 : memref<16x128xf32, #tpu.memory_space<vmem_shared>>) target_semaphore(%run_scoped3A_257 : memref<!tpu.dma_semaphore, #tpu.memory_space<semaphore_mem>>)
      %dma_wait3A_262 = arith.constant 0 : i32
      %dma_wait3A_263 = tpu.memref_slice %arg5[%add3A_81, %dma_wait3A_262] : memref<10000x128xf32, #tpu.memory_space<vmem_shared>> -> memref<16x128xf32, #tpu.memory_space<vmem_shared>>
      %dma_wait3A_264 = arith.constant 0 : i32
      %dma_wait3A_265 = tpu.memref_slice %arg5[%add3A_81, %dma_wait3A_264] : memref<10000x128xf32, #tpu.memory_space<vmem_shared>> -> memref<16x128xf32, #tpu.memory_space<vmem_shared>>
      tpu.wait_dma2 semaphore(%run_scoped3A_257 : memref<!tpu.dma_semaphore, #tpu.memory_space<semaphore_mem>>) src(%arg12 : memref<16x128xf32, #tpu.memory_space<vmem>>) dst(%dma_wait3A_265 : memref<16x128xf32, #tpu.memory_space<vmem_shared>>)
      tpu.yield
    }) : () -> ()
    %mul3A_82 = arith.constant 624 : i32
    %mul3A_83 = arith.muli %arg1, %mul3A_82 : i32
    %add3A_84 = arith.constant 304 : i32
    %add3A_85 = arith.addi %mul3A_83, %add3A_84 : i32
    "tpu.region"() ({
      %run_scoped3A_257 = tpu.sem_alloc : memref<!tpu.dma_semaphore, #tpu.memory_space<semaphore_mem>>
      %dma_start3A_258 = arith.constant 0 : i32
      %dma_start3A_259 = tpu.memref_slice %arg5[%add3A_85, %dma_start3A_258] : memref<10000x128xf32, #tpu.memory_space<vmem_shared>> -> memref<16x128xf32, #tpu.memory_space<vmem_shared>>
      %dma_start3A_260 = arith.constant 0 : i32
      %dma_start3A_261 = tpu.memref_slice %arg5[%add3A_85, %dma_start3A_260] : memref<10000x128xf32, #tpu.memory_space<vmem_shared>> -> memref<16x128xf32, #tpu.memory_space<vmem_shared>>
      tpu.enqueue_dma source(%arg12 : memref<16x128xf32, #tpu.memory_space<vmem>>) target(%dma_start3A_261 : memref<16x128xf32, #tpu.memory_space<vmem_shared>>) target_semaphore(%run_scoped3A_257 : memref<!tpu.dma_semaphore, #tpu.memory_space<semaphore_mem>>)
      %dma_wait3A_262 = arith.constant 0 : i32
      %dma_wait3A_263 = tpu.memref_slice %arg5[%add3A_85, %dma_wait3A_262] : memref<10000x128xf32, #tpu.memory_space<vmem_shared>> -> memref<16x128xf32, #tpu.memory_space<vmem_shared>>
      %dma_wait3A_264 = arith.constant 0 : i32
      %dma_wait3A_265 = tpu.memref_slice %arg5[%add3A_85, %dma_wait3A_264] : memref<10000x128xf32, #tpu.memory_space<vmem_shared>> -> memref<16x128xf32, #tpu.memory_space<vmem_shared>>
      tpu.wait_dma2 semaphore(%run_scoped3A_257 : memref<!tpu.dma_semaphore, #tpu.memory_space<semaphore_mem>>) src(%arg12 : memref<16x128xf32, #tpu.memory_space<vmem>>) dst(%dma_wait3A_265 : memref<16x128xf32, #tpu.memory_space<vmem_shared>>)
      tpu.yield
    }) : () -> ()
    %mul3A_86 = arith.constant 624 : i32
    %mul3A_87 = arith.muli %arg1, %mul3A_86 : i32
    %add3A_88 = arith.constant 320 : i32
    %add3A_89 = arith.addi %mul3A_87, %add3A_88 : i32
    "tpu.region"() ({
      %run_scoped3A_257 = tpu.sem_alloc : memref<!tpu.dma_semaphore, #tpu.memory_space<semaphore_mem>>
      %dma_start3A_258 = arith.constant 0 : i32
      %dma_start3A_259 = tpu.memref_slice %arg5[%add3A_89, %dma_start3A_258] : memref<10000x128xf32, #tpu.memory_space<vmem_shared>> -> memref<16x128xf32, #tpu.memory_space<vmem_shared>>
      %dma_start3A_260 = arith.constant 0 : i32
      %dma_start3A_261 = tpu.memref_slice %arg5[%add3A_89, %dma_start3A_260] : memref<10000x128xf32, #tpu.memory_space<vmem_shared>> -> memref<16x128xf32, #tpu.memory_space<vmem_shared>>
      tpu.enqueue_dma source(%arg12 : memref<16x128xf32, #tpu.memory_space<vmem>>) target(%dma_start3A_261 : memref<16x128xf32, #tpu.memory_space<vmem_shared>>) target_semaphore(%run_scoped3A_257 : memref<!tpu.dma_semaphore, #tpu.memory_space<semaphore_mem>>)
      %dma_wait3A_262 = arith.constant 0 : i32
      %dma_wait3A_263 = tpu.memref_slice %arg5[%add3A_89, %dma_wait3A_262] : memref<10000x128xf32, #tpu.memory_space<vmem_shared>> -> memref<16x128xf32, #tpu.memory_space<vmem_shared>>
      %dma_wait3A_264 = arith.constant 0 : i32
      %dma_wait3A_265 = tpu.memref_slice %arg5[%add3A_89, %dma_wait3A_264] : memref<10000x128xf32, #tpu.memory_space<vmem_shared>> -> memref<16x128xf32, #tpu.memory_space<vmem_shared>>
      tpu.wait_dma2 semaphore(%run_scoped3A_257 : memref<!tpu.dma_semaphore, #tpu.memory_space<semaphore_mem>>) src(%arg12 : memref<16x128xf32, #tpu.memory_space<vmem>>) dst(%dma_wait3A_265 : memref<16x128xf32, #tpu.memory_space<vmem_shared>>)
      tpu.yield
    }) : () -> ()
    %mul3A_90 = arith.constant 624 : i32
    %mul3A_91 = arith.muli %arg1, %mul3A_90 : i32
    %add3A_92 = arith.constant 336 : i32
    %add3A_93 = arith.addi %mul3A_91, %add3A_92 : i32
    "tpu.region"() ({
      %run_scoped3A_257 = tpu.sem_alloc : memref<!tpu.dma_semaphore, #tpu.memory_space<semaphore_mem>>
      %dma_start3A_258 = arith.constant 0 : i32
      %dma_start3A_259 = tpu.memref_slice %arg5[%add3A_93, %dma_start3A_258] : memref<10000x128xf32, #tpu.memory_space<vmem_shared>> -> memref<16x128xf32, #tpu.memory_space<vmem_shared>>
      %dma_start3A_260 = arith.constant 0 : i32
      %dma_start3A_261 = tpu.memref_slice %arg5[%add3A_93, %dma_start3A_260] : memref<10000x128xf32, #tpu.memory_space<vmem_shared>> -> memref<16x128xf32, #tpu.memory_space<vmem_shared>>
      tpu.enqueue_dma source(%arg12 : memref<16x128xf32, #tpu.memory_space<vmem>>) target(%dma_start3A_261 : memref<16x128xf32, #tpu.memory_space<vmem_shared>>) target_semaphore(%run_scoped3A_257 : memref<!tpu.dma_semaphore, #tpu.memory_space<semaphore_mem>>)
      %dma_wait3A_262 = arith.constant 0 : i32
      %dma_wait3A_263 = tpu.memref_slice %arg5[%add3A_93, %dma_wait3A_262] : memref<10000x128xf32, #tpu.memory_space<vmem_shared>> -> memref<16x128xf32, #tpu.memory_space<vmem_shared>>
      %dma_wait3A_264 = arith.constant 0 : i32
      %dma_wait3A_265 = tpu.memref_slice %arg5[%add3A_93, %dma_wait3A_264] : memref<10000x128xf32, #tpu.memory_space<vmem_shared>> -> memref<16x128xf32, #tpu.memory_space<vmem_shared>>
      tpu.wait_dma2 semaphore(%run_scoped3A_257 : memref<!tpu.dma_semaphore, #tpu.memory_space<semaphore_mem>>) src(%arg12 : memref<16x128xf32, #tpu.memory_space<vmem>>) dst(%dma_wait3A_265 : memref<16x128xf32, #tpu.memory_space<vmem_shared>>)
      tpu.yield
    }) : () -> ()
    %mul3A_94 = arith.constant 624 : i32
    %mul3A_95 = arith.muli %arg1, %mul3A_94 : i32
    %add3A_96 = arith.constant 352 : i32
    %add3A_97 = arith.addi %mul3A_95, %add3A_96 : i32
    "tpu.region"() ({
      %run_scoped3A_257 = tpu.sem_alloc : memref<!tpu.dma_semaphore, #tpu.memory_space<semaphore_mem>>
      %dma_start3A_258 = arith.constant 0 : i32
      %dma_start3A_259 = tpu.memref_slice %arg5[%add3A_97, %dma_start3A_258] : memref<10000x128xf32, #tpu.memory_space<vmem_shared>> -> memref<16x128xf32, #tpu.memory_space<vmem_shared>>
      %dma_start3A_260 = arith.constant 0 : i32
      %dma_start3A_261 = tpu.memref_slice %arg5[%add3A_97, %dma_start3A_260] : memref<10000x128xf32, #tpu.memory_space<vmem_shared>> -> memref<16x128xf32, #tpu.memory_space<vmem_shared>>
      tpu.enqueue_dma source(%arg12 : memref<16x128xf32, #tpu.memory_space<vmem>>) target(%dma_start3A_261 : memref<16x128xf32, #tpu.memory_space<vmem_shared>>) target_semaphore(%run_scoped3A_257 : memref<!tpu.dma_semaphore, #tpu.memory_space<semaphore_mem>>)
      %dma_wait3A_262 = arith.constant 0 : i32
      %dma_wait3A_263 = tpu.memref_slice %arg5[%add3A_97, %dma_wait3A_262] : memref<10000x128xf32, #tpu.memory_space<vmem_shared>> -> memref<16x128xf32, #tpu.memory_space<vmem_shared>>
      %dma_wait3A_264 = arith.constant 0 : i32
      %dma_wait3A_265 = tpu.memref_slice %arg5[%add3A_97, %dma_wait3A_264] : memref<10000x128xf32, #tpu.memory_space<vmem_shared>> -> memref<16x128xf32, #tpu.memory_space<vmem_shared>>
      tpu.wait_dma2 semaphore(%run_scoped3A_257 : memref<!tpu.dma_semaphore, #tpu.memory_space<semaphore_mem>>) src(%arg12 : memref<16x128xf32, #tpu.memory_space<vmem>>) dst(%dma_wait3A_265 : memref<16x128xf32, #tpu.memory_space<vmem_shared>>)
      tpu.yield
    }) : () -> ()
    %mul3A_98 = arith.constant 624 : i32
    %mul3A_99 = arith.muli %arg1, %mul3A_98 : i32
    %add3A_100 = arith.constant 368 : i32
    %add3A_101 = arith.addi %mul3A_99, %add3A_100 : i32
    "tpu.region"() ({
      %run_scoped3A_257 = tpu.sem_alloc : memref<!tpu.dma_semaphore, #tpu.memory_space<semaphore_mem>>
      %dma_start3A_258 = arith.constant 0 : i32
      %dma_start3A_259 = tpu.memref_slice %arg5[%add3A_101, %dma_start3A_258] : memref<10000x128xf32, #tpu.memory_space<vmem_shared>> -> memref<16x128xf32, #tpu.memory_space<vmem_shared>>
      %dma_start3A_260 = arith.constant 0 : i32
      %dma_start3A_261 = tpu.memref_slice %arg5[%add3A_101, %dma_start3A_260] : memref<10000x128xf32, #tpu.memory_space<vmem_shared>> -> memref<16x128xf32, #tpu.memory_space<vmem_shared>>
      tpu.enqueue_dma source(%arg12 : memref<16x128xf32, #tpu.memory_space<vmem>>) target(%dma_start3A_261 : memref<16x128xf32, #tpu.memory_space<vmem_shared>>) target_semaphore(%run_scoped3A_257 : memref<!tpu.dma_semaphore, #tpu.memory_space<semaphore_mem>>)
      %dma_wait3A_262 = arith.constant 0 : i32
      %dma_wait3A_263 = tpu.memref_slice %arg5[%add3A_101, %dma_wait3A_262] : memref<10000x128xf32, #tpu.memory_space<vmem_shared>> -> memref<16x128xf32, #tpu.memory_space<vmem_shared>>
      %dma_wait3A_264 = arith.constant 0 : i32
      %dma_wait3A_265 = tpu.memref_slice %arg5[%add3A_101, %dma_wait3A_264] : memref<10000x128xf32, #tpu.memory_space<vmem_shared>> -> memref<16x128xf32, #tpu.memory_space<vmem_shared>>
      tpu.wait_dma2 semaphore(%run_scoped3A_257 : memref<!tpu.dma_semaphore, #tpu.memory_space<semaphore_mem>>) src(%arg12 : memref<16x128xf32, #tpu.memory_space<vmem>>) dst(%dma_wait3A_265 : memref<16x128xf32, #tpu.memory_space<vmem_shared>>)
      tpu.yield
    }) : () -> ()
    %mul3A_102 = arith.constant 624 : i32
    %mul3A_103 = arith.muli %arg1, %mul3A_102 : i32
    %add3A_104 = arith.constant 384 : i32
    %add3A_105 = arith.addi %mul3A_103, %add3A_104 : i32
    "tpu.region"() ({
      %run_scoped3A_257 = tpu.sem_alloc : memref<!tpu.dma_semaphore, #tpu.memory_space<semaphore_mem>>
      %dma_start3A_258 = arith.constant 0 : i32
      %dma_start3A_259 = tpu.memref_slice %arg5[%add3A_105, %dma_start3A_258] : memref<10000x128xf32, #tpu.memory_space<vmem_shared>> -> memref<16x128xf32, #tpu.memory_space<vmem_shared>>
      %dma_start3A_260 = arith.constant 0 : i32
      %dma_start3A_261 = tpu.memref_slice %arg5[%add3A_105, %dma_start3A_260] : memref<10000x128xf32, #tpu.memory_space<vmem_shared>> -> memref<16x128xf32, #tpu.memory_space<vmem_shared>>
      tpu.enqueue_dma source(%arg12 : memref<16x128xf32, #tpu.memory_space<vmem>>) target(%dma_start3A_261 : memref<16x128xf32, #tpu.memory_space<vmem_shared>>) target_semaphore(%run_scoped3A_257 : memref<!tpu.dma_semaphore, #tpu.memory_space<semaphore_mem>>)
      %dma_wait3A_262 = arith.constant 0 : i32
      %dma_wait3A_263 = tpu.memref_slice %arg5[%add3A_105, %dma_wait3A_262] : memref<10000x128xf32, #tpu.memory_space<vmem_shared>> -> memref<16x128xf32, #tpu.memory_space<vmem_shared>>
      %dma_wait3A_264 = arith.constant 0 : i32
      %dma_wait3A_265 = tpu.memref_slice %arg5[%add3A_105, %dma_wait3A_264] : memref<10000x128xf32, #tpu.memory_space<vmem_shared>> -> memref<16x128xf32, #tpu.memory_space<vmem_shared>>
      tpu.wait_dma2 semaphore(%run_scoped3A_257 : memref<!tpu.dma_semaphore, #tpu.memory_space<semaphore_mem>>) src(%arg12 : memref<16x128xf32, #tpu.memory_space<vmem>>) dst(%dma_wait3A_265 : memref<16x128xf32, #tpu.memory_space<vmem_shared>>)
      tpu.yield
    }) : () -> ()
    %mul3A_106 = arith.constant 624 : i32
    %mul3A_107 = arith.muli %arg1, %mul3A_106 : i32
    %add3A_108 = arith.constant 400 : i32
    %add3A_109 = arith.addi %mul3A_107, %add3A_108 : i32
    "tpu.region"() ({
      %run_scoped3A_257 = tpu.sem_alloc : memref<!tpu.dma_semaphore, #tpu.memory_space<semaphore_mem>>
      %dma_start3A_258 = arith.constant 0 : i32
      %dma_start3A_259 = tpu.memref_slice %arg5[%add3A_109, %dma_start3A_258] : memref<10000x128xf32, #tpu.memory_space<vmem_shared>> -> memref<16x128xf32, #tpu.memory_space<vmem_shared>>
      %dma_start3A_260 = arith.constant 0 : i32
      %dma_start3A_261 = tpu.memref_slice %arg5[%add3A_109, %dma_start3A_260] : memref<10000x128xf32, #tpu.memory_space<vmem_shared>> -> memref<16x128xf32, #tpu.memory_space<vmem_shared>>
      tpu.enqueue_dma source(%arg12 : memref<16x128xf32, #tpu.memory_space<vmem>>) target(%dma_start3A_261 : memref<16x128xf32, #tpu.memory_space<vmem_shared>>) target_semaphore(%run_scoped3A_257 : memref<!tpu.dma_semaphore, #tpu.memory_space<semaphore_mem>>)
      %dma_wait3A_262 = arith.constant 0 : i32
      %dma_wait3A_263 = tpu.memref_slice %arg5[%add3A_109, %dma_wait3A_262] : memref<10000x128xf32, #tpu.memory_space<vmem_shared>> -> memref<16x128xf32, #tpu.memory_space<vmem_shared>>
      %dma_wait3A_264 = arith.constant 0 : i32
      %dma_wait3A_265 = tpu.memref_slice %arg5[%add3A_109, %dma_wait3A_264] : memref<10000x128xf32, #tpu.memory_space<vmem_shared>> -> memref<16x128xf32, #tpu.memory_space<vmem_shared>>
      tpu.wait_dma2 semaphore(%run_scoped3A_257 : memref<!tpu.dma_semaphore, #tpu.memory_space<semaphore_mem>>) src(%arg12 : memref<16x128xf32, #tpu.memory_space<vmem>>) dst(%dma_wait3A_265 : memref<16x128xf32, #tpu.memory_space<vmem_shared>>)
      tpu.yield
    }) : () -> ()
    %mul3A_110 = arith.constant 624 : i32
    %mul3A_111 = arith.muli %arg1, %mul3A_110 : i32
    %add3A_112 = arith.constant 416 : i32
    %add3A_113 = arith.addi %mul3A_111, %add3A_112 : i32
    "tpu.region"() ({
      %run_scoped3A_257 = tpu.sem_alloc : memref<!tpu.dma_semaphore, #tpu.memory_space<semaphore_mem>>
      %dma_start3A_258 = arith.constant 0 : i32
      %dma_start3A_259 = tpu.memref_slice %arg5[%add3A_113, %dma_start3A_258] : memref<10000x128xf32, #tpu.memory_space<vmem_shared>> -> memref<16x128xf32, #tpu.memory_space<vmem_shared>>
      %dma_start3A_260 = arith.constant 0 : i32
      %dma_start3A_261 = tpu.memref_slice %arg5[%add3A_113, %dma_start3A_260] : memref<10000x128xf32, #tpu.memory_space<vmem_shared>> -> memref<16x128xf32, #tpu.memory_space<vmem_shared>>
      tpu.enqueue_dma source(%arg12 : memref<16x128xf32, #tpu.memory_space<vmem>>) target(%dma_start3A_261 : memref<16x128xf32, #tpu.memory_space<vmem_shared>>) target_semaphore(%run_scoped3A_257 : memref<!tpu.dma_semaphore, #tpu.memory_space<semaphore_mem>>)
      %dma_wait3A_262 = arith.constant 0 : i32
      %dma_wait3A_263 = tpu.memref_slice %arg5[%add3A_113, %dma_wait3A_262] : memref<10000x128xf32, #tpu.memory_space<vmem_shared>> -> memref<16x128xf32, #tpu.memory_space<vmem_shared>>
      %dma_wait3A_264 = arith.constant 0 : i32
      %dma_wait3A_265 = tpu.memref_slice %arg5[%add3A_113, %dma_wait3A_264] : memref<10000x128xf32, #tpu.memory_space<vmem_shared>> -> memref<16x128xf32, #tpu.memory_space<vmem_shared>>
      tpu.wait_dma2 semaphore(%run_scoped3A_257 : memref<!tpu.dma_semaphore, #tpu.memory_space<semaphore_mem>>) src(%arg12 : memref<16x128xf32, #tpu.memory_space<vmem>>) dst(%dma_wait3A_265 : memref<16x128xf32, #tpu.memory_space<vmem_shared>>)
      tpu.yield
    }) : () -> ()
    %mul3A_114 = arith.constant 624 : i32
    %mul3A_115 = arith.muli %arg1, %mul3A_114 : i32
    %add3A_116 = arith.constant 432 : i32
    %add3A_117 = arith.addi %mul3A_115, %add3A_116 : i32
    "tpu.region"() ({
      %run_scoped3A_257 = tpu.sem_alloc : memref<!tpu.dma_semaphore, #tpu.memory_space<semaphore_mem>>
      %dma_start3A_258 = arith.constant 0 : i32
      %dma_start3A_259 = tpu.memref_slice %arg5[%add3A_117, %dma_start3A_258] : memref<10000x128xf32, #tpu.memory_space<vmem_shared>> -> memref<16x128xf32, #tpu.memory_space<vmem_shared>>
      %dma_start3A_260 = arith.constant 0 : i32
      %dma_start3A_261 = tpu.memref_slice %arg5[%add3A_117, %dma_start3A_260] : memref<10000x128xf32, #tpu.memory_space<vmem_shared>> -> memref<16x128xf32, #tpu.memory_space<vmem_shared>>
      tpu.enqueue_dma source(%arg12 : memref<16x128xf32, #tpu.memory_space<vmem>>) target(%dma_start3A_261 : memref<16x128xf32, #tpu.memory_space<vmem_shared>>) target_semaphore(%run_scoped3A_257 : memref<!tpu.dma_semaphore, #tpu.memory_space<semaphore_mem>>)
      %dma_wait3A_262 = arith.constant 0 : i32
      %dma_wait3A_263 = tpu.memref_slice %arg5[%add3A_117, %dma_wait3A_262] : memref<10000x128xf32, #tpu.memory_space<vmem_shared>> -> memref<16x128xf32, #tpu.memory_space<vmem_shared>>
      %dma_wait3A_264 = arith.constant 0 : i32
      %dma_wait3A_265 = tpu.memref_slice %arg5[%add3A_117, %dma_wait3A_264] : memref<10000x128xf32, #tpu.memory_space<vmem_shared>> -> memref<16x128xf32, #tpu.memory_space<vmem_shared>>
      tpu.wait_dma2 semaphore(%run_scoped3A_257 : memref<!tpu.dma_semaphore, #tpu.memory_space<semaphore_mem>>) src(%arg12 : memref<16x128xf32, #tpu.memory_space<vmem>>) dst(%dma_wait3A_265 : memref<16x128xf32, #tpu.memory_space<vmem_shared>>)
      tpu.yield
    }) : () -> ()
    %mul3A_118 = arith.constant 624 : i32
    %mul3A_119 = arith.muli %arg1, %mul3A_118 : i32
    %add3A_120 = arith.constant 448 : i32
    %add3A_121 = arith.addi %mul3A_119, %add3A_120 : i32
    "tpu.region"() ({
      %run_scoped3A_257 = tpu.sem_alloc : memref<!tpu.dma_semaphore, #tpu.memory_space<semaphore_mem>>
      %dma_start3A_258 = arith.constant 0 : i32
      %dma_start3A_259 = tpu.memref_slice %arg5[%add3A_121, %dma_start3A_258] : memref<10000x128xf32, #tpu.memory_space<vmem_shared>> -> memref<16x128xf32, #tpu.memory_space<vmem_shared>>
      %dma_start3A_260 = arith.constant 0 : i32
      %dma_start3A_261 = tpu.memref_slice %arg5[%add3A_121, %dma_start3A_260] : memref<10000x128xf32, #tpu.memory_space<vmem_shared>> -> memref<16x128xf32, #tpu.memory_space<vmem_shared>>
      tpu.enqueue_dma source(%arg12 : memref<16x128xf32, #tpu.memory_space<vmem>>) target(%dma_start3A_261 : memref<16x128xf32, #tpu.memory_space<vmem_shared>>) target_semaphore(%run_scoped3A_257 : memref<!tpu.dma_semaphore, #tpu.memory_space<semaphore_mem>>)
      %dma_wait3A_262 = arith.constant 0 : i32
      %dma_wait3A_263 = tpu.memref_slice %arg5[%add3A_121, %dma_wait3A_262] : memref<10000x128xf32, #tpu.memory_space<vmem_shared>> -> memref<16x128xf32, #tpu.memory_space<vmem_shared>>
      %dma_wait3A_264 = arith.constant 0 : i32
      %dma_wait3A_265 = tpu.memref_slice %arg5[%add3A_121, %dma_wait3A_264] : memref<10000x128xf32, #tpu.memory_space<vmem_shared>> -> memref<16x128xf32, #tpu.memory_space<vmem_shared>>
      tpu.wait_dma2 semaphore(%run_scoped3A_257 : memref<!tpu.dma_semaphore, #tpu.memory_space<semaphore_mem>>) src(%arg12 : memref<16x128xf32, #tpu.memory_space<vmem>>) dst(%dma_wait3A_265 : memref<16x128xf32, #tpu.memory_space<vmem_shared>>)
      tpu.yield
    }) : () -> ()
    %mul3A_122 = arith.constant 624 : i32
    %mul3A_123 = arith.muli %arg1, %mul3A_122 : i32
    %add3A_124 = arith.constant 464 : i32
    %add3A_125 = arith.addi %mul3A_123, %add3A_124 : i32
    "tpu.region"() ({
      %run_scoped3A_257 = tpu.sem_alloc : memref<!tpu.dma_semaphore, #tpu.memory_space<semaphore_mem>>
      %dma_start3A_258 = arith.constant 0 : i32
      %dma_start3A_259 = tpu.memref_slice %arg5[%add3A_125, %dma_start3A_258] : memref<10000x128xf32, #tpu.memory_space<vmem_shared>> -> memref<16x128xf32, #tpu.memory_space<vmem_shared>>
      %dma_start3A_260 = arith.constant 0 : i32
      %dma_start3A_261 = tpu.memref_slice %arg5[%add3A_125, %dma_start3A_260] : memref<10000x128xf32, #tpu.memory_space<vmem_shared>> -> memref<16x128xf32, #tpu.memory_space<vmem_shared>>
      tpu.enqueue_dma source(%arg12 : memref<16x128xf32, #tpu.memory_space<vmem>>) target(%dma_start3A_261 : memref<16x128xf32, #tpu.memory_space<vmem_shared>>) target_semaphore(%run_scoped3A_257 : memref<!tpu.dma_semaphore, #tpu.memory_space<semaphore_mem>>)
      %dma_wait3A_262 = arith.constant 0 : i32
      %dma_wait3A_263 = tpu.memref_slice %arg5[%add3A_125, %dma_wait3A_262] : memref<10000x128xf32, #tpu.memory_space<vmem_shared>> -> memref<16x128xf32, #tpu.memory_space<vmem_shared>>
      %dma_wait3A_264 = arith.constant 0 : i32
      %dma_wait3A_265 = tpu.memref_slice %arg5[%add3A_125, %dma_wait3A_264] : memref<10000x128xf32, #tpu.memory_space<vmem_shared>> -> memref<16x128xf32, #tpu.memory_space<vmem_shared>>
      tpu.wait_dma2 semaphore(%run_scoped3A_257 : memref<!tpu.dma_semaphore, #tpu.memory_space<semaphore_mem>>) src(%arg12 : memref<16x128xf32, #tpu.memory_space<vmem>>) dst(%dma_wait3A_265 : memref<16x128xf32, #tpu.memory_space<vmem_shared>>)
      tpu.yield
    }) : () -> ()
    %mul3A_126 = arith.constant 624 : i32
    %mul3A_127 = arith.muli %arg1, %mul3A_126 : i32
    %add3A_128 = arith.constant 480 : i32
    %add3A_129 = arith.addi %mul3A_127, %add3A_128 : i32
    "tpu.region"() ({
      %run_scoped3A_257 = tpu.sem_alloc : memref<!tpu.dma_semaphore, #tpu.memory_space<semaphore_mem>>
      %dma_start3A_258 = arith.constant 0 : i32
      %dma_start3A_259 = tpu.memref_slice %arg5[%add3A_129, %dma_start3A_258] : memref<10000x128xf32, #tpu.memory_space<vmem_shared>> -> memref<16x128xf32, #tpu.memory_space<vmem_shared>>
      %dma_start3A_260 = arith.constant 0 : i32
      %dma_start3A_261 = tpu.memref_slice %arg5[%add3A_129, %dma_start3A_260] : memref<10000x128xf32, #tpu.memory_space<vmem_shared>> -> memref<16x128xf32, #tpu.memory_space<vmem_shared>>
      tpu.enqueue_dma source(%arg12 : memref<16x128xf32, #tpu.memory_space<vmem>>) target(%dma_start3A_261 : memref<16x128xf32, #tpu.memory_space<vmem_shared>>) target_semaphore(%run_scoped3A_257 : memref<!tpu.dma_semaphore, #tpu.memory_space<semaphore_mem>>)
      %dma_wait3A_262 = arith.constant 0 : i32
      %dma_wait3A_263 = tpu.memref_slice %arg5[%add3A_129, %dma_wait3A_262] : memref<10000x128xf32, #tpu.memory_space<vmem_shared>> -> memref<16x128xf32, #tpu.memory_space<vmem_shared>>
      %dma_wait3A_264 = arith.constant 0 : i32
      %dma_wait3A_265 = tpu.memref_slice %arg5[%add3A_129, %dma_wait3A_264] : memref<10000x128xf32, #tpu.memory_space<vmem_shared>> -> memref<16x128xf32, #tpu.memory_space<vmem_shared>>
      tpu.wait_dma2 semaphore(%run_scoped3A_257 : memref<!tpu.dma_semaphore, #tpu.memory_space<semaphore_mem>>) src(%arg12 : memref<16x128xf32, #tpu.memory_space<vmem>>) dst(%dma_wait3A_265 : memref<16x128xf32, #tpu.memory_space<vmem_shared>>)
      tpu.yield
    }) : () -> ()
    %mul3A_130 = arith.constant 624 : i32
    %mul3A_131 = arith.muli %arg1, %mul3A_130 : i32
    %add3A_132 = arith.constant 496 : i32
    %add3A_133 = arith.addi %mul3A_131, %add3A_132 : i32
    "tpu.region"() ({
      %run_scoped3A_257 = tpu.sem_alloc : memref<!tpu.dma_semaphore, #tpu.memory_space<semaphore_mem>>
      %dma_start3A_258 = arith.constant 0 : i32
      %dma_start3A_259 = tpu.memref_slice %arg5[%add3A_133, %dma_start3A_258] : memref<10000x128xf32, #tpu.memory_space<vmem_shared>> -> memref<16x128xf32, #tpu.memory_space<vmem_shared>>
      %dma_start3A_260 = arith.constant 0 : i32
      %dma_start3A_261 = tpu.memref_slice %arg5[%add3A_133, %dma_start3A_260] : memref<10000x128xf32, #tpu.memory_space<vmem_shared>> -> memref<16x128xf32, #tpu.memory_space<vmem_shared>>
      tpu.enqueue_dma source(%arg12 : memref<16x128xf32, #tpu.memory_space<vmem>>) target(%dma_start3A_261 : memref<16x128xf32, #tpu.memory_space<vmem_shared>>) target_semaphore(%run_scoped3A_257 : memref<!tpu.dma_semaphore, #tpu.memory_space<semaphore_mem>>)
      %dma_wait3A_262 = arith.constant 0 : i32
      %dma_wait3A_263 = tpu.memref_slice %arg5[%add3A_133, %dma_wait3A_262] : memref<10000x128xf32, #tpu.memory_space<vmem_shared>> -> memref<16x128xf32, #tpu.memory_space<vmem_shared>>
      %dma_wait3A_264 = arith.constant 0 : i32
      %dma_wait3A_265 = tpu.memref_slice %arg5[%add3A_133, %dma_wait3A_264] : memref<10000x128xf32, #tpu.memory_space<vmem_shared>> -> memref<16x128xf32, #tpu.memory_space<vmem_shared>>
      tpu.wait_dma2 semaphore(%run_scoped3A_257 : memref<!tpu.dma_semaphore, #tpu.memory_space<semaphore_mem>>) src(%arg12 : memref<16x128xf32, #tpu.memory_space<vmem>>) dst(%dma_wait3A_265 : memref<16x128xf32, #tpu.memory_space<vmem_shared>>)
      tpu.yield
    }) : () -> ()
    %mul3A_134 = arith.constant 624 : i32
    %mul3A_135 = arith.muli %arg1, %mul3A_134 : i32
    %add3A_136 = arith.constant 512 : i32
    %add3A_137 = arith.addi %mul3A_135, %add3A_136 : i32
    "tpu.region"() ({
      %run_scoped3A_257 = tpu.sem_alloc : memref<!tpu.dma_semaphore, #tpu.memory_space<semaphore_mem>>
      %dma_start3A_258 = arith.constant 0 : i32
      %dma_start3A_259 = tpu.memref_slice %arg5[%add3A_137, %dma_start3A_258] : memref<10000x128xf32, #tpu.memory_space<vmem_shared>> -> memref<16x128xf32, #tpu.memory_space<vmem_shared>>
      %dma_start3A_260 = arith.constant 0 : i32
      %dma_start3A_261 = tpu.memref_slice %arg5[%add3A_137, %dma_start3A_260] : memref<10000x128xf32, #tpu.memory_space<vmem_shared>> -> memref<16x128xf32, #tpu.memory_space<vmem_shared>>
      tpu.enqueue_dma source(%arg12 : memref<16x128xf32, #tpu.memory_space<vmem>>) target(%dma_start3A_261 : memref<16x128xf32, #tpu.memory_space<vmem_shared>>) target_semaphore(%run_scoped3A_257 : memref<!tpu.dma_semaphore, #tpu.memory_space<semaphore_mem>>)
      %dma_wait3A_262 = arith.constant 0 : i32
      %dma_wait3A_263 = tpu.memref_slice %arg5[%add3A_137, %dma_wait3A_262] : memref<10000x128xf32, #tpu.memory_space<vmem_shared>> -> memref<16x128xf32, #tpu.memory_space<vmem_shared>>
      %dma_wait3A_264 = arith.constant 0 : i32
      %dma_wait3A_265 = tpu.memref_slice %arg5[%add3A_137, %dma_wait3A_264] : memref<10000x128xf32, #tpu.memory_space<vmem_shared>> -> memref<16x128xf32, #tpu.memory_space<vmem_shared>>
      tpu.wait_dma2 semaphore(%run_scoped3A_257 : memref<!tpu.dma_semaphore, #tpu.memory_space<semaphore_mem>>) src(%arg12 : memref<16x128xf32, #tpu.memory_space<vmem>>) dst(%dma_wait3A_265 : memref<16x128xf32, #tpu.memory_space<vmem_shared>>)
      tpu.yield
    }) : () -> ()
    %mul3A_138 = arith.constant 624 : i32
    %mul3A_139 = arith.muli %arg1, %mul3A_138 : i32
    %add3A_140 = arith.constant 528 : i32
    %add3A_141 = arith.addi %mul3A_139, %add3A_140 : i32
    "tpu.region"() ({
      %run_scoped3A_257 = tpu.sem_alloc : memref<!tpu.dma_semaphore, #tpu.memory_space<semaphore_mem>>
      %dma_start3A_258 = arith.constant 0 : i32
      %dma_start3A_259 = tpu.memref_slice %arg5[%add3A_141, %dma_start3A_258] : memref<10000x128xf32, #tpu.memory_space<vmem_shared>> -> memref<16x128xf32, #tpu.memory_space<vmem_shared>>
      %dma_start3A_260 = arith.constant 0 : i32
      %dma_start3A_261 = tpu.memref_slice %arg5[%add3A_141, %dma_start3A_260] : memref<10000x128xf32, #tpu.memory_space<vmem_shared>> -> memref<16x128xf32, #tpu.memory_space<vmem_shared>>
      tpu.enqueue_dma source(%arg12 : memref<16x128xf32, #tpu.memory_space<vmem>>) target(%dma_start3A_261 : memref<16x128xf32, #tpu.memory_space<vmem_shared>>) target_semaphore(%run_scoped3A_257 : memref<!tpu.dma_semaphore, #tpu.memory_space<semaphore_mem>>)
      %dma_wait3A_262 = arith.constant 0 : i32
      %dma_wait3A_263 = tpu.memref_slice %arg5[%add3A_141, %dma_wait3A_262] : memref<10000x128xf32, #tpu.memory_space<vmem_shared>> -> memref<16x128xf32, #tpu.memory_space<vmem_shared>>
      %dma_wait3A_264 = arith.constant 0 : i32
      %dma_wait3A_265 = tpu.memref_slice %arg5[%add3A_141, %dma_wait3A_264] : memref<10000x128xf32, #tpu.memory_space<vmem_shared>> -> memref<16x128xf32, #tpu.memory_space<vmem_shared>>
      tpu.wait_dma2 semaphore(%run_scoped3A_257 : memref<!tpu.dma_semaphore, #tpu.memory_space<semaphore_mem>>) src(%arg12 : memref<16x128xf32, #tpu.memory_space<vmem>>) dst(%dma_wait3A_265 : memref<16x128xf32, #tpu.memory_space<vmem_shared>>)
      tpu.yield
    }) : () -> ()
    %mul3A_142 = arith.constant 624 : i32
    %mul3A_143 = arith.muli %arg1, %mul3A_142 : i32
    %add3A_144 = arith.constant 544 : i32
    %add3A_145 = arith.addi %mul3A_143, %add3A_144 : i32
    "tpu.region"() ({
      %run_scoped3A_257 = tpu.sem_alloc : memref<!tpu.dma_semaphore, #tpu.memory_space<semaphore_mem>>
      %dma_start3A_258 = arith.constant 0 : i32
      %dma_start3A_259 = tpu.memref_slice %arg5[%add3A_145, %dma_start3A_258] : memref<10000x128xf32, #tpu.memory_space<vmem_shared>> -> memref<16x128xf32, #tpu.memory_space<vmem_shared>>
      %dma_start3A_260 = arith.constant 0 : i32
      %dma_start3A_261 = tpu.memref_slice %arg5[%add3A_145, %dma_start3A_260] : memref<10000x128xf32, #tpu.memory_space<vmem_shared>> -> memref<16x128xf32, #tpu.memory_space<vmem_shared>>
      tpu.enqueue_dma source(%arg12 : memref<16x128xf32, #tpu.memory_space<vmem>>) target(%dma_start3A_261 : memref<16x128xf32, #tpu.memory_space<vmem_shared>>) target_semaphore(%run_scoped3A_257 : memref<!tpu.dma_semaphore, #tpu.memory_space<semaphore_mem>>)
      %dma_wait3A_262 = arith.constant 0 : i32
      %dma_wait3A_263 = tpu.memref_slice %arg5[%add3A_145, %dma_wait3A_262] : memref<10000x128xf32, #tpu.memory_space<vmem_shared>> -> memref<16x128xf32, #tpu.memory_space<vmem_shared>>
      %dma_wait3A_264 = arith.constant 0 : i32
      %dma_wait3A_265 = tpu.memref_slice %arg5[%add3A_145, %dma_wait3A_264] : memref<10000x128xf32, #tpu.memory_space<vmem_shared>> -> memref<16x128xf32, #tpu.memory_space<vmem_shared>>
      tpu.wait_dma2 semaphore(%run_scoped3A_257 : memref<!tpu.dma_semaphore, #tpu.memory_space<semaphore_mem>>) src(%arg12 : memref<16x128xf32, #tpu.memory_space<vmem>>) dst(%dma_wait3A_265 : memref<16x128xf32, #tpu.memory_space<vmem_shared>>)
      tpu.yield
    }) : () -> ()
    %mul3A_146 = arith.constant 624 : i32
    %mul3A_147 = arith.muli %arg1, %mul3A_146 : i32
    %add3A_148 = arith.constant 560 : i32
    %add3A_149 = arith.addi %mul3A_147, %add3A_148 : i32
    "tpu.region"() ({
      %run_scoped3A_257 = tpu.sem_alloc : memref<!tpu.dma_semaphore, #tpu.memory_space<semaphore_mem>>
      %dma_start3A_258 = arith.constant 0 : i32
      %dma_start3A_259 = tpu.memref_slice %arg5[%add3A_149, %dma_start3A_258] : memref<10000x128xf32, #tpu.memory_space<vmem_shared>> -> memref<16x128xf32, #tpu.memory_space<vmem_shared>>
      %dma_start3A_260 = arith.constant 0 : i32
      %dma_start3A_261 = tpu.memref_slice %arg5[%add3A_149, %dma_start3A_260] : memref<10000x128xf32, #tpu.memory_space<vmem_shared>> -> memref<16x128xf32, #tpu.memory_space<vmem_shared>>
      tpu.enqueue_dma source(%arg12 : memref<16x128xf32, #tpu.memory_space<vmem>>) target(%dma_start3A_261 : memref<16x128xf32, #tpu.memory_space<vmem_shared>>) target_semaphore(%run_scoped3A_257 : memref<!tpu.dma_semaphore, #tpu.memory_space<semaphore_mem>>)
      %dma_wait3A_262 = arith.constant 0 : i32
      %dma_wait3A_263 = tpu.memref_slice %arg5[%add3A_149, %dma_wait3A_262] : memref<10000x128xf32, #tpu.memory_space<vmem_shared>> -> memref<16x128xf32, #tpu.memory_space<vmem_shared>>
      %dma_wait3A_264 = arith.constant 0 : i32
      %dma_wait3A_265 = tpu.memref_slice %arg5[%add3A_149, %dma_wait3A_264] : memref<10000x128xf32, #tpu.memory_space<vmem_shared>> -> memref<16x128xf32, #tpu.memory_space<vmem_shared>>
      tpu.wait_dma2 semaphore(%run_scoped3A_257 : memref<!tpu.dma_semaphore, #tpu.memory_space<semaphore_mem>>) src(%arg12 : memref<16x128xf32, #tpu.memory_space<vmem>>) dst(%dma_wait3A_265 : memref<16x128xf32, #tpu.memory_space<vmem_shared>>)
      tpu.yield
    }) : () -> ()
    %mul3A_150 = arith.constant 624 : i32
    %mul3A_151 = arith.muli %arg1, %mul3A_150 : i32
    %add3A_152 = arith.constant 576 : i32
    %add3A_153 = arith.addi %mul3A_151, %add3A_152 : i32
    "tpu.region"() ({
      %run_scoped3A_257 = tpu.sem_alloc : memref<!tpu.dma_semaphore, #tpu.memory_space<semaphore_mem>>
      %dma_start3A_258 = arith.constant 0 : i32
      %dma_start3A_259 = tpu.memref_slice %arg5[%add3A_153, %dma_start3A_258] : memref<10000x128xf32, #tpu.memory_space<vmem_shared>> -> memref<16x128xf32, #tpu.memory_space<vmem_shared>>
      %dma_start3A_260 = arith.constant 0 : i32
      %dma_start3A_261 = tpu.memref_slice %arg5[%add3A_153, %dma_start3A_260] : memref<10000x128xf32, #tpu.memory_space<vmem_shared>> -> memref<16x128xf32, #tpu.memory_space<vmem_shared>>
      tpu.enqueue_dma source(%arg12 : memref<16x128xf32, #tpu.memory_space<vmem>>) target(%dma_start3A_261 : memref<16x128xf32, #tpu.memory_space<vmem_shared>>) target_semaphore(%run_scoped3A_257 : memref<!tpu.dma_semaphore, #tpu.memory_space<semaphore_mem>>)
      %dma_wait3A_262 = arith.constant 0 : i32
      %dma_wait3A_263 = tpu.memref_slice %arg5[%add3A_153, %dma_wait3A_262] : memref<10000x128xf32, #tpu.memory_space<vmem_shared>> -> memref<16x128xf32, #tpu.memory_space<vmem_shared>>
      %dma_wait3A_264 = arith.constant 0 : i32
      %dma_wait3A_265 = tpu.memref_slice %arg5[%add3A_153, %dma_wait3A_264] : memref<10000x128xf32, #tpu.memory_space<vmem_shared>> -> memref<16x128xf32, #tpu.memory_space<vmem_shared>>
      tpu.wait_dma2 semaphore(%run_scoped3A_257 : memref<!tpu.dma_semaphore, #tpu.memory_space<semaphore_mem>>) src(%arg12 : memref<16x128xf32, #tpu.memory_space<vmem>>) dst(%dma_wait3A_265 : memref<16x128xf32, #tpu.memory_space<vmem_shared>>)
      tpu.yield
    }) : () -> ()
    %mul3A_154 = arith.constant 624 : i32
    %mul3A_155 = arith.muli %arg1, %mul3A_154 : i32
    %add3A_156 = arith.constant 592 : i32
    %add3A_157 = arith.addi %mul3A_155, %add3A_156 : i32
    "tpu.region"() ({
      %run_scoped3A_257 = tpu.sem_alloc : memref<!tpu.dma_semaphore, #tpu.memory_space<semaphore_mem>>
      %dma_start3A_258 = arith.constant 0 : i32
      %dma_start3A_259 = tpu.memref_slice %arg5[%add3A_157, %dma_start3A_258] : memref<10000x128xf32, #tpu.memory_space<vmem_shared>> -> memref<16x128xf32, #tpu.memory_space<vmem_shared>>
      %dma_start3A_260 = arith.constant 0 : i32
      %dma_start3A_261 = tpu.memref_slice %arg5[%add3A_157, %dma_start3A_260] : memref<10000x128xf32, #tpu.memory_space<vmem_shared>> -> memref<16x128xf32, #tpu.memory_space<vmem_shared>>
      tpu.enqueue_dma source(%arg12 : memref<16x128xf32, #tpu.memory_space<vmem>>) target(%dma_start3A_261 : memref<16x128xf32, #tpu.memory_space<vmem_shared>>) target_semaphore(%run_scoped3A_257 : memref<!tpu.dma_semaphore, #tpu.memory_space<semaphore_mem>>)
      %dma_wait3A_262 = arith.constant 0 : i32
      %dma_wait3A_263 = tpu.memref_slice %arg5[%add3A_157, %dma_wait3A_262] : memref<10000x128xf32, #tpu.memory_space<vmem_shared>> -> memref<16x128xf32, #tpu.memory_space<vmem_shared>>
      %dma_wait3A_264 = arith.constant 0 : i32
      %dma_wait3A_265 = tpu.memref_slice %arg5[%add3A_157, %dma_wait3A_264] : memref<10000x128xf32, #tpu.memory_space<vmem_shared>> -> memref<16x128xf32, #tpu.memory_space<vmem_shared>>
      tpu.wait_dma2 semaphore(%run_scoped3A_257 : memref<!tpu.dma_semaphore, #tpu.memory_space<semaphore_mem>>) src(%arg12 : memref<16x128xf32, #tpu.memory_space<vmem>>) dst(%dma_wait3A_265 : memref<16x128xf32, #tpu.memory_space<vmem_shared>>)
      tpu.yield
    }) : () -> ()
    %mul3A_158 = arith.constant 624 : i32
    %mul3A_159 = arith.muli %arg1, %mul3A_158 : i32
    %add3A_160 = arith.constant 608 : i32
    %add3A_161 = arith.addi %mul3A_159, %add3A_160 : i32
    "tpu.region"() ({
      %run_scoped3A_257 = tpu.sem_alloc : memref<!tpu.dma_semaphore, #tpu.memory_space<semaphore_mem>>
      %dma_start3A_258 = arith.constant 0 : i32
      %dma_start3A_259 = tpu.memref_slice %arg5[%add3A_161, %dma_start3A_258] : memref<10000x128xf32, #tpu.memory_space<vmem_shared>> -> memref<16x128xf32, #tpu.memory_space<vmem_shared>>
      %dma_start3A_260 = arith.constant 0 : i32
      %dma_start3A_261 = tpu.memref_slice %arg5[%add3A_161, %dma_start3A_260] : memref<10000x128xf32, #tpu.memory_space<vmem_shared>> -> memref<16x128xf32, #tpu.memory_space<vmem_shared>>
      tpu.enqueue_dma source(%arg12 : memref<16x128xf32, #tpu.memory_space<vmem>>) target(%dma_start3A_261 : memref<16x128xf32, #tpu.memory_space<vmem_shared>>) target_semaphore(%run_scoped3A_257 : memref<!tpu.dma_semaphore, #tpu.memory_space<semaphore_mem>>)
      %dma_wait3A_262 = arith.constant 0 : i32
      %dma_wait3A_263 = tpu.memref_slice %arg5[%add3A_161, %dma_wait3A_262] : memref<10000x128xf32, #tpu.memory_space<vmem_shared>> -> memref<16x128xf32, #tpu.memory_space<vmem_shared>>
      %dma_wait3A_264 = arith.constant 0 : i32
      %dma_wait3A_265 = tpu.memref_slice %arg5[%add3A_161, %dma_wait3A_264] : memref<10000x128xf32, #tpu.memory_space<vmem_shared>> -> memref<16x128xf32, #tpu.memory_space<vmem_shared>>
      tpu.wait_dma2 semaphore(%run_scoped3A_257 : memref<!tpu.dma_semaphore, #tpu.memory_space<semaphore_mem>>) src(%arg12 : memref<16x128xf32, #tpu.memory_space<vmem>>) dst(%dma_wait3A_265 : memref<16x128xf32, #tpu.memory_space<vmem_shared>>)
      tpu.yield
    }) : () -> ()
    %eq3A = arith.constant 15 : i32
    %eq3A_162 = arith.cmpi eq, %arg1, %eq3A : i32
    %convert_element_type3A = arith.extui %eq3A_162 : i1 to i32
    %cond3A = arith.constant 0 : i32
    %cond3A_163 = arith.cmpi ne, %convert_element_type3A, %cond3A : i32
    scf.if %cond3A_163 {
      "tpu.region"() ({
        %run_scoped3A_257 = tpu.sem_alloc : memref<!tpu.dma_semaphore, #tpu.memory_space<semaphore_mem>>
        %dma_start3A_258 = arith.constant 0 : i32
        %dma_start3A_259 = arith.constant 0 : i32
        %dma_start3A_260 = tpu.memref_slice %arg12[%dma_start3A_258, %dma_start3A_259] : memref<16x128xf32, #tpu.memory_space<vmem>> -> memref<16x128xf32, #tpu.memory_space<vmem>>
        %dma_start3A_261 = arith.constant 9984 : i32
        %dma_start3A_262 = arith.constant 0 : i32
        %dma_start3A_263 = tpu.memref_slice %arg5[%dma_start3A_261, %dma_start3A_262] : memref<10000x128xf32, #tpu.memory_space<vmem_shared>> -> memref<16x128xf32, #tpu.memory_space<vmem_shared>>
        %dma_start3A_264 = arith.constant 9984 : i32
        %dma_start3A_265 = arith.constant 0 : i32
        %dma_start3A_266 = tpu.memref_slice %arg5[%dma_start3A_264, %dma_start3A_265] : memref<10000x128xf32, #tpu.memory_space<vmem_shared>> -> memref<16x128xf32, #tpu.memory_space<vmem_shared>>
        %dma_start3A_267 = arith.constant 0 : i32
        %dma_start3A_268 = arith.constant 0 : i32
        %dma_start3A_269 = tpu.memref_slice %arg12[%dma_start3A_267, %dma_start3A_268] : memref<16x128xf32, #tpu.memory_space<vmem>> -> memref<16x128xf32, #tpu.memory_space<vmem>>
        tpu.enqueue_dma source(%dma_start3A_269 : memref<16x128xf32, #tpu.memory_space<vmem>>) target(%dma_start3A_266 : memref<16x128xf32, #tpu.memory_space<vmem_shared>>) target_semaphore(%run_scoped3A_257 : memref<!tpu.dma_semaphore, #tpu.memory_space<semaphore_mem>>)
        %dma_wait3A_270 = arith.constant 0 : i32
        %dma_wait3A_271 = arith.constant 0 : i32
        %dma_wait3A_272 = tpu.memref_slice %arg12[%dma_wait3A_270, %dma_wait3A_271] : memref<16x128xf32, #tpu.memory_space<vmem>> -> memref<16x128xf32, #tpu.memory_space<vmem>>
        %dma_wait3A_273 = arith.constant 9984 : i32
        %dma_wait3A_274 = arith.constant 0 : i32
        %dma_wait3A_275 = tpu.memref_slice %arg5[%dma_wait3A_273, %dma_wait3A_274] : memref<10000x128xf32, #tpu.memory_space<vmem_shared>> -> memref<16x128xf32, #tpu.memory_space<vmem_shared>>
        %dma_wait3A_276 = arith.constant 9984 : i32
        %dma_wait3A_277 = arith.constant 0 : i32
        %dma_wait3A_278 = tpu.memref_slice %arg5[%dma_wait3A_276, %dma_wait3A_277] : memref<10000x128xf32, #tpu.memory_space<vmem_shared>> -> memref<16x128xf32, #tpu.memory_space<vmem_shared>>
        %dma_wait3A_279 = arith.constant 0 : i32
        %dma_wait3A_280 = arith.constant 0 : i32
        %dma_wait3A_281 = tpu.memref_slice %arg12[%dma_wait3A_279, %dma_wait3A_280] : memref<16x128xf32, #tpu.memory_space<vmem>> -> memref<16x128xf32, #tpu.memory_space<vmem>>
        tpu.wait_dma2 semaphore(%run_scoped3A_257 : memref<!tpu.dma_semaphore, #tpu.memory_space<semaphore_mem>>) src(%dma_wait3A_281 : memref<16x128xf32, #tpu.memory_space<vmem>>) dst(%dma_wait3A_278 : memref<16x128xf32, #tpu.memory_space<vmem_shared>>)
        tpu.yield
      }) : () -> ()
    } else {
    }
    %dma_start3A = arith.constant 0 : i32
    %dma_start3A_164 = arith.constant 0 : i32
    %dma_start3A_165 = arith.constant 0 : i32
    %dma_start3A_166 = tpu.memref_slice %arg3[%add3A, %dma_start3A, %dma_start3A_164, %dma_start3A_165] : memref<32x125x2x80xi32, #tpu.memory_space<hbm>> -> memref<1x1x2x80xi32, #tpu.memory_space<hbm>>
    %dma_start3A_167 = tpu.memref_squeeze %dma_start3A_166 : memref<1x1x2x80xi32, #tpu.memory_space<hbm>> -> memref<2x80xi32, #tpu.memory_space<hbm>>
    %dma_start3A_168 = arith.constant 0 : i32
    %dma_start3A_169 = arith.constant 0 : i32
    %dma_start3A_170 = tpu.memref_slice %arg3[%add3A, %dma_start3A, %dma_start3A_168, %dma_start3A_169] : memref<32x125x2x80xi32, #tpu.memory_space<hbm>> -> memref<1x1x2x80xi32, #tpu.memory_space<hbm>>
    %dma_start3A_171 = tpu.memref_squeeze %dma_start3A_170 : memref<1x1x2x80xi32, #tpu.memory_space<hbm>> -> memref<2x80xi32, #tpu.memory_space<hbm>>
    tpu.enqueue_dma source(%dma_start3A_171 : memref<2x80xi32, #tpu.memory_space<hbm>>) target(%arg9 : memref<2x80xi32, #tpu.memory_space<vmem>>) target_semaphore(%arg16 : memref<!tpu.dma_semaphore, #tpu.memory_space<semaphore_mem>>)
    %dma_start3A_172 = arith.constant 1 : i32
    %dma_start3A_173 = arith.constant 0 : i32
    %dma_start3A_174 = arith.constant 0 : i32
    %dma_start3A_175 = tpu.memref_slice %arg3[%add3A, %dma_start3A_172, %dma_start3A_173, %dma_start3A_174] : memref<32x125x2x80xi32, #tpu.memory_space<hbm>> -> memref<1x1x2x80xi32, #tpu.memory_space<hbm>>
    %dma_start3A_176 = tpu.memref_squeeze %dma_start3A_175 : memref<1x1x2x80xi32, #tpu.memory_space<hbm>> -> memref<2x80xi32, #tpu.memory_space<hbm>>
    %dma_start3A_177 = arith.constant 0 : i32
    %dma_start3A_178 = arith.constant 0 : i32
    %dma_start3A_179 = tpu.memref_slice %arg3[%add3A, %dma_start3A_172, %dma_start3A_177, %dma_start3A_178] : memref<32x125x2x80xi32, #tpu.memory_space<hbm>> -> memref<1x1x2x80xi32, #tpu.memory_space<hbm>>
    %dma_start3A_180 = tpu.memref_squeeze %dma_start3A_179 : memref<1x1x2x80xi32, #tpu.memory_space<hbm>> -> memref<2x80xi32, #tpu.memory_space<hbm>>
    tpu.enqueue_dma source(%dma_start3A_180 : memref<2x80xi32, #tpu.memory_space<hbm>>) target(%arg10 : memref<2x80xi32, #tpu.memory_space<vmem>>) target_semaphore(%arg17 : memref<!tpu.dma_semaphore, #tpu.memory_space<semaphore_mem>>)
    %dma_start3A_181 = arith.constant 2 : i32
    %dma_start3A_182 = arith.constant 0 : i32
    %dma_start3A_183 = arith.constant 0 : i32
    %dma_start3A_184 = tpu.memref_slice %arg3[%add3A, %dma_start3A_181, %dma_start3A_182, %dma_start3A_183] : memref<32x125x2x80xi32, #tpu.memory_space<hbm>> -> memref<1x1x2x80xi32, #tpu.memory_space<hbm>>
    %dma_start3A_185 = tpu.memref_squeeze %dma_start3A_184 : memref<1x1x2x80xi32, #tpu.memory_space<hbm>> -> memref<2x80xi32, #tpu.memory_space<hbm>>
    %dma_start3A_186 = arith.constant 0 : i32
    %dma_start3A_187 = arith.constant 0 : i32
    %dma_start3A_188 = tpu.memref_slice %arg3[%add3A, %dma_start3A_181, %dma_start3A_186, %dma_start3A_187] : memref<32x125x2x80xi32, #tpu.memory_space<hbm>> -> memref<1x1x2x80xi32, #tpu.memory_space<hbm>>
    %dma_start3A_189 = tpu.memref_squeeze %dma_start3A_188 : memref<1x1x2x80xi32, #tpu.memory_space<hbm>> -> memref<2x80xi32, #tpu.memory_space<hbm>>
    tpu.enqueue_dma source(%dma_start3A_189 : memref<2x80xi32, #tpu.memory_space<hbm>>) target(%arg11 : memref<2x80xi32, #tpu.memory_space<vmem>>) target_semaphore(%arg18 : memref<!tpu.dma_semaphore, #tpu.memory_space<semaphore_mem>>)
    %dma_wait3A = arith.constant 0 : i32
    %dma_wait3A_190 = arith.constant 0 : i32
    %dma_wait3A_191 = arith.constant 0 : i32
    %dma_wait3A_192 = tpu.memref_slice %arg3[%add3A, %dma_wait3A, %dma_wait3A_190, %dma_wait3A_191] : memref<32x125x2x80xi32, #tpu.memory_space<hbm>> -> memref<1x1x2x80xi32, #tpu.memory_space<hbm>>
    %dma_wait3A_193 = tpu.memref_squeeze %dma_wait3A_192 : memref<1x1x2x80xi32, #tpu.memory_space<hbm>> -> memref<2x80xi32, #tpu.memory_space<hbm>>
    %dma_wait3A_194 = arith.constant 0 : i32
    %dma_wait3A_195 = arith.constant 0 : i32
    %dma_wait3A_196 = tpu.memref_slice %arg3[%add3A, %dma_wait3A, %dma_wait3A_194, %dma_wait3A_195] : memref<32x125x2x80xi32, #tpu.memory_space<hbm>> -> memref<1x1x2x80xi32, #tpu.memory_space<hbm>>
    %dma_wait3A_197 = tpu.memref_squeeze %dma_wait3A_196 : memref<1x1x2x80xi32, #tpu.memory_space<hbm>> -> memref<2x80xi32, #tpu.memory_space<hbm>>
    tpu.wait_dma2 semaphore(%arg16 : memref<!tpu.dma_semaphore, #tpu.memory_space<semaphore_mem>>) src(%dma_wait3A_197 : memref<2x80xi32, #tpu.memory_space<hbm>>) dst(%arg9 : memref<2x80xi32, #tpu.memory_space<vmem>>)
    %dma_start3A_198 = arith.constant 0 : i32
    %dma_start3A_199 = arith.constant 0 : i32
    %dma_start3A_200 = tpu.memref_slice %arg9[%dma_start3A_198, %dma_start3A_199] : memref<2x80xi32, #tpu.memory_space<vmem>> -> memref<1x80xi32, #tpu.memory_space<vmem>>
    %dma_start3A_201 = tpu.memref_squeeze %dma_start3A_200 : memref<1x80xi32, #tpu.memory_space<vmem>> -> memref<80xi32, #tpu.memory_space<vmem>>
    %dma_start3A_202 = arith.constant 0 : i32
    %dma_start3A_203 = arith.constant 0 : i32
    %dma_start3A_204 = tpu.memref_slice %arg2[%dma_start3A_202, %dma_start3A_203] : memref<10000x128xf32, #tpu.memory_space<hbm>> -> memref<10000x128xf32, #tpu.memory_space<hbm>>
    tpu.enqueue_indirect_dma source(%dma_start3A_204 : memref<10000x128xf32, #tpu.memory_space<hbm>>) target(%arg6 : memref<80x128xf32, #tpu.memory_space<vmem>>) offsets(%dma_start3A_201 : memref<80xi32, #tpu.memory_space<vmem>>) semaphore(%arg13 : memref<!tpu.dma_semaphore, #tpu.memory_space<semaphore_mem>>)
    %dma_wait3A_205 = arith.constant 1 : i32
    %dma_wait3A_206 = arith.constant 0 : i32
    %dma_wait3A_207 = arith.constant 0 : i32
    %dma_wait3A_208 = tpu.memref_slice %arg3[%add3A, %dma_wait3A_205, %dma_wait3A_206, %dma_wait3A_207] : memref<32x125x2x80xi32, #tpu.memory_space<hbm>> -> memref<1x1x2x80xi32, #tpu.memory_space<hbm>>
    %dma_wait3A_209 = tpu.memref_squeeze %dma_wait3A_208 : memref<1x1x2x80xi32, #tpu.memory_space<hbm>> -> memref<2x80xi32, #tpu.memory_space<hbm>>
    %dma_wait3A_210 = arith.constant 0 : i32
    %dma_wait3A_211 = arith.constant 0 : i32
    %dma_wait3A_212 = tpu.memref_slice %arg3[%add3A, %dma_wait3A_205, %dma_wait3A_210, %dma_wait3A_211] : memref<32x125x2x80xi32, #tpu.memory_space<hbm>> -> memref<1x1x2x80xi32, #tpu.memory_space<hbm>>
    %dma_wait3A_213 = tpu.memref_squeeze %dma_wait3A_212 : memref<1x1x2x80xi32, #tpu.memory_space<hbm>> -> memref<2x80xi32, #tpu.memory_space<hbm>>
    tpu.wait_dma2 semaphore(%arg17 : memref<!tpu.dma_semaphore, #tpu.memory_space<semaphore_mem>>) src(%dma_wait3A_213 : memref<2x80xi32, #tpu.memory_space<hbm>>) dst(%arg10 : memref<2x80xi32, #tpu.memory_space<vmem>>)
    %dma_start3A_214 = arith.constant 0 : i32
    %dma_start3A_215 = arith.constant 0 : i32
    %dma_start3A_216 = tpu.memref_slice %arg10[%dma_start3A_214, %dma_start3A_215] : memref<2x80xi32, #tpu.memory_space<vmem>> -> memref<1x80xi32, #tpu.memory_space<vmem>>
    %dma_start3A_217 = tpu.memref_squeeze %dma_start3A_216 : memref<1x80xi32, #tpu.memory_space<vmem>> -> memref<80xi32, #tpu.memory_space<vmem>>
    %dma_start3A_218 = arith.constant 0 : i32
    %dma_start3A_219 = arith.constant 0 : i32
    %dma_start3A_220 = tpu.memref_slice %arg2[%dma_start3A_218, %dma_start3A_219] : memref<10000x128xf32, #tpu.memory_space<hbm>> -> memref<10000x128xf32, #tpu.memory_space<hbm>>
    tpu.enqueue_indirect_dma source(%dma_start3A_220 : memref<10000x128xf32, #tpu.memory_space<hbm>>) target(%arg7 : memref<80x128xf32, #tpu.memory_space<vmem>>) offsets(%dma_start3A_217 : memref<80xi32, #tpu.memory_space<vmem>>) semaphore(%arg14 : memref<!tpu.dma_semaphore, #tpu.memory_space<semaphore_mem>>)
    %mul3A_221 = arith.constant 624 : i32
    %mul3A_222 = arith.muli %arg1, %mul3A_221 : i32
    "tpu.region"() ({
      %run_scoped3A_257 = tpu.sem_alloc : memref<!tpu.dma_semaphore, #tpu.memory_space<semaphore_mem>>
      %dma_start3A_258 = arith.constant 0 : i32
      %dma_start3A_259 = arith.constant 0 : i32
      %dma_start3A_260 = tpu.memref_slice %arg12[%dma_start3A_258, %dma_start3A_259] : memref<16x128xf32, #tpu.memory_space<vmem>> -> memref<8x128xf32, #tpu.memory_space<vmem>>
      %dma_start3A_261 = arith.constant 0 : i32
      %dma_start3A_262 = tpu.memref_slice %arg5[%mul3A_222, %dma_start3A_261] : memref<10000x128xf32, #tpu.memory_space<vmem_shared>> -> memref<8x128xf32, #tpu.memory_space<vmem_shared>>
      %dma_start3A_263 = arith.constant 0 : i32
      %dma_start3A_264 = arith.constant 0 : i32
      %dma_start3A_265 = tpu.memref_slice %arg12[%dma_start3A_263, %dma_start3A_264] : memref<16x128xf32, #tpu.memory_space<vmem>> -> memref<8x128xf32, #tpu.memory_space<vmem>>
      %dma_start3A_266 = arith.constant 0 : i32
      %dma_start3A_267 = tpu.memref_slice %arg5[%mul3A_222, %dma_start3A_266] : memref<10000x128xf32, #tpu.memory_space<vmem_shared>> -> memref<8x128xf32, #tpu.memory_space<vmem_shared>>
      tpu.enqueue_dma source(%dma_start3A_267 : memref<8x128xf32, #tpu.memory_space<vmem_shared>>) target(%dma_start3A_265 : memref<8x128xf32, #tpu.memory_space<vmem>>) target_semaphore(%run_scoped3A_257 : memref<!tpu.dma_semaphore, #tpu.memory_space<semaphore_mem>>)
      %dma_wait3A_268 = arith.constant 0 : i32
      %dma_wait3A_269 = arith.constant 0 : i32
      %dma_wait3A_270 = tpu.memref_slice %arg12[%dma_wait3A_268, %dma_wait3A_269] : memref<16x128xf32, #tpu.memory_space<vmem>> -> memref<8x128xf32, #tpu.memory_space<vmem>>
      %dma_wait3A_271 = arith.constant 0 : i32
      %dma_wait3A_272 = tpu.memref_slice %arg5[%mul3A_222, %dma_wait3A_271] : memref<10000x128xf32, #tpu.memory_space<vmem_shared>> -> memref<8x128xf32, #tpu.memory_space<vmem_shared>>
      %dma_wait3A_273 = arith.constant 0 : i32
      %dma_wait3A_274 = arith.constant 0 : i32
      %dma_wait3A_275 = tpu.memref_slice %arg12[%dma_wait3A_273, %dma_wait3A_274] : memref<16x128xf32, #tpu.memory_space<vmem>> -> memref<8x128xf32, #tpu.memory_space<vmem>>
      %dma_wait3A_276 = arith.constant 0 : i32
      %dma_wait3A_277 = tpu.memref_slice %arg5[%mul3A_222, %dma_wait3A_276] : memref<10000x128xf32, #tpu.memory_space<vmem_shared>> -> memref<8x128xf32, #tpu.memory_space<vmem_shared>>
      tpu.wait_dma2 semaphore(%run_scoped3A_257 : memref<!tpu.dma_semaphore, #tpu.memory_space<semaphore_mem>>) src(%dma_wait3A_277 : memref<8x128xf32, #tpu.memory_space<vmem_shared>>) dst(%dma_wait3A_275 : memref<8x128xf32, #tpu.memory_space<vmem>>)
      tpu.yield
    }) : () -> ()
    %barrier3A = arith.constant 0 : index
    tpu.barrier barrier_id(%barrier3A)
    %scan3A_223 = arith.constant 0 : i32
    %scan3A_224 = arith.constant 0 : i32
    %scan3A_225 = arith.constant 41 : i32
    %scan3A_226 = arith.addi %scan3A_224, %scan3A_225 : i32
    %scan3A_227 = arith.constant 1 : i32
    scf.for %scan3A_257 = %scan3A_224 to %scan3A_226 step %scan3A_227  : i32 {
      %mul3A_258 = arith.constant 3 : i32
      %mul3A_259 = arith.muli %mul3A_258, %scan3A_257 : i32
      %add3A_260 = arith.constant 0 : i32
      %add3A_261 = arith.addi %mul3A_259, %add3A_260 : i32
      %dma_wait3A_262 = arith.constant 0 : i32
      %dma_wait3A_263 = arith.constant 0 : i32
      %dma_wait3A_264 = tpu.memref_slice %arg9[%dma_wait3A_262, %dma_wait3A_263] : memref<2x80xi32, #tpu.memory_space<vmem>> -> memref<1x80xi32, #tpu.memory_space<vmem>>
      %dma_wait3A_265 = tpu.memref_squeeze %dma_wait3A_264 : memref<1x80xi32, #tpu.memory_space<vmem>> -> memref<80xi32, #tpu.memory_space<vmem>>
      %dma_wait3A_266 = arith.constant 0 : i32
      %dma_wait3A_267 = arith.constant 0 : i32
      %dma_wait3A_268 = tpu.memref_slice %arg2[%dma_wait3A_266, %dma_wait3A_267] : memref<10000x128xf32, #tpu.memory_space<hbm>> -> memref<10000x128xf32, #tpu.memory_space<hbm>>
      tpu.wait_indirect_dma semaphore(%arg13 : memref<!tpu.dma_semaphore, #tpu.memory_space<semaphore_mem>>) src(%dma_wait3A_268 : memref<10000x128xf32, #tpu.memory_space<hbm>>) dst(%arg6 : memref<80x128xf32, #tpu.memory_space<vmem>>)
      %run_scoped3A_269 = arith.constant 1 : i32
      "tpu.region"() ({
        %run_scoped3A_323 = tpu.sem_alloc : memref<!tpu.dma_semaphore, #tpu.memory_space<semaphore_mem>>
        %dma_start3A_324 = arith.constant 0 : i32
        %dma_start3A_325 = tpu.memref_slice %arg9[%run_scoped3A_269, %dma_start3A_324] : memref<2x80xi32, #tpu.memory_space<vmem>> -> memref<1x80xi32, #tpu.memory_space<vmem>>
        %dma_start3A_326 = tpu.memref_squeeze %dma_start3A_325 : memref<1x80xi32, #tpu.memory_space<vmem>> -> memref<80xi32, #tpu.memory_space<vmem>>
        %dma_start3A_327 = arith.constant 0 : i32
        %dma_start3A_328 = arith.constant 0 : i32
        %dma_start3A_329 = tpu.memref_slice %arg5[%dma_start3A_327, %dma_start3A_328] : memref<10000x128xf32, #tpu.memory_space<vmem_shared>> -> memref<10000x128xf32, #tpu.memory_space<vmem_shared>>
        tpu.enqueue_indirect_dma source(%arg6 : memref<80x128xf32, #tpu.memory_space<vmem>>) target(%dma_start3A_329 : memref<10000x128xf32, #tpu.memory_space<vmem_shared>>) offsets(%dma_start3A_326 : memref<80xi32, #tpu.memory_space<vmem>>) semaphore(%run_scoped3A_323 : memref<!tpu.dma_semaphore, #tpu.memory_space<semaphore_mem>>) {add = true}
        %dma_wait3A_330 = arith.constant 0 : i32
        %dma_wait3A_331 = tpu.memref_slice %arg9[%run_scoped3A_269, %dma_wait3A_330] : memref<2x80xi32, #tpu.memory_space<vmem>> -> memref<1x80xi32, #tpu.memory_space<vmem>>
        %dma_wait3A_332 = tpu.memref_squeeze %dma_wait3A_331 : memref<1x80xi32, #tpu.memory_space<vmem>> -> memref<80xi32, #tpu.memory_space<vmem>>
        %dma_wait3A_333 = arith.constant 0 : i32
        %dma_wait3A_334 = arith.constant 0 : i32
        %dma_wait3A_335 = tpu.memref_slice %arg5[%dma_wait3A_333, %dma_wait3A_334] : memref<10000x128xf32, #tpu.memory_space<vmem_shared>> -> memref<10000x128xf32, #tpu.memory_space<vmem_shared>>
        tpu.wait_indirect_dma semaphore(%run_scoped3A_323 : memref<!tpu.dma_semaphore, #tpu.memory_space<semaphore_mem>>) src(%arg6 : memref<80x128xf32, #tpu.memory_space<vmem>>) dst(%dma_wait3A_335 : memref<10000x128xf32, #tpu.memory_space<vmem_shared>>)
        tpu.yield
      }) : () -> ()
      %le3A = arith.constant 121 : i32
      %le3A_270 = arith.cmpi sle, %add3A_261, %le3A : i32
      %convert_element_type3A_271 = arith.extui %le3A_270 : i1 to i32
      %cond3A_272 = arith.constant 0 : i32
      %cond3A_273 = arith.cmpi ne, %convert_element_type3A_271, %cond3A_272 : i32
      scf.if %cond3A_273 {
        %add3A_323 = arith.constant 3 : i32
        %add3A_324 = arith.addi %add3A_261, %add3A_323 : i32
        %dma_start3A_325 = arith.constant 0 : i32
        %dma_start3A_326 = arith.constant 0 : i32
        %dma_start3A_327 = tpu.memref_slice %arg3[%add3A, %add3A_324, %dma_start3A_325, %dma_start3A_326] : memref<32x125x2x80xi32, #tpu.memory_space<hbm>> -> memref<1x1x2x80xi32, #tpu.memory_space<hbm>>
        %dma_start3A_328 = tpu.memref_squeeze %dma_start3A_327 : memref<1x1x2x80xi32, #tpu.memory_space<hbm>> -> memref<2x80xi32, #tpu.memory_space<hbm>>
        %dma_start3A_329 = arith.constant 0 : i32
        %dma_start3A_330 = arith.constant 0 : i32
        %dma_start3A_331 = tpu.memref_slice %arg3[%add3A, %add3A_324, %dma_start3A_329, %dma_start3A_330] : memref<32x125x2x80xi32, #tpu.memory_space<hbm>> -> memref<1x1x2x80xi32, #tpu.memory_space<hbm>>
        %dma_start3A_332 = tpu.memref_squeeze %dma_start3A_331 : memref<1x1x2x80xi32, #tpu.memory_space<hbm>> -> memref<2x80xi32, #tpu.memory_space<hbm>>
        tpu.enqueue_dma source(%dma_start3A_332 : memref<2x80xi32, #tpu.memory_space<hbm>>) target(%arg9 : memref<2x80xi32, #tpu.memory_space<vmem>>) target_semaphore(%arg16 : memref<!tpu.dma_semaphore, #tpu.memory_space<semaphore_mem>>)
      } else {
      }
      %le3A_274 = arith.constant 122 : i32
      %le3A_275 = arith.cmpi sle, %add3A_261, %le3A_274 : i32
      %convert_element_type3A_276 = arith.extui %le3A_275 : i1 to i32
      %cond3A_277 = arith.constant 0 : i32
      %cond3A_278 = arith.cmpi ne, %convert_element_type3A_276, %cond3A_277 : i32
      scf.if %cond3A_278 {
        %add3A_323 = arith.constant 2 : i32
        %add3A_324 = arith.addi %add3A_261, %add3A_323 : i32
        %dma_wait3A_325 = arith.constant 0 : i32
        %dma_wait3A_326 = arith.constant 0 : i32
        %dma_wait3A_327 = tpu.memref_slice %arg3[%add3A, %add3A_324, %dma_wait3A_325, %dma_wait3A_326] : memref<32x125x2x80xi32, #tpu.memory_space<hbm>> -> memref<1x1x2x80xi32, #tpu.memory_space<hbm>>
        %dma_wait3A_328 = tpu.memref_squeeze %dma_wait3A_327 : memref<1x1x2x80xi32, #tpu.memory_space<hbm>> -> memref<2x80xi32, #tpu.memory_space<hbm>>
        %dma_wait3A_329 = arith.constant 0 : i32
        %dma_wait3A_330 = arith.constant 0 : i32
        %dma_wait3A_331 = tpu.memref_slice %arg3[%add3A, %add3A_324, %dma_wait3A_329, %dma_wait3A_330] : memref<32x125x2x80xi32, #tpu.memory_space<hbm>> -> memref<1x1x2x80xi32, #tpu.memory_space<hbm>>
        %dma_wait3A_332 = tpu.memref_squeeze %dma_wait3A_331 : memref<1x1x2x80xi32, #tpu.memory_space<hbm>> -> memref<2x80xi32, #tpu.memory_space<hbm>>
        tpu.wait_dma2 semaphore(%arg18 : memref<!tpu.dma_semaphore, #tpu.memory_space<semaphore_mem>>) src(%dma_wait3A_332 : memref<2x80xi32, #tpu.memory_space<hbm>>) dst(%arg11 : memref<2x80xi32, #tpu.memory_space<vmem>>)
        %dma_start3A_333 = arith.constant 0 : i32
        %dma_start3A_334 = arith.constant 0 : i32
        %dma_start3A_335 = tpu.memref_slice %arg11[%dma_start3A_333, %dma_start3A_334] : memref<2x80xi32, #tpu.memory_space<vmem>> -> memref<1x80xi32, #tpu.memory_space<vmem>>
        %dma_start3A_336 = tpu.memref_squeeze %dma_start3A_335 : memref<1x80xi32, #tpu.memory_space<vmem>> -> memref<80xi32, #tpu.memory_space<vmem>>
        %dma_start3A_337 = arith.constant 0 : i32
        %dma_start3A_338 = arith.constant 0 : i32
        %dma_start3A_339 = tpu.memref_slice %arg2[%dma_start3A_337, %dma_start3A_338] : memref<10000x128xf32, #tpu.memory_space<hbm>> -> memref<10000x128xf32, #tpu.memory_space<hbm>>
        tpu.enqueue_indirect_dma source(%dma_start3A_339 : memref<10000x128xf32, #tpu.memory_space<hbm>>) target(%arg8 : memref<80x128xf32, #tpu.memory_space<vmem>>) offsets(%dma_start3A_336 : memref<80xi32, #tpu.memory_space<vmem>>) semaphore(%arg15 : memref<!tpu.dma_semaphore, #tpu.memory_space<semaphore_mem>>)
      } else {
      }
      %mul3A_279 = arith.constant 3 : i32
      %mul3A_280 = arith.muli %mul3A_279, %scan3A_257 : i32
      %add3A_281 = arith.constant 1 : i32
      %add3A_282 = arith.addi %mul3A_280, %add3A_281 : i32
      %dma_wait3A_283 = arith.constant 0 : i32
      %dma_wait3A_284 = arith.constant 0 : i32
      %dma_wait3A_285 = tpu.memref_slice %arg10[%dma_wait3A_283, %dma_wait3A_284] : memref<2x80xi32, #tpu.memory_space<vmem>> -> memref<1x80xi32, #tpu.memory_space<vmem>>
      %dma_wait3A_286 = tpu.memref_squeeze %dma_wait3A_285 : memref<1x80xi32, #tpu.memory_space<vmem>> -> memref<80xi32, #tpu.memory_space<vmem>>
      %dma_wait3A_287 = arith.constant 0 : i32
      %dma_wait3A_288 = arith.constant 0 : i32
      %dma_wait3A_289 = tpu.memref_slice %arg2[%dma_wait3A_287, %dma_wait3A_288] : memref<10000x128xf32, #tpu.memory_space<hbm>> -> memref<10000x128xf32, #tpu.memory_space<hbm>>
      tpu.wait_indirect_dma semaphore(%arg14 : memref<!tpu.dma_semaphore, #tpu.memory_space<semaphore_mem>>) src(%dma_wait3A_289 : memref<10000x128xf32, #tpu.memory_space<hbm>>) dst(%arg7 : memref<80x128xf32, #tpu.memory_space<vmem>>)
      %run_scoped3A_290 = arith.constant 1 : i32
      "tpu.region"() ({
        %run_scoped3A_323 = tpu.sem_alloc : memref<!tpu.dma_semaphore, #tpu.memory_space<semaphore_mem>>
        %dma_start3A_324 = arith.constant 0 : i32
        %dma_start3A_325 = tpu.memref_slice %arg10[%run_scoped3A_290, %dma_start3A_324] : memref<2x80xi32, #tpu.memory_space<vmem>> -> memref<1x80xi32, #tpu.memory_space<vmem>>
        %dma_start3A_326 = tpu.memref_squeeze %dma_start3A_325 : memref<1x80xi32, #tpu.memory_space<vmem>> -> memref<80xi32, #tpu.memory_space<vmem>>
        %dma_start3A_327 = arith.constant 0 : i32
        %dma_start3A_328 = arith.constant 0 : i32
        %dma_start3A_329 = tpu.memref_slice %arg5[%dma_start3A_327, %dma_start3A_328] : memref<10000x128xf32, #tpu.memory_space<vmem_shared>> -> memref<10000x128xf32, #tpu.memory_space<vmem_shared>>
        tpu.enqueue_indirect_dma source(%arg7 : memref<80x128xf32, #tpu.memory_space<vmem>>) target(%dma_start3A_329 : memref<10000x128xf32, #tpu.memory_space<vmem_shared>>) offsets(%dma_start3A_326 : memref<80xi32, #tpu.memory_space<vmem>>) semaphore(%run_scoped3A_323 : memref<!tpu.dma_semaphore, #tpu.memory_space<semaphore_mem>>) {add = true}
        %dma_wait3A_330 = arith.constant 0 : i32
        %dma_wait3A_331 = tpu.memref_slice %arg10[%run_scoped3A_290, %dma_wait3A_330] : memref<2x80xi32, #tpu.memory_space<vmem>> -> memref<1x80xi32, #tpu.memory_space<vmem>>
        %dma_wait3A_332 = tpu.memref_squeeze %dma_wait3A_331 : memref<1x80xi32, #tpu.memory_space<vmem>> -> memref<80xi32, #tpu.memory_space<vmem>>
        %dma_wait3A_333 = arith.constant 0 : i32
        %dma_wait3A_334 = arith.constant 0 : i32
        %dma_wait3A_335 = tpu.memref_slice %arg5[%dma_wait3A_333, %dma_wait3A_334] : memref<10000x128xf32, #tpu.memory_space<vmem_shared>> -> memref<10000x128xf32, #tpu.memory_space<vmem_shared>>
        tpu.wait_indirect_dma semaphore(%run_scoped3A_323 : memref<!tpu.dma_semaphore, #tpu.memory_space<semaphore_mem>>) src(%arg7 : memref<80x128xf32, #tpu.memory_space<vmem>>) dst(%dma_wait3A_335 : memref<10000x128xf32, #tpu.memory_space<vmem_shared>>)
        tpu.yield
      }) : () -> ()
      %le3A_291 = arith.constant 121 : i32
      %le3A_292 = arith.cmpi sle, %add3A_282, %le3A_291 : i32
      %convert_element_type3A_293 = arith.extui %le3A_292 : i1 to i32
      %cond3A_294 = arith.constant 0 : i32
      %cond3A_295 = arith.cmpi ne, %convert_element_type3A_293, %cond3A_294 : i32
      scf.if %cond3A_295 {
        %add3A_323 = arith.constant 3 : i32
        %add3A_324 = arith.addi %add3A_282, %add3A_323 : i32
        %dma_start3A_325 = arith.constant 0 : i32
        %dma_start3A_326 = arith.constant 0 : i32
        %dma_start3A_327 = tpu.memref_slice %arg3[%add3A, %add3A_324, %dma_start3A_325, %dma_start3A_326] : memref<32x125x2x80xi32, #tpu.memory_space<hbm>> -> memref<1x1x2x80xi32, #tpu.memory_space<hbm>>
        %dma_start3A_328 = tpu.memref_squeeze %dma_start3A_327 : memref<1x1x2x80xi32, #tpu.memory_space<hbm>> -> memref<2x80xi32, #tpu.memory_space<hbm>>
        %dma_start3A_329 = arith.constant 0 : i32
        %dma_start3A_330 = arith.constant 0 : i32
        %dma_start3A_331 = tpu.memref_slice %arg3[%add3A, %add3A_324, %dma_start3A_329, %dma_start3A_330] : memref<32x125x2x80xi32, #tpu.memory_space<hbm>> -> memref<1x1x2x80xi32, #tpu.memory_space<hbm>>
        %dma_start3A_332 = tpu.memref_squeeze %dma_start3A_331 : memref<1x1x2x80xi32, #tpu.memory_space<hbm>> -> memref<2x80xi32, #tpu.memory_space<hbm>>
        tpu.enqueue_dma source(%dma_start3A_332 : memref<2x80xi32, #tpu.memory_space<hbm>>) target(%arg10 : memref<2x80xi32, #tpu.memory_space<vmem>>) target_semaphore(%arg17 : memref<!tpu.dma_semaphore, #tpu.memory_space<semaphore_mem>>)
      } else {
      }
      %le3A_296 = arith.constant 122 : i32
      %le3A_297 = arith.cmpi sle, %add3A_282, %le3A_296 : i32
      %convert_element_type3A_298 = arith.extui %le3A_297 : i1 to i32
      %cond3A_299 = arith.constant 0 : i32
      %cond3A_300 = arith.cmpi ne, %convert_element_type3A_298, %cond3A_299 : i32
      scf.if %cond3A_300 {
        %add3A_323 = arith.constant 2 : i32
        %add3A_324 = arith.addi %add3A_282, %add3A_323 : i32
        %dma_wait3A_325 = arith.constant 0 : i32
        %dma_wait3A_326 = arith.constant 0 : i32
        %dma_wait3A_327 = tpu.memref_slice %arg3[%add3A, %add3A_324, %dma_wait3A_325, %dma_wait3A_326] : memref<32x125x2x80xi32, #tpu.memory_space<hbm>> -> memref<1x1x2x80xi32, #tpu.memory_space<hbm>>
        %dma_wait3A_328 = tpu.memref_squeeze %dma_wait3A_327 : memref<1x1x2x80xi32, #tpu.memory_space<hbm>> -> memref<2x80xi32, #tpu.memory_space<hbm>>
        %dma_wait3A_329 = arith.constant 0 : i32
        %dma_wait3A_330 = arith.constant 0 : i32
        %dma_wait3A_331 = tpu.memref_slice %arg3[%add3A, %add3A_324, %dma_wait3A_329, %dma_wait3A_330] : memref<32x125x2x80xi32, #tpu.memory_space<hbm>> -> memref<1x1x2x80xi32, #tpu.memory_space<hbm>>
        %dma_wait3A_332 = tpu.memref_squeeze %dma_wait3A_331 : memref<1x1x2x80xi32, #tpu.memory_space<hbm>> -> memref<2x80xi32, #tpu.memory_space<hbm>>
        tpu.wait_dma2 semaphore(%arg16 : memref<!tpu.dma_semaphore, #tpu.memory_space<semaphore_mem>>) src(%dma_wait3A_332 : memref<2x80xi32, #tpu.memory_space<hbm>>) dst(%arg9 : memref<2x80xi32, #tpu.memory_space<vmem>>)
        %dma_start3A_333 = arith.constant 0 : i32
        %dma_start3A_334 = arith.constant 0 : i32
        %dma_start3A_335 = tpu.memref_slice %arg9[%dma_start3A_333, %dma_start3A_334] : memref<2x80xi32, #tpu.memory_space<vmem>> -> memref<1x80xi32, #tpu.memory_space<vmem>>
        %dma_start3A_336 = tpu.memref_squeeze %dma_start3A_335 : memref<1x80xi32, #tpu.memory_space<vmem>> -> memref<80xi32, #tpu.memory_space<vmem>>
        %dma_start3A_337 = arith.constant 0 : i32
        %dma_start3A_338 = arith.constant 0 : i32
        %dma_start3A_339 = tpu.memref_slice %arg2[%dma_start3A_337, %dma_start3A_338] : memref<10000x128xf32, #tpu.memory_space<hbm>> -> memref<10000x128xf32, #tpu.memory_space<hbm>>
        tpu.enqueue_indirect_dma source(%dma_start3A_339 : memref<10000x128xf32, #tpu.memory_space<hbm>>) target(%arg6 : memref<80x128xf32, #tpu.memory_space<vmem>>) offsets(%dma_start3A_336 : memref<80xi32, #tpu.memory_space<vmem>>) semaphore(%arg13 : memref<!tpu.dma_semaphore, #tpu.memory_space<semaphore_mem>>)
      } else {
      }
      %mul3A_301 = arith.constant 3 : i32
      %mul3A_302 = arith.muli %mul3A_301, %scan3A_257 : i32
      %add3A_303 = arith.constant 2 : i32
      %add3A_304 = arith.addi %mul3A_302, %add3A_303 : i32
      %dma_wait3A_305 = arith.constant 0 : i32
      %dma_wait3A_306 = arith.constant 0 : i32
      %dma_wait3A_307 = tpu.memref_slice %arg11[%dma_wait3A_305, %dma_wait3A_306] : memref<2x80xi32, #tpu.memory_space<vmem>> -> memref<1x80xi32, #tpu.memory_space<vmem>>
      %dma_wait3A_308 = tpu.memref_squeeze %dma_wait3A_307 : memref<1x80xi32, #tpu.memory_space<vmem>> -> memref<80xi32, #tpu.memory_space<vmem>>
      %dma_wait3A_309 = arith.constant 0 : i32
      %dma_wait3A_310 = arith.constant 0 : i32
      %dma_wait3A_311 = tpu.memref_slice %arg2[%dma_wait3A_309, %dma_wait3A_310] : memref<10000x128xf32, #tpu.memory_space<hbm>> -> memref<10000x128xf32, #tpu.memory_space<hbm>>
      tpu.wait_indirect_dma semaphore(%arg15 : memref<!tpu.dma_semaphore, #tpu.memory_space<semaphore_mem>>) src(%dma_wait3A_311 : memref<10000x128xf32, #tpu.memory_space<hbm>>) dst(%arg8 : memref<80x128xf32, #tpu.memory_space<vmem>>)
      %run_scoped3A_312 = arith.constant 1 : i32
      "tpu.region"() ({
        %run_scoped3A_323 = tpu.sem_alloc : memref<!tpu.dma_semaphore, #tpu.memory_space<semaphore_mem>>
        %dma_start3A_324 = arith.constant 0 : i32
        %dma_start3A_325 = tpu.memref_slice %arg11[%run_scoped3A_312, %dma_start3A_324] : memref<2x80xi32, #tpu.memory_space<vmem>> -> memref<1x80xi32, #tpu.memory_space<vmem>>
        %dma_start3A_326 = tpu.memref_squeeze %dma_start3A_325 : memref<1x80xi32, #tpu.memory_space<vmem>> -> memref<80xi32, #tpu.memory_space<vmem>>
        %dma_start3A_327 = arith.constant 0 : i32
        %dma_start3A_328 = arith.constant 0 : i32
        %dma_start3A_329 = tpu.memref_slice %arg5[%dma_start3A_327, %dma_start3A_328] : memref<10000x128xf32, #tpu.memory_space<vmem_shared>> -> memref<10000x128xf32, #tpu.memory_space<vmem_shared>>
        tpu.enqueue_indirect_dma source(%arg8 : memref<80x128xf32, #tpu.memory_space<vmem>>) target(%dma_start3A_329 : memref<10000x128xf32, #tpu.memory_space<vmem_shared>>) offsets(%dma_start3A_326 : memref<80xi32, #tpu.memory_space<vmem>>) semaphore(%run_scoped3A_323 : memref<!tpu.dma_semaphore, #tpu.memory_space<semaphore_mem>>) {add = true}
        %dma_wait3A_330 = arith.constant 0 : i32
        %dma_wait3A_331 = tpu.memref_slice %arg11[%run_scoped3A_312, %dma_wait3A_330] : memref<2x80xi32, #tpu.memory_space<vmem>> -> memref<1x80xi32, #tpu.memory_space<vmem>>
        %dma_wait3A_332 = tpu.memref_squeeze %dma_wait3A_331 : memref<1x80xi32, #tpu.memory_space<vmem>> -> memref<80xi32, #tpu.memory_space<vmem>>
        %dma_wait3A_333 = arith.constant 0 : i32
        %dma_wait3A_334 = arith.constant 0 : i32
        %dma_wait3A_335 = tpu.memref_slice %arg5[%dma_wait3A_333, %dma_wait3A_334] : memref<10000x128xf32, #tpu.memory_space<vmem_shared>> -> memref<10000x128xf32, #tpu.memory_space<vmem_shared>>
        tpu.wait_indirect_dma semaphore(%run_scoped3A_323 : memref<!tpu.dma_semaphore, #tpu.memory_space<semaphore_mem>>) src(%arg8 : memref<80x128xf32, #tpu.memory_space<vmem>>) dst(%dma_wait3A_335 : memref<10000x128xf32, #tpu.memory_space<vmem_shared>>)
        tpu.yield
      }) : () -> ()
      %le3A_313 = arith.constant 121 : i32
      %le3A_314 = arith.cmpi sle, %add3A_304, %le3A_313 : i32
      %convert_element_type3A_315 = arith.extui %le3A_314 : i1 to i32
      %cond3A_316 = arith.constant 0 : i32
      %cond3A_317 = arith.cmpi ne, %convert_element_type3A_315, %cond3A_316 : i32
      scf.if %cond3A_317 {
        %add3A_323 = arith.constant 3 : i32
        %add3A_324 = arith.addi %add3A_304, %add3A_323 : i32
        %dma_start3A_325 = arith.constant 0 : i32
        %dma_start3A_326 = arith.constant 0 : i32
        %dma_start3A_327 = tpu.memref_slice %arg3[%add3A, %add3A_324, %dma_start3A_325, %dma_start3A_326] : memref<32x125x2x80xi32, #tpu.memory_space<hbm>> -> memref<1x1x2x80xi32, #tpu.memory_space<hbm>>
        %dma_start3A_328 = tpu.memref_squeeze %dma_start3A_327 : memref<1x1x2x80xi32, #tpu.memory_space<hbm>> -> memref<2x80xi32, #tpu.memory_space<hbm>>
        %dma_start3A_329 = arith.constant 0 : i32
        %dma_start3A_330 = arith.constant 0 : i32
        %dma_start3A_331 = tpu.memref_slice %arg3[%add3A, %add3A_324, %dma_start3A_329, %dma_start3A_330] : memref<32x125x2x80xi32, #tpu.memory_space<hbm>> -> memref<1x1x2x80xi32, #tpu.memory_space<hbm>>
        %dma_start3A_332 = tpu.memref_squeeze %dma_start3A_331 : memref<1x1x2x80xi32, #tpu.memory_space<hbm>> -> memref<2x80xi32, #tpu.memory_space<hbm>>
        tpu.enqueue_dma source(%dma_start3A_332 : memref<2x80xi32, #tpu.memory_space<hbm>>) target(%arg11 : memref<2x80xi32, #tpu.memory_space<vmem>>) target_semaphore(%arg18 : memref<!tpu.dma_semaphore, #tpu.memory_space<semaphore_mem>>)
      } else {
      }
      %le3A_318 = arith.constant 122 : i32
      %le3A_319 = arith.cmpi sle, %add3A_304, %le3A_318 : i32
      %convert_element_type3A_320 = arith.extui %le3A_319 : i1 to i32
      %cond3A_321 = arith.constant 0 : i32
      %cond3A_322 = arith.cmpi ne, %convert_element_type3A_320, %cond3A_321 : i32
      scf.if %cond3A_322 {
        %add3A_323 = arith.constant 2 : i32
        %add3A_324 = arith.addi %add3A_304, %add3A_323 : i32
        %dma_wait3A_325 = arith.constant 0 : i32
        %dma_wait3A_326 = arith.constant 0 : i32
        %dma_wait3A_327 = tpu.memref_slice %arg3[%add3A, %add3A_324, %dma_wait3A_325, %dma_wait3A_326] : memref<32x125x2x80xi32, #tpu.memory_space<hbm>> -> memref<1x1x2x80xi32, #tpu.memory_space<hbm>>
        %dma_wait3A_328 = tpu.memref_squeeze %dma_wait3A_327 : memref<1x1x2x80xi32, #tpu.memory_space<hbm>> -> memref<2x80xi32, #tpu.memory_space<hbm>>
        %dma_wait3A_329 = arith.constant 0 : i32
        %dma_wait3A_330 = arith.constant 0 : i32
        %dma_wait3A_331 = tpu.memref_slice %arg3[%add3A, %add3A_324, %dma_wait3A_329, %dma_wait3A_330] : memref<32x125x2x80xi32, #tpu.memory_space<hbm>> -> memref<1x1x2x80xi32, #tpu.memory_space<hbm>>
        %dma_wait3A_332 = tpu.memref_squeeze %dma_wait3A_331 : memref<1x1x2x80xi32, #tpu.memory_space<hbm>> -> memref<2x80xi32, #tpu.memory_space<hbm>>
        tpu.wait_dma2 semaphore(%arg17 : memref<!tpu.dma_semaphore, #tpu.memory_space<semaphore_mem>>) src(%dma_wait3A_332 : memref<2x80xi32, #tpu.memory_space<hbm>>) dst(%arg10 : memref<2x80xi32, #tpu.memory_space<vmem>>)
        %dma_start3A_333 = arith.constant 0 : i32
        %dma_start3A_334 = arith.constant 0 : i32
        %dma_start3A_335 = tpu.memref_slice %arg10[%dma_start3A_333, %dma_start3A_334] : memref<2x80xi32, #tpu.memory_space<vmem>> -> memref<1x80xi32, #tpu.memory_space<vmem>>
        %dma_start3A_336 = tpu.memref_squeeze %dma_start3A_335 : memref<1x80xi32, #tpu.memory_space<vmem>> -> memref<80xi32, #tpu.memory_space<vmem>>
        %dma_start3A_337 = arith.constant 0 : i32
        %dma_start3A_338 = arith.constant 0 : i32
        %dma_start3A_339 = tpu.memref_slice %arg2[%dma_start3A_337, %dma_start3A_338] : memref<10000x128xf32, #tpu.memory_space<hbm>> -> memref<10000x128xf32, #tpu.memory_space<hbm>>
        tpu.enqueue_indirect_dma source(%dma_start3A_339 : memref<10000x128xf32, #tpu.memory_space<hbm>>) target(%arg7 : memref<80x128xf32, #tpu.memory_space<vmem>>) offsets(%dma_start3A_336 : memref<80xi32, #tpu.memory_space<vmem>>) semaphore(%arg14 : memref<!tpu.dma_semaphore, #tpu.memory_space<semaphore_mem>>)
      } else {
      }
    }
    %scan3A_228 = arith.constant 41 : i32
    %dma_wait3A_229 = arith.constant 0 : i32
    %dma_wait3A_230 = arith.constant 0 : i32
    %dma_wait3A_231 = tpu.memref_slice %arg9[%dma_wait3A_229, %dma_wait3A_230] : memref<2x80xi32, #tpu.memory_space<vmem>> -> memref<1x80xi32, #tpu.memory_space<vmem>>
    %dma_wait3A_232 = tpu.memref_squeeze %dma_wait3A_231 : memref<1x80xi32, #tpu.memory_space<vmem>> -> memref<80xi32, #tpu.memory_space<vmem>>
    %dma_wait3A_233 = arith.constant 0 : i32
    %dma_wait3A_234 = arith.constant 0 : i32
    %dma_wait3A_235 = tpu.memref_slice %arg2[%dma_wait3A_233, %dma_wait3A_234] : memref<10000x128xf32, #tpu.memory_space<hbm>> -> memref<10000x128xf32, #tpu.memory_space<hbm>>
    tpu.wait_indirect_dma semaphore(%arg13 : memref<!tpu.dma_semaphore, #tpu.memory_space<semaphore_mem>>) src(%dma_wait3A_235 : memref<10000x128xf32, #tpu.memory_space<hbm>>) dst(%arg6 : memref<80x128xf32, #tpu.memory_space<vmem>>)
    %run_scoped3A = arith.constant 1 : i32
    "tpu.region"() ({
      %run_scoped3A_257 = tpu.sem_alloc : memref<!tpu.dma_semaphore, #tpu.memory_space<semaphore_mem>>
      %dma_start3A_258 = arith.constant 0 : i32
      %dma_start3A_259 = tpu.memref_slice %arg9[%run_scoped3A, %dma_start3A_258] : memref<2x80xi32, #tpu.memory_space<vmem>> -> memref<1x80xi32, #tpu.memory_space<vmem>>
      %dma_start3A_260 = tpu.memref_squeeze %dma_start3A_259 : memref<1x80xi32, #tpu.memory_space<vmem>> -> memref<80xi32, #tpu.memory_space<vmem>>
      %dma_start3A_261 = arith.constant 0 : i32
      %dma_start3A_262 = arith.constant 0 : i32
      %dma_start3A_263 = tpu.memref_slice %arg5[%dma_start3A_261, %dma_start3A_262] : memref<10000x128xf32, #tpu.memory_space<vmem_shared>> -> memref<10000x128xf32, #tpu.memory_space<vmem_shared>>
      tpu.enqueue_indirect_dma source(%arg6 : memref<80x128xf32, #tpu.memory_space<vmem>>) target(%dma_start3A_263 : memref<10000x128xf32, #tpu.memory_space<vmem_shared>>) offsets(%dma_start3A_260 : memref<80xi32, #tpu.memory_space<vmem>>) semaphore(%run_scoped3A_257 : memref<!tpu.dma_semaphore, #tpu.memory_space<semaphore_mem>>) {add = true}
      %dma_wait3A_264 = arith.constant 0 : i32
      %dma_wait3A_265 = tpu.memref_slice %arg9[%run_scoped3A, %dma_wait3A_264] : memref<2x80xi32, #tpu.memory_space<vmem>> -> memref<1x80xi32, #tpu.memory_space<vmem>>
      %dma_wait3A_266 = tpu.memref_squeeze %dma_wait3A_265 : memref<1x80xi32, #tpu.memory_space<vmem>> -> memref<80xi32, #tpu.memory_space<vmem>>
      %dma_wait3A_267 = arith.constant 0 : i32
      %dma_wait3A_268 = arith.constant 0 : i32
      %dma_wait3A_269 = tpu.memref_slice %arg5[%dma_wait3A_267, %dma_wait3A_268] : memref<10000x128xf32, #tpu.memory_space<vmem_shared>> -> memref<10000x128xf32, #tpu.memory_space<vmem_shared>>
      tpu.wait_indirect_dma semaphore(%run_scoped3A_257 : memref<!tpu.dma_semaphore, #tpu.memory_space<semaphore_mem>>) src(%arg6 : memref<80x128xf32, #tpu.memory_space<vmem>>) dst(%dma_wait3A_269 : memref<10000x128xf32, #tpu.memory_space<vmem_shared>>)
      tpu.yield
    }) : () -> ()
    %dma_wait3A_236 = arith.constant 0 : i32
    %dma_wait3A_237 = arith.constant 0 : i32
    %dma_wait3A_238 = tpu.memref_slice %arg10[%dma_wait3A_236, %dma_wait3A_237] : memref<2x80xi32, #tpu.memory_space<vmem>> -> memref<1x80xi32, #tpu.memory_space<vmem>>
    %dma_wait3A_239 = tpu.memref_squeeze %dma_wait3A_238 : memref<1x80xi32, #tpu.memory_space<vmem>> -> memref<80xi32, #tpu.memory_space<vmem>>
    %dma_wait3A_240 = arith.constant 0 : i32
    %dma_wait3A_241 = arith.constant 0 : i32
    %dma_wait3A_242 = tpu.memref_slice %arg2[%dma_wait3A_240, %dma_wait3A_241] : memref<10000x128xf32, #tpu.memory_space<hbm>> -> memref<10000x128xf32, #tpu.memory_space<hbm>>
    tpu.wait_indirect_dma semaphore(%arg14 : memref<!tpu.dma_semaphore, #tpu.memory_space<semaphore_mem>>) src(%dma_wait3A_242 : memref<10000x128xf32, #tpu.memory_space<hbm>>) dst(%arg7 : memref<80x128xf32, #tpu.memory_space<vmem>>)
    %run_scoped3A_243 = arith.constant 1 : i32
    "tpu.region"() ({
      %run_scoped3A_257 = tpu.sem_alloc : memref<!tpu.dma_semaphore, #tpu.memory_space<semaphore_mem>>
      %dma_start3A_258 = arith.constant 0 : i32
      %dma_start3A_259 = tpu.memref_slice %arg10[%run_scoped3A_243, %dma_start3A_258] : memref<2x80xi32, #tpu.memory_space<vmem>> -> memref<1x80xi32, #tpu.memory_space<vmem>>
      %dma_start3A_260 = tpu.memref_squeeze %dma_start3A_259 : memref<1x80xi32, #tpu.memory_space<vmem>> -> memref<80xi32, #tpu.memory_space<vmem>>
      %dma_start3A_261 = arith.constant 0 : i32
      %dma_start3A_262 = arith.constant 0 : i32
      %dma_start3A_263 = tpu.memref_slice %arg5[%dma_start3A_261, %dma_start3A_262] : memref<10000x128xf32, #tpu.memory_space<vmem_shared>> -> memref<10000x128xf32, #tpu.memory_space<vmem_shared>>
      tpu.enqueue_indirect_dma source(%arg7 : memref<80x128xf32, #tpu.memory_space<vmem>>) target(%dma_start3A_263 : memref<10000x128xf32, #tpu.memory_space<vmem_shared>>) offsets(%dma_start3A_260 : memref<80xi32, #tpu.memory_space<vmem>>) semaphore(%run_scoped3A_257 : memref<!tpu.dma_semaphore, #tpu.memory_space<semaphore_mem>>) {add = true}
      %dma_wait3A_264 = arith.constant 0 : i32
      %dma_wait3A_265 = tpu.memref_slice %arg10[%run_scoped3A_243, %dma_wait3A_264] : memref<2x80xi32, #tpu.memory_space<vmem>> -> memref<1x80xi32, #tpu.memory_space<vmem>>
      %dma_wait3A_266 = tpu.memref_squeeze %dma_wait3A_265 : memref<1x80xi32, #tpu.memory_space<vmem>> -> memref<80xi32, #tpu.memory_space<vmem>>
      %dma_wait3A_267 = arith.constant 0 : i32
      %dma_wait3A_268 = arith.constant 0 : i32
      %dma_wait3A_269 = tpu.memref_slice %arg5[%dma_wait3A_267, %dma_wait3A_268] : memref<10000x128xf32, #tpu.memory_space<vmem_shared>> -> memref<10000x128xf32, #tpu.memory_space<vmem_shared>>
      tpu.wait_indirect_dma semaphore(%run_scoped3A_257 : memref<!tpu.dma_semaphore, #tpu.memory_space<semaphore_mem>>) src(%arg7 : memref<80x128xf32, #tpu.memory_space<vmem>>) dst(%dma_wait3A_269 : memref<10000x128xf32, #tpu.memory_space<vmem_shared>>)
      tpu.yield
    }) : () -> ()
    %barrier3A_244 = arith.constant 0 : index
    tpu.barrier barrier_id(%barrier3A_244)
    %mul3A_245 = arith.constant 624 : i32
    %mul3A_246 = arith.muli %arg1, %mul3A_245 : i32
    "tpu.region"() ({
      %run_scoped3A_257 = tpu.sem_alloc : memref<!tpu.dma_semaphore, #tpu.memory_space<semaphore_mem>>
      %dma_start3A_258 = arith.constant 8 : i32
      %dma_start3A_259 = arith.constant 0 : i32
      %dma_start3A_260 = tpu.memref_slice %arg12[%dma_start3A_258, %dma_start3A_259] : memref<16x128xf32, #tpu.memory_space<vmem>> -> memref<8x128xf32, #tpu.memory_space<vmem>>
      %dma_start3A_261 = arith.constant 0 : i32
      %dma_start3A_262 = tpu.memref_slice %arg5[%mul3A_246, %dma_start3A_261] : memref<10000x128xf32, #tpu.memory_space<vmem_shared>> -> memref<8x128xf32, #tpu.memory_space<vmem_shared>>
      %dma_start3A_263 = arith.constant 8 : i32
      %dma_start3A_264 = arith.constant 0 : i32
      %dma_start3A_265 = tpu.memref_slice %arg12[%dma_start3A_263, %dma_start3A_264] : memref<16x128xf32, #tpu.memory_space<vmem>> -> memref<8x128xf32, #tpu.memory_space<vmem>>
      %dma_start3A_266 = arith.constant 0 : i32
      %dma_start3A_267 = tpu.memref_slice %arg5[%mul3A_246, %dma_start3A_266] : memref<10000x128xf32, #tpu.memory_space<vmem_shared>> -> memref<8x128xf32, #tpu.memory_space<vmem_shared>>
      tpu.enqueue_dma source(%dma_start3A_267 : memref<8x128xf32, #tpu.memory_space<vmem_shared>>) target(%dma_start3A_265 : memref<8x128xf32, #tpu.memory_space<vmem>>) target_semaphore(%run_scoped3A_257 : memref<!tpu.dma_semaphore, #tpu.memory_space<semaphore_mem>>)
      %dma_wait3A_268 = arith.constant 8 : i32
      %dma_wait3A_269 = arith.constant 0 : i32
      %dma_wait3A_270 = tpu.memref_slice %arg12[%dma_wait3A_268, %dma_wait3A_269] : memref<16x128xf32, #tpu.memory_space<vmem>> -> memref<8x128xf32, #tpu.memory_space<vmem>>
      %dma_wait3A_271 = arith.constant 0 : i32
      %dma_wait3A_272 = tpu.memref_slice %arg5[%mul3A_246, %dma_wait3A_271] : memref<10000x128xf32, #tpu.memory_space<vmem_shared>> -> memref<8x128xf32, #tpu.memory_space<vmem_shared>>
      %dma_wait3A_273 = arith.constant 8 : i32
      %dma_wait3A_274 = arith.constant 0 : i32
      %dma_wait3A_275 = tpu.memref_slice %arg12[%dma_wait3A_273, %dma_wait3A_274] : memref<16x128xf32, #tpu.memory_space<vmem>> -> memref<8x128xf32, #tpu.memory_space<vmem>>
      %dma_wait3A_276 = arith.constant 0 : i32
      %dma_wait3A_277 = tpu.memref_slice %arg5[%mul3A_246, %dma_wait3A_276] : memref<10000x128xf32, #tpu.memory_space<vmem_shared>> -> memref<8x128xf32, #tpu.memory_space<vmem_shared>>
      tpu.wait_dma2 semaphore(%run_scoped3A_257 : memref<!tpu.dma_semaphore, #tpu.memory_space<semaphore_mem>>) src(%dma_wait3A_277 : memref<8x128xf32, #tpu.memory_space<vmem_shared>>) dst(%dma_wait3A_275 : memref<8x128xf32, #tpu.memory_space<vmem>>)
      tpu.yield
    }) : () -> ()
    %barrier3A_247 = arith.constant 0 : index
    tpu.barrier barrier_id(%barrier3A_247)
    %mul3A_248 = arith.constant 624 : i32
    %mul3A_249 = arith.muli %arg1, %mul3A_248 : i32
    %mul3A_250 = arith.constant 624 : i32
    %mul3A_251 = arith.muli %arg1, %mul3A_250 : i32
    "tpu.region"() ({
      %run_scoped3A_257 = tpu.sem_alloc : memref<!tpu.dma_semaphore, #tpu.memory_space<semaphore_mem>>
      %dma_start3A_258 = arith.constant 0 : i32
      %dma_start3A_259 = tpu.memref_slice %arg4[%arg0, %mul3A_251, %dma_start3A_258] : memref<2x10000x128xf32, #tpu.memory_space<hbm>> -> memref<1x624x128xf32, #tpu.memory_space<hbm>>
      %dma_start3A_260 = tpu.memref_squeeze %dma_start3A_259 : memref<1x624x128xf32, #tpu.memory_space<hbm>> -> memref<624x128xf32, #tpu.memory_space<hbm>>
      %dma_start3A_261 = arith.constant 0 : i32
      %dma_start3A_262 = tpu.memref_slice %arg5[%mul3A_249, %dma_start3A_261] : memref<10000x128xf32, #tpu.memory_space<vmem_shared>> -> memref<624x128xf32, #tpu.memory_space<vmem_shared>>
      tpu.enqueue_dma source(%dma_start3A_262 : memref<624x128xf32, #tpu.memory_space<vmem_shared>>) target(%dma_start3A_260 : memref<624x128xf32, #tpu.memory_space<hbm>>) target_semaphore(%run_scoped3A_257 : memref<!tpu.dma_semaphore, #tpu.memory_space<semaphore_mem>>)
      %dma_wait3A_263 = arith.constant 0 : i32
      %dma_wait3A_264 = tpu.memref_slice %arg4[%arg0, %mul3A_251, %dma_wait3A_263] : memref<2x10000x128xf32, #tpu.memory_space<hbm>> -> memref<1x624x128xf32, #tpu.memory_space<hbm>>
      %dma_wait3A_265 = tpu.memref_squeeze %dma_wait3A_264 : memref<1x624x128xf32, #tpu.memory_space<hbm>> -> memref<624x128xf32, #tpu.memory_space<hbm>>
      %dma_wait3A_266 = arith.constant 0 : i32
      %dma_wait3A_267 = tpu.memref_slice %arg5[%mul3A_249, %dma_wait3A_266] : memref<10000x128xf32, #tpu.memory_space<vmem_shared>> -> memref<624x128xf32, #tpu.memory_space<vmem_shared>>
      tpu.wait_dma2 semaphore(%run_scoped3A_257 : memref<!tpu.dma_semaphore, #tpu.memory_space<semaphore_mem>>) src(%dma_wait3A_267 : memref<624x128xf32, #tpu.memory_space<vmem_shared>>) dst(%dma_wait3A_265 : memref<624x128xf32, #tpu.memory_space<hbm>>)
      tpu.yield
    }) : () -> ()
    %eq3A_252 = arith.constant 15 : i32
    %eq3A_253 = arith.cmpi eq, %arg1, %eq3A_252 : i32
    %convert_element_type3A_254 = arith.extui %eq3A_253 : i1 to i32
    %cond3A_255 = arith.constant 0 : i32
    %cond3A_256 = arith.cmpi ne, %convert_element_type3A_254, %cond3A_255 : i32
    scf.if %cond3A_256 {
      "tpu.region"() ({
        %run_scoped3A_257 = tpu.sem_alloc : memref<!tpu.dma_semaphore, #tpu.memory_space<semaphore_mem>>
        %dma_start3A_258 = arith.constant 9984 : i32
        %dma_start3A_259 = arith.constant 0 : i32
        %dma_start3A_260 = tpu.memref_slice %arg4[%arg0, %dma_start3A_258, %dma_start3A_259] : memref<2x10000x128xf32, #tpu.memory_space<hbm>> -> memref<1x16x128xf32, #tpu.memory_space<hbm>>
        %dma_start3A_261 = tpu.memref_squeeze %dma_start3A_260 : memref<1x16x128xf32, #tpu.memory_space<hbm>> -> memref<16x128xf32, #tpu.memory_space<hbm>>
        %dma_start3A_262 = arith.constant 9984 : i32
        %dma_start3A_263 = arith.constant 0 : i32
        %dma_start3A_264 = tpu.memref_slice %arg5[%dma_start3A_262, %dma_start3A_263] : memref<10000x128xf32, #tpu.memory_space<vmem_shared>> -> memref<16x128xf32, #tpu.memory_space<vmem_shared>>
        tpu.enqueue_dma source(%dma_start3A_264 : memref<16x128xf32, #tpu.memory_space<vmem_shared>>) target(%dma_start3A_261 : memref<16x128xf32, #tpu.memory_space<hbm>>) target_semaphore(%run_scoped3A_257 : memref<!tpu.dma_semaphore, #tpu.memory_space<semaphore_mem>>)
        %dma_wait3A_265 = arith.constant 9984 : i32
        %dma_wait3A_266 = arith.constant 0 : i32
        %dma_wait3A_267 = tpu.memref_slice %arg4[%arg0, %dma_wait3A_265, %dma_wait3A_266] : memref<2x10000x128xf32, #tpu.memory_space<hbm>> -> memref<1x16x128xf32, #tpu.memory_space<hbm>>
        %dma_wait3A_268 = tpu.memref_squeeze %dma_wait3A_267 : memref<1x16x128xf32, #tpu.memory_space<hbm>> -> memref<16x128xf32, #tpu.memory_space<hbm>>
        %dma_wait3A_269 = arith.constant 9984 : i32
        %dma_wait3A_270 = arith.constant 0 : i32
        %dma_wait3A_271 = tpu.memref_slice %arg5[%dma_wait3A_269, %dma_wait3A_270] : memref<10000x128xf32, #tpu.memory_space<vmem_shared>> -> memref<16x128xf32, #tpu.memory_space<vmem_shared>>
        tpu.wait_dma2 semaphore(%run_scoped3A_257 : memref<!tpu.dma_semaphore, #tpu.memory_space<semaphore_mem>>) src(%dma_wait3A_271 : memref<16x128xf32, #tpu.memory_space<vmem_shared>>) dst(%dma_wait3A_268 : memref<16x128xf32, #tpu.memory_space<hbm>>)
        tpu.yield
      }) : () -> ()
    } else {
    }
    return
  }
}

#map = affine_map<(d0, d1) -> (0, 0, 0, 0)>
#map1 = affine_map<(d0, d1) -> (0, 0)>
module attributes {stable_mosaic.version = 14 : i64} {
  func.func @_sc_deg(%arg0: i32, %arg1: i32, %arg2: memref<32x125x2x80xi32, #tpu.memory_space<hbm>>, %arg3: memref<32x10000xf32, #tpu.memory_space<hbm>>, %arg4: memref<125x2x80xi32, #tpu.memory_space<vmem>>, %arg5: memref<10000xf32, #tpu.memory_space<vmem>>) attributes {dimension_semantics = [#tpu.dimension_semantics<core_parallel>, #tpu.dimension_semantics<subcore_parallel>], iteration_bounds = array<i64: 2, 16>, scalar_prefetch = 0 : i64, scratch_operands = 2 : i64, tpu.core_type = #tpu.core_type<sc_vector_subcore>, window_params = [{transform_indices = #map}, {transform_indices = #map1}]} {
    %mul3A = arith.constant 16 : i32
    %mul3A_0 = arith.muli %arg0, %mul3A : i32
    %add3A = arith.addi %mul3A_0, %arg1 : i32
    %scan3A = arith.constant 0 : i32
    %scan3A_1 = arith.constant 0 : i32
    %scan3A_2 = arith.constant 625 : i32
    %scan3A_3 = arith.addi %scan3A_1, %scan3A_2 : i32
    %scan3A_4 = arith.constant 1 : i32
    scf.for %scan3A_13 = %scan3A_1 to %scan3A_3 step %scan3A_4  : i32 {
      %broadcast_in_dim3A_14 = arith.constant 0.000000e+00 : f32
      %broadcast_in_dim3A_15 = vector.broadcast %broadcast_in_dim3A_14 : f32 to vector<16xf32>
      %mul3A_16 = arith.constant 16 : i32
      %mul3A_17 = arith.muli %scan3A_13, %mul3A_16 : i32
      %swap3A = arith.index_cast %mul3A_17 : i32 to index
      %swap3A_18 = tpu.vector_load %arg5[%swap3A] {strides = array<i32>} : memref<10000xf32, #tpu.memory_space<vmem>>, vector<16xf32>,
      tpu.vector_store %arg5[%swap3A], %broadcast_in_dim3A_15 {strides = array<i32>} : memref<10000xf32, #tpu.memory_space<vmem>>, vector<16xf32>,
    }
    %scan3A_5 = arith.constant 625 : i32
    "tpu.region"() ({
      %run_scoped3A = tpu.sem_alloc : memref<!tpu.dma_semaphore, #tpu.memory_space<semaphore_mem>>
      %dma_start3A = arith.constant 0 : i32
      %dma_start3A_13 = arith.constant 0 : i32
      %dma_start3A_14 = arith.constant 0 : i32
      %dma_start3A_15 = tpu.memref_slice %arg2[%add3A, %dma_start3A, %dma_start3A_13, %dma_start3A_14] : memref<32x125x2x80xi32, #tpu.memory_space<hbm>> -> memref<1x125x2x80xi32, #tpu.memory_space<hbm>>
      %dma_start3A_16 = tpu.memref_squeeze %dma_start3A_15 : memref<1x125x2x80xi32, #tpu.memory_space<hbm>> -> memref<125x2x80xi32, #tpu.memory_space<hbm>>
      %dma_start3A_17 = arith.constant 0 : i32
      %dma_start3A_18 = arith.constant 0 : i32
      %dma_start3A_19 = arith.constant 0 : i32
      %dma_start3A_20 = tpu.memref_slice %arg2[%add3A, %dma_start3A_17, %dma_start3A_18, %dma_start3A_19] : memref<32x125x2x80xi32, #tpu.memory_space<hbm>> -> memref<1x125x2x80xi32, #tpu.memory_space<hbm>>
      %dma_start3A_21 = tpu.memref_squeeze %dma_start3A_20 : memref<1x125x2x80xi32, #tpu.memory_space<hbm>> -> memref<125x2x80xi32, #tpu.memory_space<hbm>>
      tpu.enqueue_dma source(%dma_start3A_21 : memref<125x2x80xi32, #tpu.memory_space<hbm>>) target(%arg4 : memref<125x2x80xi32, #tpu.memory_space<vmem>>) target_semaphore(%run_scoped3A : memref<!tpu.dma_semaphore, #tpu.memory_space<semaphore_mem>>)
      %dma_wait3A = arith.constant 0 : i32
      %dma_wait3A_22 = arith.constant 0 : i32
      %dma_wait3A_23 = arith.constant 0 : i32
      %dma_wait3A_24 = tpu.memref_slice %arg2[%add3A, %dma_wait3A, %dma_wait3A_22, %dma_wait3A_23] : memref<32x125x2x80xi32, #tpu.memory_space<hbm>> -> memref<1x125x2x80xi32, #tpu.memory_space<hbm>>
      %dma_wait3A_25 = tpu.memref_squeeze %dma_wait3A_24 : memref<1x125x2x80xi32, #tpu.memory_space<hbm>> -> memref<125x2x80xi32, #tpu.memory_space<hbm>>
      %dma_wait3A_26 = arith.constant 0 : i32
      %dma_wait3A_27 = arith.constant 0 : i32
      %dma_wait3A_28 = arith.constant 0 : i32
      %dma_wait3A_29 = tpu.memref_slice %arg2[%add3A, %dma_wait3A_26, %dma_wait3A_27, %dma_wait3A_28] : memref<32x125x2x80xi32, #tpu.memory_space<hbm>> -> memref<1x125x2x80xi32, #tpu.memory_space<hbm>>
      %dma_wait3A_30 = tpu.memref_squeeze %dma_wait3A_29 : memref<1x125x2x80xi32, #tpu.memory_space<hbm>> -> memref<125x2x80xi32, #tpu.memory_space<hbm>>
      tpu.wait_dma2 semaphore(%run_scoped3A : memref<!tpu.dma_semaphore, #tpu.memory_space<semaphore_mem>>) src(%dma_wait3A_30 : memref<125x2x80xi32, #tpu.memory_space<hbm>>) dst(%arg4 : memref<125x2x80xi32, #tpu.memory_space<vmem>>)
      tpu.yield
    }) : () -> ()
    %broadcast_in_dim3A = arith.constant 1.000000e+00 : f32
    %broadcast_in_dim3A_6 = vector.broadcast %broadcast_in_dim3A : f32 to vector<16xf32>
    %scan3A_7 = arith.constant 0 : i32
    %scan3A_8 = arith.constant 0 : i32
    %scan3A_9 = arith.constant 125 : i32
    %scan3A_10 = arith.addi %scan3A_8, %scan3A_9 : i32
    %scan3A_11 = arith.constant 1 : i32
    scf.for %scan3A_13 = %scan3A_8 to %scan3A_10 step %scan3A_11  : i32 {
      %get3A = arith.constant 1 : i32
      %get3A_14 = arith.index_cast %scan3A_13 : i32 to index
      %get3A_15 = arith.index_cast %get3A : i32 to index
      %get3A_16 = arith.constant 0 : index
      %get3A_17 = tpu.vector_load %arg4[%get3A_14, %get3A_15, %get3A_16] {strides = array<i32>} : memref<125x2x80xi32, #tpu.memory_space<vmem>>, vector<16xi32>,
      tpu.vector_store_idx %arg5[%get3A_17], %broadcast_in_dim3A_6 {add = true} : memref<10000xf32, #tpu.memory_space<vmem>>[vector<16xi32>], vector<16xf32>,
      %get3A_18 = arith.constant 1 : i32
      %get3A_19 = arith.index_cast %scan3A_13 : i32 to index
      %get3A_20 = arith.index_cast %get3A_18 : i32 to index
      %get3A_21 = arith.constant 16 : index
      %get3A_22 = tpu.vector_load %arg4[%get3A_19, %get3A_20, %get3A_21] {strides = array<i32>} : memref<125x2x80xi32, #tpu.memory_space<vmem>>, vector<16xi32>,
      tpu.vector_store_idx %arg5[%get3A_22], %broadcast_in_dim3A_6 {add = true} : memref<10000xf32, #tpu.memory_space<vmem>>[vector<16xi32>], vector<16xf32>,
      %get3A_23 = arith.constant 1 : i32
      %get3A_24 = arith.index_cast %scan3A_13 : i32 to index
      %get3A_25 = arith.index_cast %get3A_23 : i32 to index
      %get3A_26 = arith.constant 32 : index
      %get3A_27 = tpu.vector_load %arg4[%get3A_24, %get3A_25, %get3A_26] {strides = array<i32>} : memref<125x2x80xi32, #tpu.memory_space<vmem>>, vector<16xi32>,
      tpu.vector_store_idx %arg5[%get3A_27], %broadcast_in_dim3A_6 {add = true} : memref<10000xf32, #tpu.memory_space<vmem>>[vector<16xi32>], vector<16xf32>,
      %get3A_28 = arith.constant 1 : i32
      %get3A_29 = arith.index_cast %scan3A_13 : i32 to index
      %get3A_30 = arith.index_cast %get3A_28 : i32 to index
      %get3A_31 = arith.constant 48 : index
      %get3A_32 = tpu.vector_load %arg4[%get3A_29, %get3A_30, %get3A_31] {strides = array<i32>} : memref<125x2x80xi32, #tpu.memory_space<vmem>>, vector<16xi32>,
      tpu.vector_store_idx %arg5[%get3A_32], %broadcast_in_dim3A_6 {add = true} : memref<10000xf32, #tpu.memory_space<vmem>>[vector<16xi32>], vector<16xf32>,
      %get3A_33 = arith.constant 1 : i32
      %get3A_34 = arith.index_cast %scan3A_13 : i32 to index
      %get3A_35 = arith.index_cast %get3A_33 : i32 to index
      %get3A_36 = arith.constant 64 : index
      %get3A_37 = tpu.vector_load %arg4[%get3A_34, %get3A_35, %get3A_36] {strides = array<i32>} : memref<125x2x80xi32, #tpu.memory_space<vmem>>, vector<16xi32>,
      tpu.vector_store_idx %arg5[%get3A_37], %broadcast_in_dim3A_6 {add = true} : memref<10000xf32, #tpu.memory_space<vmem>>[vector<16xi32>], vector<16xf32>,
    }
    %scan3A_12 = arith.constant 125 : i32
    "tpu.region"() ({
      %run_scoped3A = tpu.sem_alloc : memref<!tpu.dma_semaphore, #tpu.memory_space<semaphore_mem>>
      %dma_start3A = arith.constant 0 : i32
      %dma_start3A_13 = tpu.memref_slice %arg3[%add3A, %dma_start3A] : memref<32x10000xf32, #tpu.memory_space<hbm>> -> memref<1x10000xf32, #tpu.memory_space<hbm>>
      %dma_start3A_14 = tpu.memref_squeeze %dma_start3A_13 : memref<1x10000xf32, #tpu.memory_space<hbm>> -> memref<10000xf32, #tpu.memory_space<hbm>>
      %dma_start3A_15 = arith.constant 0 : i32
      %dma_start3A_16 = tpu.memref_slice %arg3[%add3A, %dma_start3A_15] : memref<32x10000xf32, #tpu.memory_space<hbm>> -> memref<1x10000xf32, #tpu.memory_space<hbm>>
      %dma_start3A_17 = tpu.memref_squeeze %dma_start3A_16 : memref<1x10000xf32, #tpu.memory_space<hbm>> -> memref<10000xf32, #tpu.memory_space<hbm>>
      tpu.enqueue_dma source(%arg5 : memref<10000xf32, #tpu.memory_space<vmem>>) target(%dma_start3A_17 : memref<10000xf32, #tpu.memory_space<hbm>>) target_semaphore(%run_scoped3A : memref<!tpu.dma_semaphore, #tpu.memory_space<semaphore_mem>>)
      %dma_wait3A = arith.constant 0 : i32
      %dma_wait3A_18 = tpu.memref_slice %arg3[%add3A, %dma_wait3A] : memref<32x10000xf32, #tpu.memory_space<hbm>> -> memref<1x10000xf32, #tpu.memory_space<hbm>>
      %dma_wait3A_19 = tpu.memref_squeeze %dma_wait3A_18 : memref<1x10000xf32, #tpu.memory_space<hbm>> -> memref<10000xf32, #tpu.memory_space<hbm>>
      %dma_wait3A_20 = arith.constant 0 : i32
      %dma_wait3A_21 = tpu.memref_slice %arg3[%add3A, %dma_wait3A_20] : memref<32x10000xf32, #tpu.memory_space<hbm>> -> memref<1x10000xf32, #tpu.memory_space<hbm>>
      %dma_wait3A_22 = tpu.memref_squeeze %dma_wait3A_21 : memref<1x10000xf32, #tpu.memory_space<hbm>> -> memref<10000xf32, #tpu.memory_space<hbm>>
      tpu.wait_dma2 semaphore(%run_scoped3A : memref<!tpu.dma_semaphore, #tpu.memory_space<semaphore_mem>>) src(%arg5 : memref<10000xf32, #tpu.memory_space<vmem>>) dst(%dma_wait3A_22 : memref<10000xf32, #tpu.memory_space<hbm>>)
      tpu.yield
    }) : () -> ()
    return
  }
}

module attributes {stable_mosaic.version = 14 : i64} {
  func.func @_tc1_body(%arg0: i32, %arg1: memref<2000x32xf32, #tpu.memory_space<vmem>>, %arg2: memref<2000x128xf32, #tpu.memory_space<vmem>>, %arg3: memref<128x128xf32, #tpu.memory_space<vmem>>, %arg4: memref<2000x128xf32, #tpu.memory_space<vmem>>, %arg5: memref<2000x1xf32, #tpu.memory_space<vmem>>) attributes {dimension_semantics = [#tpu.dimension_semantics<arbitrary>], iteration_bounds = array<i64: 5>, scalar_prefetch = 0 : i64, scratch_operands = 0 : i64, tpu.core_type = #tpu.core_type<tc>, window_params = [{transform_indices = @transform_0, window_bounds = array<i64: 2000, 32>}, {transform_indices = @transform_1, window_bounds = array<i64: 2000, 128>}, {pipeline_mode = #tpu.pipeline_mode<synchronous>, transform_indices = @transform_2, window_bounds = array<i64: 128, 128>}, {transform_indices = @transform_3, window_bounds = array<i64: 2000, 128>}, {transform_indices = @transform_4, window_bounds = array<i64: 2000, 1>}]} {
    %get3A = arith.constant 0 : index
    %get3A_0 = arith.constant 0 : index
    %get3A_1 = vector.load %arg1[%get3A, %get3A_0] : memref<2000x32xf32, #tpu.memory_space<vmem>>, vector<2000x32xf32>
    %reduce_sum3A = arith.constant dense<0.000000e+00> : vector<2000xf32>
    %reduce_sum3A_2 = vector.multi_reduction <add>, %get3A_1, %reduce_sum3A [1] : vector<2000x32xf32> to vector<2000xf32>
    %add3A = arith.constant 1.000000e+00 : f32
    %add3A_3 = vector.broadcast %add3A : f32 to vector<2000xf32>
    %add3A_4 = arith.addf %reduce_sum3A_2, %add3A_3 : vector<2000xf32>
    %rsqrt3A = math.rsqrt %add3A_4 : vector<2000xf32>
    %get3A_5 = arith.constant 0 : index
    %get3A_6 = arith.constant 0 : index
    %get3A_7 = vector.load %arg2[%get3A_5, %get3A_6] : memref<2000x128xf32, #tpu.memory_space<vmem>>, vector<2000x128xf32>
    %get3A_8 = arith.constant 0 : index
    %get3A_9 = arith.constant 0 : index
    %get3A_10 = vector.load %arg3[%get3A_8, %get3A_9] : memref<128x128xf32, #tpu.memory_space<vmem>>, vector<128x128xf32>
    %dot_general3A = arith.constant dense<0.000000e+00> : vector<2000x128xf32>
    %dot_general3A_11 = tpu.matmul %get3A_7, %get3A_10, %dot_general3A {dimension_numbers = #tpu.dot_dimension_numbers<[1], [0], [0], [1], [0, 0, 1, 1], [], []>, transpose_lhs_hint = false} : vector<2000x128xf32>, vector<128x128xf32>, vector<2000x128xf32> -> vector<2000x128xf32>
    %broadcast_in_dim3A = vector.shape_cast %rsqrt3A : vector<2000xf32> to vector<2000x1xf32>
    %mul3A = vector.broadcast %broadcast_in_dim3A : vector<2000x1xf32> to vector<2000x128xf32>
    %mul3A_12 = arith.mulf %dot_general3A_11, %mul3A : vector<2000x128xf32>
    %swap3A = arith.constant 0 : index
    %swap3A_13 = arith.constant 0 : index
    %swap3A_14 = vector.load %arg4[%swap3A, %swap3A_13] : memref<2000x128xf32, #tpu.memory_space<vmem>>, vector<2000x128xf32>
    tpu.vector_store %arg4[%swap3A, %swap3A_13], %mul3A_12 {strides = array<i32>} : memref<2000x128xf32, #tpu.memory_space<vmem>>, vector<2000x128xf32>,
    %broadcast_in_dim3A_15 = vector.shape_cast %rsqrt3A : vector<2000xf32> to vector<2000x1xf32>
    %swap3A_16 = arith.constant 0 : index
    %swap3A_17 = arith.constant 0 : index
    %swap3A_18 = vector.load %arg5[%swap3A_16, %swap3A_17] : memref<2000x1xf32, #tpu.memory_space<vmem>>, vector<2000x1xf32>
    tpu.vector_store %arg5[%swap3A_16, %swap3A_17], %broadcast_in_dim3A_15 {strides = array<i32>} : memref<2000x1xf32, #tpu.memory_space<vmem>>, vector<2000x1xf32>,
    return
  }
  func.func @transform_0(%arg0: i32) -> (i32, i32) {
    %c0_i32 = arith.constant 0 : i32
    %c0_i32_0 = arith.constant 0 : i32
    return %arg0, %c0_i32 : i32, i32
  }
  func.func @transform_1(%arg0: i32) -> (i32, i32) {
    %c0_i32 = arith.constant 0 : i32
    %c0_i32_0 = arith.constant 0 : i32
    return %arg0, %c0_i32 : i32, i32
  }
  func.func @transform_2(%arg0: i32) -> (i32, i32) {
    %c0_i32 = arith.constant 0 : i32
    %c0_i32_0 = arith.constant 0 : i32
    %c0_i32_1 = arith.constant 0 : i32
    return %c0_i32, %c0_i32_0 : i32, i32
  }
  func.func @transform_3(%arg0: i32) -> (i32, i32) {
    %c0_i32 = arith.constant 0 : i32
    %c0_i32_0 = arith.constant 0 : i32
    return %arg0, %c0_i32 : i32, i32
  }
  func.func @transform_4(%arg0: i32) -> (i32, i32) {
    %c0_i32 = arith.constant 0 : i32
    %c0_i32_0 = arith.constant 0 : i32
    return %arg0, %c0_i32 : i32, i32
  }
}

module attributes {stable_mosaic.version = 14 : i64} {
  func.func @_tc2_body(%arg0: i32, %arg1: memref<2x2000x128xf32, #tpu.memory_space<vmem>>, %arg2: memref<2000x128xf32, #tpu.memory_space<vmem>>, %arg3: memref<2000x1xf32, #tpu.memory_space<vmem>>, %arg4: memref<1x128xf32, #tpu.memory_space<vmem>>, %arg5: memref<128x1xf32, #tpu.memory_space<vmem>>, %arg6: memref<2000x1xf32, #tpu.memory_space<vmem>>) attributes {dimension_semantics = [#tpu.dimension_semantics<arbitrary>], iteration_bounds = array<i64: 5>, scalar_prefetch = 0 : i64, scratch_operands = 0 : i64, tpu.core_type = #tpu.core_type<tc>, window_params = [{transform_indices = @transform_0, window_bounds = array<i64: 2, 2000, 128>}, {transform_indices = @transform_1, window_bounds = array<i64: 2000, 128>}, {transform_indices = @transform_2, window_bounds = array<i64: 2000, 1>}, {pipeline_mode = #tpu.pipeline_mode<synchronous>, transform_indices = @transform_3, window_bounds = array<i64: 1, 128>}, {pipeline_mode = #tpu.pipeline_mode<synchronous>, transform_indices = @transform_4, window_bounds = array<i64: 128, 1>}, {transform_indices = @transform_5, window_bounds = array<i64: 2000, 1>}]} {
    %get3A = arith.constant 0 : index
    %get3A_0 = arith.constant 0 : index
    %get3A_1 = arith.constant 0 : index
    %get3A_2 = vector.load %arg1[%get3A, %get3A_0, %get3A_1] : memref<2x2000x128xf32, #tpu.memory_space<vmem>>, vector<1x2000x128xf32>
    %get3A_3 = vector.shape_cast %get3A_2 : vector<1x2000x128xf32> to vector<2000x128xf32>
    %get3A_4 = arith.constant 1 : index
    %get3A_5 = arith.constant 0 : index
    %get3A_6 = arith.constant 0 : index
    %get3A_7 = vector.load %arg1[%get3A_4, %get3A_5, %get3A_6] : memref<2x2000x128xf32, #tpu.memory_space<vmem>>, vector<1x2000x128xf32>
    %get3A_8 = vector.shape_cast %get3A_7 : vector<1x2000x128xf32> to vector<2000x128xf32>
    %add3A = arith.addf %get3A_3, %get3A_8 : vector<2000x128xf32>
    %get3A_9 = arith.constant 0 : index
    %get3A_10 = arith.constant 0 : index
    %get3A_11 = vector.load %arg2[%get3A_9, %get3A_10] : memref<2000x128xf32, #tpu.memory_space<vmem>>, vector<2000x128xf32>
    %add3A_12 = arith.addf %add3A, %get3A_11 : vector<2000x128xf32>
    %get3A_13 = arith.constant 0 : index
    %get3A_14 = arith.constant 0 : index
    %get3A_15 = vector.load %arg3[%get3A_13, %get3A_14] : memref<2000x1xf32, #tpu.memory_space<vmem>>, vector<2000x1xf32>
    %mul3A = vector.broadcast %get3A_15 : vector<2000x1xf32> to vector<2000x128xf32>
    %mul3A_16 = arith.mulf %add3A_12, %mul3A : vector<2000x128xf32>
    %get3A_17 = arith.constant 0 : index
    %get3A_18 = arith.constant 0 : index
    %get3A_19 = vector.load %arg4[%get3A_17, %get3A_18] : memref<1x128xf32, #tpu.memory_space<vmem>>, vector<1x128xf32>
    %add3A_20 = vector.broadcast %get3A_19 : vector<1x128xf32> to vector<2000x128xf32>
    %add3A_21 = arith.addf %mul3A_16, %add3A_20 : vector<2000x128xf32>
    %max3A = arith.constant 0.000000e+00 : f32
    %max3A_22 = vector.broadcast %max3A : f32 to vector<2000x128xf32>
    %max3A_23 = arith.maximumf %add3A_21, %max3A_22 : vector<2000x128xf32>
    %get3A_24 = arith.constant 0 : index
    %get3A_25 = arith.constant 0 : index
    %get3A_26 = vector.load %arg5[%get3A_24, %get3A_25] : memref<128x1xf32, #tpu.memory_space<vmem>>, vector<128x1xf32>
    %dot_general3A = arith.constant dense<0.000000e+00> : vector<2000x1xf32>
    %dot_general3A_27 = tpu.matmul %max3A_23, %get3A_26, %dot_general3A {dimension_numbers = #tpu.dot_dimension_numbers<[1], [0], [0], [1], [0, 0, 1, 1], [], []>, transpose_lhs_hint = false} : vector<2000x128xf32>, vector<128x1xf32>, vector<2000x1xf32> -> vector<2000x1xf32>
    %get3A_28 = arith.constant 0 : index
    %get3A_29 = arith.constant 0 : index
    %get3A_30 = vector.load %arg3[%get3A_28, %get3A_29] : memref<2000x1xf32, #tpu.memory_space<vmem>>, vector<2000x1xf32>
    %mul3A_31 = arith.mulf %dot_general3A_27, %get3A_30 : vector<2000x1xf32>
    %swap3A = arith.constant 0 : index
    %swap3A_32 = arith.constant 0 : index
    %swap3A_33 = vector.load %arg6[%swap3A, %swap3A_32] : memref<2000x1xf32, #tpu.memory_space<vmem>>, vector<2000x1xf32>
    tpu.vector_store %arg6[%swap3A, %swap3A_32], %mul3A_31 {strides = array<i32>} : memref<2000x1xf32, #tpu.memory_space<vmem>>, vector<2000x1xf32>,
    return
  }
  func.func @transform_0(%arg0: i32) -> (i32, i32, i32) {
    %c0_i32 = arith.constant 0 : i32
    %c0_i32_0 = arith.constant 0 : i32
    %c0_i32_1 = arith.constant 0 : i32
    return %c0_i32, %arg0, %c0_i32_0 : i32, i32, i32
  }
  func.func @transform_1(%arg0: i32) -> (i32, i32) {
    %c0_i32 = arith.constant 0 : i32
    %c0_i32_0 = arith.constant 0 : i32
    return %arg0, %c0_i32 : i32, i32
  }
  func.func @transform_2(%arg0: i32) -> (i32, i32) {
    %c0_i32 = arith.constant 0 : i32
    %c0_i32_0 = arith.constant 0 : i32
    return %arg0, %c0_i32 : i32, i32
  }
  func.func @transform_3(%arg0: i32) -> (i32, i32) {
    %c0_i32 = arith.constant 0 : i32
    %c0_i32_0 = arith.constant 0 : i32
    %c0_i32_1 = arith.constant 0 : i32
    return %c0_i32, %c0_i32_0 : i32, i32
  }
  func.func @transform_4(%arg0: i32) -> (i32, i32) {
    %c0_i32 = arith.constant 0 : i32
    %c0_i32_0 = arith.constant 0 : i32
    %c0_i32_1 = arith.constant 0 : i32
    return %c0_i32, %c0_i32_0 : i32, i32
  }
  func.func @transform_5(%arg0: i32) -> (i32, i32) {
    %c0_i32 = arith.constant 0 : i32
    %c0_i32_0 = arith.constant 0 : i32
    return %arg0, %c0_i32 : i32, i32
  }
}

module attributes {stable_mosaic.version = 14 : i64} {
  func.func @_tc3_body(%arg0: i32, %arg1: memref<2000x32xf32, #tpu.memory_space<vmem>>, %arg2: memref<2000x1xf32, #tpu.memory_space<vmem>>, %arg3: memref<2000x1xf32, #tpu.memory_space<vmem>>, %arg4: memref<1x1xf32, #tpu.memory_space<vmem>>, %arg5: memref<2000x1xf32, #tpu.memory_space<vmem>>) attributes {dimension_semantics = [#tpu.dimension_semantics<arbitrary>], iteration_bounds = array<i64: 5>, scalar_prefetch = 0 : i64, scratch_operands = 0 : i64, tpu.core_type = #tpu.core_type<tc>, window_params = [{transform_indices = @transform_0, window_bounds = array<i64: 2000, 32>}, {transform_indices = @transform_1, window_bounds = array<i64: 2000, 1>}, {transform_indices = @transform_2, window_bounds = array<i64: 2000, 1>}, {pipeline_mode = #tpu.pipeline_mode<synchronous>, transform_indices = @transform_3, window_bounds = array<i64: 1, 1>}, {transform_indices = @transform_4, window_bounds = array<i64: 2000, 1>}]} {
    %get3A = arith.constant 0 : index
    %get3A_0 = arith.constant 0 : index
    %get3A_1 = vector.load %arg1[%get3A, %get3A_0] : memref<2000x32xf32, #tpu.memory_space<vmem>>, vector<2000x32xf32>
    %reduce_sum3A = arith.constant dense<0.000000e+00> : vector<2000xf32>
    %reduce_sum3A_2 = vector.multi_reduction <add>, %get3A_1, %reduce_sum3A [1] : vector<2000x32xf32> to vector<2000xf32>
    %broadcast_in_dim3A = vector.shape_cast %reduce_sum3A_2 : vector<2000xf32> to vector<2000x1xf32>
    %get3A_3 = arith.constant 0 : index
    %get3A_4 = arith.constant 0 : index
    %get3A_5 = vector.load %arg2[%get3A_3, %get3A_4] : memref<2000x1xf32, #tpu.memory_space<vmem>>, vector<2000x1xf32>
    %add3A = arith.addf %broadcast_in_dim3A, %get3A_5 : vector<2000x1xf32>
    %get3A_6 = arith.constant 0 : index
    %get3A_7 = arith.constant 0 : index
    %get3A_8 = vector.load %arg3[%get3A_6, %get3A_7] : memref<2000x1xf32, #tpu.memory_space<vmem>>, vector<2000x1xf32>
    %mul3A = arith.mulf %add3A, %get3A_8 : vector<2000x1xf32>
    %get3A_9 = arith.constant 0 : index
    %get3A_10 = arith.constant 0 : index
    %get3A_11 = vector.load %arg4[%get3A_9, %get3A_10] : memref<1x1xf32, #tpu.memory_space<vmem>>, vector<1x1xf32>
    %get3A_12 = vector.extract %get3A_11[0, 0] : f32 from vector<1x1xf32>
    %add3A_13 = vector.broadcast %get3A_12 : f32 to vector<2000x1xf32>
    %add3A_14 = arith.addf %mul3A, %add3A_13 : vector<2000x1xf32>
    %swap3A = arith.constant 0 : index
    %swap3A_15 = arith.constant 0 : index
    %swap3A_16 = vector.load %arg5[%swap3A, %swap3A_15] : memref<2000x1xf32, #tpu.memory_space<vmem>>, vector<2000x1xf32>
    tpu.vector_store %arg5[%swap3A, %swap3A_15], %add3A_14 {strides = array<i32>} : memref<2000x1xf32, #tpu.memory_space<vmem>>, vector<2000x1xf32>,
    return
  }
  func.func @transform_0(%arg0: i32) -> (i32, i32) {
    %c0_i32 = arith.constant 0 : i32
    %c0_i32_0 = arith.constant 0 : i32
    return %arg0, %c0_i32 : i32, i32
  }
  func.func @transform_1(%arg0: i32) -> (i32, i32) {
    %c0_i32 = arith.constant 0 : i32
    %c0_i32_0 = arith.constant 0 : i32
    return %arg0, %c0_i32 : i32, i32
  }
  func.func @transform_2(%arg0: i32) -> (i32, i32) {
    %c0_i32 = arith.constant 0 : i32
    %c0_i32_0 = arith.constant 0 : i32
    return %arg0, %c0_i32 : i32, i32
  }
  func.func @transform_3(%arg0: i32) -> (i32, i32) {
    %c0_i32 = arith.constant 0 : i32
    %c0_i32_0 = arith.constant 0 : i32
    %c0_i32_1 = arith.constant 0 : i32
    return %c0_i32, %c0_i32_0 : i32, i32
  }
  func.func @transform_4(%arg0: i32) -> (i32, i32) {
    %c0_i32 = arith.constant 0 : i32
    %c0_i32_0 = arith.constant 0 : i32
    return %arg0, %c0_i32 : i32, i32
  }
}

</mosaic_0001>

<sc_bundles>
// kernel: kernel.11.cloned.1.call-start
scs
__scs_entry_jumppad:
0x0: {  	(pc) =	sbr.rel $0x88, $3  }
0x1: {  	(tag) =	ssettag $0x0;
	lr =	simm.s32 $0x1  }
0x2: {  	[smem:$0x3F9B] =	sst lr;
	_ =	strace $0xD0000000  }
0x3: {  	_ = 	snop  }
0x4: {  	_ = 	snop  }
0x5: {  	_ = 	snop  }
0x6: {  	_ = 	snop  }
0x7: {  	_ = 	snop  }
__scs_overlays_trampoline_lowered:
0x8: {  	[smem:$0x3FAA] =	sst s0  }
0x9: {  	[smem:$0x3FAB] =	sst s1  }
0xa: {  	[smem:$0x3FAC] =	sst s2  }
0xb: {  	[smem:$0x3FAD] =	sst s3  }
0xc: {  	[smem:$0x3FAE] =	sst s4  }
0xd: {  	[smem:$0x3FAF] =	sst s5  }
0xe: {  	[smem:$0x3FB0] =	sst s6  }
0xf: {  	[smem:$0x3FB1] =	sst s7  }
0x10: {  	[smem:$0x3FB2] =	sst s8  }
0x11: {  	[smem:$0x3FB3] =	sst s9;
	s0 =	simm.s32 @!p0 $0x0  }
0x12: {  	s1 =	sld [smem:$0x3F99];
	s0 =	simm.s32 @p0 $0x1  }
0x13: {  	[smem:$0x3FB4] =	sst s0;
	s0 =	simm.s32 @!p1 $0x0  }
0x14: {  	s2 =	sld [smem:$0x3F98];
	s0 =	simm.s32 @p1 $0x1  }
0x15: {  	[smem:$0x3FB5] =	sst s0;
	s0 =	simm.s32 @!p2 $0x0  }
0x16: {  	s3 =	sld [smem:$0x3FDB];
	s0 =	simm.s32 @p2 $0x1  }
0x17: {  	s4 =	simm.s32 $0x1BF5;
	[smem:$0x3FB7] =	sst s0  }
0x18: {  	s0 =	sld [smem:$0x3F9A];
	_ =	swait.ge [sflag:s4], $0x0  }
0x19: {  	s7 =	sld [smem:$0x3F9B]  }
0x1a: {  	s8 =	sadd.s32 $0xFFFFE003, lr  }
0x1b: {  	s9 =	sadd.s32 $0xFFFFFEF7, lr;
	s5 =	simm.s32 $0xFFFFFFFF;
	p2 =	slt.u32 s8, $0xFFFFF086  }
0x1c: {  	p1 =	slt.u32 s9, $0xF7A;
	s5 =	simm.s32 @!p2 $0x0  }
0x1d: {  	s5 =	simm.s32 @p1 $0x1;
	p0 =	seq.s32 s7, s2  }
0x1e: {  	s7 =	smul.u32 @!p0 $0xF7A, s2;
	p2 =	seq.s32 @!p0 s5, $0x0  }
0x1f: {  	s9 =	smul.u32 $0xF7A, s1;
	s8 =	simm.s32 @!p0 $0x1BF5;
	p2 =	por !p2, p0  }
0x20: {  	[sflag:s8] =	ssyncset.s32 @!p0 $0xFFFFF086;
	s6 =	sadd.s32 @!p0 s3, s7;
	s7 =	simm.s32 @!p0 $0x108  }
0x21: {  	s3 =	sadd.s32 s3, s9;
	s6 =	sadd.s32 @!p0 $0x88, s6;
	s7 =	simm.s32 @p2 $0x1082  }
0x22: {  	[simem:s7], [sflag:s8] =	dma.local @!p0 [hbm:s6], $0xF7A  }
0x23: {  	s9 =	sor.u32 $0xD0000000, s2;
	s6 =	simm.s32 $0x108;
	_ =	swait.ge @!p0 [sflag:s8], $0x0  }
0x24: {  	s3 =	sadd.s32 $0x88, s3;
	s6 =	simm.s32 @!p1 $0x1082;
	[sflag:s4] =	ssyncset.s32 $0xFFFFF086  }
0x25: {  	[simem:s6], [sflag:s4] =	dma.local [hbm:s3], $0xF7A  }
0x26: {  	[smem:$0x3F9B] =	sst s1;
	(tag) =	ssettag s2;
	_ =	strace s9  }
0x27: {  	s1 =	sld [smem:$0x3FAB]  }
0x28: {  	s2 =	sld [smem:$0x3FAC]  }
0x29: {  	s4 =	sld [smem:$0x3FAE]  }
0x2a: {  	p0 =	seq.s32 s5, $0x0;
	s5 =	sld [smem:$0x3FAF]  }
0x2b: {  	s6 =	sld [smem:$0x3FB0]  }
0x2c: {  	s7 =	sld [smem:$0x3FB1]  }
0x2d: {  	s3 =	simm.s32 $0x108;
	s8 =	sld [smem:$0x3FB2]  }
0x2e: {  	s3 =	simm.s32 @!p0 $0x1082;
	s9 =	sld [smem:$0x3FB3]  }
0x2f: {  	lr =	sadd.s32 s0, s3;
	s0 =	sld [smem:$0x3FAA]  }
0x30: {  	s3 =	sld [smem:$0x3FAD]  }
0x31: {  	[smem:$0x3FB6] =	sst s10  }
0x32: {  	s10 =	sld [smem:$0x3FB4];
	_ =	sdelay $0x3  }
0x33: {  	p0 =	seq.s32 s10, $0x1;
	s10 =	sld [smem:$0x3FB6];
	_ =	sdelay $0x3  }
0x34: {  	[smem:$0x3FB6] =	sst s10  }
0x35: {  	s10 =	sld [smem:$0x3FB5];
	_ =	sdelay $0x3  }
0x36: {  	p1 =	seq.s32 s10, $0x1;
	s10 =	sld [smem:$0x3FB6];
	_ =	sdelay $0x3  }
0x37: {  	[smem:$0x3FB6] =	sst s10  }
0x38: {  	s10 =	sld [smem:$0x3FB7]  }
0x39: {  	_ = 	snop;
	(pc) =	sbr.ind lr, $3  }
0x3a: {  	_ = 	snop  }
0x3b: {  	_ = 	snop  }
0x3c: {  	p2 =	seq.s32 s10, $0x1;
	s10 =	sld [smem:$0x3FB6]  }
0x3d: {  	_ =	shalt  }
0x3e: {  	_ =	shalt  }
0x3f: {  	_ =	shalt  }
0x40: {  	_ =	shalt  }
0x41: {  	_ =	shalt  }
0x42: {  	_ =	shalt  }
0x43: {  	_ =	shalt  }
0x44: {  	_ =	shalt  }
0x45: {  	_ =	shalt  }
0x46: {  	_ =	shalt  }
0x47: {  	_ =	shalt  }
0x48: {  	_ =	shalt  }
0x49: {  	_ =	shalt  }
0x4a: {  	_ =	shalt  }
0x4b: {  	_ =	shalt  }
0x4c: {  	_ =	shalt  }
0x4d: {  	_ =	shalt  }
0x4e: {  	_ =	shalt  }
0x4f: {  	_ =	shalt  }
0x50: {  	_ =	shalt  }
0x51: {  	_ =	shalt  }
0x52: {  	_ =	shalt  }
0x53: {  	_ =	shalt  }
0x54: {  	_ =	shalt  }
0x55: {  	_ =	shalt  }
0x56: {  	_ =	shalt  }
0x57: {  	_ =	shalt  }
0x58: {  	_ =	shalt  }
0x59: {  	_ =	shalt  }
0x5a: {  	_ =	shalt  }
0x5b: {  	_ =	shalt  }
0x5c: {  	_ =	shalt  }
0x5d: {  	_ =	shalt  }
0x5e: {  	_ =	shalt  }
0x5f: {  	_ =	shalt  }
0x60: {  	_ =	shalt  }
0x61: {  	_ =	shalt  }
0x62: {  	_ =	shalt  }
0x63: {  	_ =	shalt  }
0x64: {  	_ =	shalt  }
0x65: {  	_ =	shalt  }
0x66: {  	_ =	shalt  }
0x67: {  	_ =	shalt  }
0x68: {  	_ =	shalt  }
0x69: {  	_ =	shalt  }
0x6a: {  	_ =	shalt  }
0x6b: {  	_ =	shalt  }
0x6c: {  	_ =	shalt  }
0x6d: {  	_ =	shalt  }
0x6e: {  	_ =	shalt  }
0x6f: {  	_ =	shalt  }
0x70: {  	_ =	shalt  }
0x71: {  	_ =	shalt  }
0x72: {  	_ =	shalt  }
0x73: {  	_ =	shalt  }
0x74: {  	_ =	shalt  }
0x75: {  	_ =	shalt  }
0x76: {  	_ =	shalt  }
0x77: {  	_ =	shalt  }
0x78: {  	_ =	shalt  }
0x79: {  	_ =	shalt  }
0x7a: {  	_ =	shalt  }
0x7b: {  	_ =	shalt  }
0x7c: {  	_ =	shalt  }
0x7d: {  	_ =	shalt  }
0x7e: {  	_ =	shalt  }
0x7f: {  	_ =	shalt  }
0x80: {  	_ =	shalt  }
0x81: {  	_ =	shalt  }
0x82: {  	_ =	shalt  }
0x83: {  	_ =	shalt  }
0x84: {  	_ =	shalt  }
0x85: {  	_ =	shalt  }
0x86: {  	_ =	shalt  }
0x87: {  	_ =	shalt  }
.Lfunc_end0:
.L_simem_size_0:
called_computation.1_lowered:
.L_overlay_start_0:
0x88: {  	s2 =	sld [smem:$0x3FD9]  }
0x89: {  	s3 =	sld [smem:$0x3FFE];
	_ =	sdelay $0x1  }
0x8a: {  	s1 =	srdreg.scid  }
0x8b: {  	s0 =	sand.u32 $0x1, s1  }
0x8c: {  	s16 =	sshll.u32 s0, $0xA;
	s2 =	sadd.s32 s3, s2  }
0x8d: {  	s2 =	sadd.s32 s2, s16  }
0x8e: {  	[smem:$0x3FC2] =	sst s2  }
0x8f: {  	_ = 	snop  }
0x90: {  	(tm) =	ssettm $0x1  }
0x91: {  	s17 =	sld [smem:$0x3FFB];
	_ =	sdelay $0x3  }
0x92: {  	_ =	strace s17  }
0x93: {  	s2 =	sld [smem:$0x3FFC];
	_ =	sdelay $0x3  }
0x94: {  	_ =	strace s2  }
0x95: {  	s2 =	sld [smem:$0x3FFD];
	_ =	sdelay $0x3  }
0x96: {  	_ =	strace s2  }
0x97: {  	_ =	strace $0x8FFFFFFF  }
0x98: {  	s18 =	sld [smem:$0x3FDB];
	_ =	sdelay $0x1  }
0x99: {  	s19 =	simm.s32 $_scs_section_size  }
0x9a: {  	s4 =	simm.s32 $_size__tile_overlayer_lowered;
	s5 =	simm.s32 $_tile_overlayer_lowered  }
0x9b: {  	s22 =	simm.s32 $0x1BFF;
	s21 =	sshll.u32 s5, $0x1;
	s2 =	sadd.s32 s19, s18  }
0x9c: {  	s6 =	simm.s32 $0x0;
	s20 =	sshll.u32 s4, $0x1;
	s4 =	sadd.s32 s21, s2  }
0x9d: {  	[timem:s6], [sflag:s22] =	dma.local [hbm:s4], s20  }
0x9e: {  	_ =	swait.ge [sflag:s22], s20  }
0x9f: {  	s3 =	ssub.s32 $0x0, s20;
	[sflag:s22] =	ssyncset.done $0x0  }
0xa0: {  	[sflag:s22] =	ssyncadd.s32 s3;
	_ =	sdelay $0x1  }
0xa1: {  	s23 =	simm.s32 $0x1B8B  }
0xa2: {  	_ =	swait.ge [sflag:s23], $0x1  }
0xa3: {  	[sflag:s23] =	ssyncset.done $0x0  }
0xa4: {  	s25 =	simm.s32 $0x1B8E;
	s24 =	sld [smem:$0x3FFE];
	[sflag:s23] =	ssyncadd.s32 $0xFFFFFFFF  }
0xa5: {  	s26 =	simm.s32 $execute0_lowered;
	[smem:$0x3FD2] =	sst s25  }
0xa6: {  	s4 =	sshll.u32 s26, $0x1;
	_ =	strace $0x80000049;
	[dreg:$0x1] =	wrdreg $0xFFFFFFFF  }
0xa7: {  	s28 =	simm.s32 $_size_execute0_lowered;
	s2 =	sadd.s32 s2, s4;
	[dreg:$0x0] =	wrdreg $0x0  }
0xa8: {  	s4 =	sshll.u32 s28, $0x1;
	[dreg:$0x2] =	wrdreg s2  }
0xa9: {  	[dreg:$0x3] =	wrdreg s4  }
0xaa: {  	[dreg:$0x4] =	wrdreg $0xC0  }
0xab: {  	_ =	task [dreg:s6], $0x5FFFF  }
0xac: {  	[dreg:$0x1] =	wrdreg $0xFFFFFFFF  }
0xad: {  	[dreg:$0x0] =	wrdreg $0x60  }
0xae: {  	[dreg:$0x2] =	wrdreg s24  }
0xaf: {  	[dreg:$0x3] =	wrdreg $0x0  }
0xb0: {  	[dreg:$0x4] =	wrdreg $0x9  }
0xb1: {  	_ =	task.clear_ibuf [dreg:s6], $0x5FFFF;
	_ =	strace $0x90000049  }
0xb2: {  	s29 =	simm.s32 $0x9;
	_ =	strace $0x8000004B  }
0xb3: {  	_ =	swait.ge [sflag:s29], $0x1  }
0xb4: {  	[sflag:s29] =	ssyncadd.s32 $0xFFFFFFFF  }
0xb5: {  	_ =	strace $0x9000004B  }
0xb6: {  	_ =	sfence  }
0xb7: {  	s30 =	sld [smem:$0x0];
	_ =	sdelay $0x2  }
0xb8: {  	s31 =	sshll.u32 s1, $0xD;
	s1 =	sshrl.u32 s1, $0x2  }
0xb9: {  	s3 =	sand.u32 $0x4000, s31;
	s1 =	sadd.s32 s1, s30  }
0xba: {  	s0 =	sor.u32 s3, s0;
	s1 =	sshll.u32 s1, $0x11  }
0xbb: {  	s0 =	sor.u32 s1, s0  }
0xbc: {  	s0 =	sadd.s32 $0x8F2B, s0  }
0xbd: {  	[sflag:s0] =	ssyncadd.remote.s32 $0x1  }
0xbe: {  	_ =	sfence.sel $0xFFFF  }
0xbf: {  	[dreg:$0x0] =	wrdreg $0xFFFFFFFF;
	(pc) =	sbr.abs _section_cstart, $3  }
0xc0: {  	[dreg:$0x1] =	wrdreg $0xFFFFFFFF  }
0xc1: {  	_ =	task.clear_ibuf [dreg:s6], $0x2FFFF;
	_ =	strace $0x9FFFFFFF  }
0xc2: {  	(tm) =	ssettm $0x7FFFFFFF  }
0xc3: {  	_ =	shalt  }
tec
execute0_lowered:
.L_overlay_start_1:
0x0: {  	(tag) =	ssettag $0x1  }
0x1: {  	s12 =	stileid.u32  }
0x2: {  	s6 =	smul.u32 $0x4E000, s12;
	_ =	sdelay $0x1  }
0x3: {  	s1 =	rddreg [dreg:$0x1];
	s6 =	sshrl.u32 s6, $0x2  }
0x4: {  	s0 =	rddreg [dreg:$0x0];
	s3 =	simm.s32 $0x0;
	s6 =	sadd.s32 s6, s1  }
0x5: {  	s2 =	srdreg.scid;
	[smem:$0x7FF] =	sst s3;
	s9 =	sadd.s32 $0x800, s6  }
0x6: {  	_ =	strace $0x8000004A;
	s14 =	sadd.s32 $0x1000, s6;
	[dreg:$0x3] =	wrdreg s9  }
0x7: {  	s2 =	sand.u32 $0x1, s2;
	s15 =	sadd.s32 $0x1800, s6;
	[dreg:$0x4] =	wrdreg s14  }
0x8: {  	s21 =	smul.u32 $0x13800, s12;
	s16 =	sadd.s32 $0x2000, s6;
	[dreg:$0x5] =	wrdreg s15  }
0x9: {  	s24 =	smul.u32 $0x7D00, s12;
	s17 =	sadd.s32 $0x2800, s6;
	[dreg:$0x6] =	wrdreg s16  }
0xa: {  	p0 =	sne.s32 s12, $0xF;
	s18 =	sadd.s32 $0x3000, s6;
	[dreg:$0x7] =	wrdreg s17  }
0xb: {  	s7 =	ssub.s32 $0x2, s2;
	s10 =	sadd.s32 $0x3800, s6;
	[dreg:$0x8] =	wrdreg s18  }
0xc: {  	s13 =	sshll.u32 s2, $0x4;
	s20 =	sadd.s32 $0x4000, s6;
	[dreg:$0x9] =	wrdreg s10  }
0xd: {  	s19 =	smul.u32 $0x138800, s2;
	s11 =	sadd.s32 $0x4800, s6;
	[dreg:$0xa] =	wrdreg s20  }
0xe: {  	s8 =	sshrl.u32 s7, $0x1;
	s22 =	sadd.s32 $0x5000, s6;
	[dreg:$0xb] =	wrdreg s11  }
0xf: {  	s7 =	ssub.s32 s7, s8;
	s23 =	sadd.s32 $0x5800, s6;
	[dreg:$0xc] =	wrdreg s22  }
0x10: {  	s8 =	sor.u32 s12, s13;
	s13 =	sadd.s32 $0x6000, s6;
	[dreg:$0xd] =	wrdreg s23  }
0x11: {  	s2 =	smul.u32 $0x7D000, s2;
	s7 =	smax.u32 s7, $0x1;
	[dreg:$0xe] =	wrdreg s13  }
0x12: {  	s25 =	sadd.s32 s21, s19;
	s12 =	sadd.s32 $0x6800, s6;
	[dreg:$0x12] =	wrdreg s7  }
0x13: {  	s2 =	sadd.s32 s24, s2;
	s21 =	sadd.s32 $0xA800, s6;
	[dreg:$0x14] =	wrdreg s12  }
0x14: {  	s11 =	sadd.s32 $0x300, s2;
	[dreg:$0x1c] =	wrdreg s21  }
0x15: {  	s14 =	sadd.s32 $0x7000, s6;
	[dreg:$0x13] =	wrdreg s11  }
0x16: {  	s15 =	sadd.s32 $0x7800, s6;
	[dreg:$0x15] =	wrdreg s14  }
0x17: {  	s16 =	sadd.s32 $0x8000, s6;
	[dreg:$0x16] =	wrdreg s15  }
0x18: {  	s17 =	sadd.s32 $0x8800, s6;
	[dreg:$0x17] =	wrdreg s16  }
0x19: {  	s18 =	sadd.s32 $0x9000, s6;
	[dreg:$0x18] =	wrdreg s17  }
0x1a: {  	s9 =	sshrl.u32 s19, $0x3;
	s19 =	sadd.s32 $0x9800, s6;
	[dreg:$0x19] =	wrdreg s18  }
0x1b: {  	s28 =	simm.s32 $0x2;
	s20 =	sadd.s32 $0xA000, s6;
	[dreg:$0x1a] =	wrdreg s19  }
0x1c: {  	s29 =	simm.s32 $0x1B200;
	s22 =	sadd.s32 $0xB000, s6;
	[dreg:$0x1b] =	wrdreg s20  }
0x1d: {  	s30 =	simm.s32 $0x3;
	s7 =	sadd.s32 $0xD000, s6;
	[dreg:$0x1d] =	wrdreg s22  }
0x1e: {  	s4 =	sadd.s32 $0x20A00, s0;
	s12 =	sadd.s32 $0xF800, s6;
	[smem:$0x7ED] =	sst s7  }
0x1f: {  	s5 =	sadd.s32 $0x1600, s0;
	s11 =	sadd.s32 $0xF000, s6;
	[smem:$0x7F2] =	sst s12  }
0x20: {  	s0 =	sadd.s32 $0x47C00, s0;
	s14 =	sadd.s32 $0x10000, s6;
	[smem:$0x7F1] =	sst s11  }
0x21: {  	s31 =	sadd.s32 $0x138000, s1;
	s15 =	sadd.s32 $0x10800, s6;
	[smem:$0x7F3] =	sst s14  }
0x22: {  	s8 =	smul.u32 $0x7D00, s8;
	s16 =	sadd.s32 $0x11000, s6;
	[smem:$0x7F4] =	sst s15  }
0x23: {  	s26 =	sadd.s32 $0x500, s2;
	s17 =	sadd.s32 $0x11800, s6;
	[smem:$0x7F5] =	sst s16  }
0x24: {  	s8 =	sshrl.u32 s8, $0x3;
	s18 =	sadd.s32 $0x12000, s6;
	[smem:$0x7F6] =	sst s17  }
0x25: {  	s19 =	sadd.s32 $0x12800, s6;
	s20 =	sadd.s32 $0x13000, s6;
	[smem:$0x7F7] =	sst s18  }
0x26: {  	s12 =	simm.s32 $0x1B180;
	s13 =	sadd.s32 s5, s8;
	[smem:$0x7F8] =	sst s19  }
0x27: {  	s8 =	sshrl.u32 s25, $0x3;
	s25 =	sadd.s32 $0xB800, s6;
	[smem:$0x7F9] =	sst s20  }
0x28: {  	s11 =	simm.s32 $0x1B080;
	s14 =	simm.s32 $0x4;
	s15 =	simm.s32 $0x50  }
0x29: {  	s16 =	simm.s32 $0x13880;
	s17 =	simm.s32 $0x5;
	s18 =	simm.s32 $0x16080  }
0x2a: {  	s20 =	simm.s32 $0x1;
	s8 =	sadd.s32 s0, s8;
	[dreg:$0x1e] =	wrdreg s25  }
0x2b: {  	s0 =	sadd.s32 s0, s9;
	s9 =	sadd.s32 $0x400, s2;
	[dreg:$0xf] =	wrdreg s13  }
0x2c: {  	s2 =	sadd.s32 $0xC800, s6;
	s21 =	sadd.s32 $0x20, s13;
	[dreg:$0x10] =	wrdreg s8  }
0x2d: {  	s22 =	sadd.s32 $0x40, s13;
	s25 =	sadd.s32 $0xF60, s13;
	[smem:$0x7EC] =	sst s2  }
0x2e: {  	s0 =	sadd.s32 $0x27000, s0;
	s8 =	sshrl.u32 s26, $0x3;
	[smem:$0x7FA] =	sst s21  }
0x2f: {  	s10 =	sshrl.u32 s9, $0x3;
	s26 =	sadd.s32 $0xC000, s6;
	[smem:$0x7FB] =	sst s22  }
0x30: {  	s9 =	sadd.s32 $0xE000, s6;
	[smem:$0x7FC] =	sst s25;
	s21 =	simm.s32 $0x1B100  }
0x31: {  	s22 =	simm.s32 $0x6;
	s2 =	simm.s32 $0x0;
	[dreg:$0x11] =	wrdreg s0  }
0x32: {  	s23 =	sadd.s32 s8, s5;
	s24 =	sadd.s32 s10, s5;
	[dreg:$0x1f] =	wrdreg s26  }
0x33: {  	s8 =	sadd.s32 $0xD800, s6;
	[smem:$0x7EF] =	sst s9;
	s10 =	sadd.s32 $0xE800, s6  }
0x34: {  	s26 =	sadd.s32 $0xF80, s13;
	s9 =	simm.s32 $0x1B380;
	[smem:$0x7EE] =	sst s8  }
0x35: {  	s13 =	simm.s32 $0x1B280;
	s0 =	simm.s32 $0x1B300;
	[smem:$0x7F0] =	sst s10  }
0x36: {  	v0 =	vimm.f32 $0.0e+00;
	[smem:$0x7FD] =	sst s26;
	s10 =	simm.s32 $0x7;
	s26 =	simm.s32 $0x18880  }
.LBB2_1:
0x37: {  	s7 =	simm.s32 $0x0;
	s8 =	simm.s32 $0x200  }
.LBB2_2:
0x38: {  	p1 =	sne.s32 s8, $0x1E00;
	[tilespmem:s7+$0x1B3F0] =	vst v0  }
0x39: {  	[tilespmem:s7+$0x1B380] =	vst v0  }
0x3a: {  	[tilespmem:s7+$0x1B390] =	vst v0  }
.Ltmp0:
0x3b: {  	[tilespmem:s7+$0x1B3A0] =	vst v0;
	(pc) =	sbr.rel @p1 .LBB2_2-.Ltmp0, $4  }
0x3c: {  	[tilespmem:s7+$0x1B3B0] =	vst v0  }
0x3d: {  	[tilespmem:s7+$0x1B3C0] =	vst v0  }
0x3e: {  	[tilespmem:s7+$0x1B3D0] =	vst v0  }
0x3f: {  	[tilespmem:s7+$0x1B3E0] =	vst v0;
	s7 =	sshra.s32 s8, $0x2;
	s8 =	sadd.s32 $0x200, s8  }
0x40: {  	[tilespmem:s7+$0x1B3F0] =	vst v0  }
0x41: {  	[tilespmem:s7+$0x1B380] =	vst v0  }
0x42: {  	[tilespmem:s7+$0x1B390] =	vst v0  }
0x43: {  	[tilespmem:s7+$0x1B3A0] =	vst v0  }
0x44: {  	[tilespmem:s7+$0x1B3B0] =	vst v0  }
0x45: {  	[tilespmem:s7+$0x1B3C0] =	vst v0  }
0x46: {  	[tilespmem:s7+$0x1B3D0] =	vst v0  }
0x47: {  	[tilespmem:s7+$0x1B3E0] =	vst v0  }
0x48: {  	[spmem:s6] =	stream.linear.scatter [tilespmem:s9], [sflag:$0x7], $0x800, $0x38;
	[tilespmem:$0x1BB80] =	vst v63  }
0x49: {  	_ =	swait.ge [sflag:s10], $0x800  }
0x4a: {  	[sflag:s10] =	ssyncset.done $0x0  }
0x4b: {  	s8 =	rddreg [dreg:$0x3];
	[sflag:s10] =	ssyncadd.s32 $0xFFFFF800  }
0x4c: {  	[spmem:s8] =	stream.linear.scatter [tilespmem:s9], [sflag:$0x7], $0x800, $0x38;
	[tilespmem:$0x1BB80] =	vst v63  }
0x4d: {  	_ =	swait.ge [sflag:s10], $0x800  }
0x4e: {  	[sflag:s10] =	ssyncset.done $0x0  }
0x4f: {  	s19 =	rddreg [dreg:$0x4];
	[sflag:s10] =	ssyncadd.s32 $0xFFFFF800  }
0x50: {  	[spmem:s19] =	stream.linear.scatter [tilespmem:s9], [sflag:$0x7], $0x800, $0x38;
	[tilespmem:$0x1BB80] =	vst v63  }
0x51: {  	_ =	swait.ge [sflag:s10], $0x800  }
0x52: {  	[sflag:s10] =	ssyncset.done $0x0  }
0x53: {  	s25 =	rddreg [dreg:$0x5];
	[sflag:s10] =	ssyncadd.s32 $0xFFFFF800  }
0x54: {  	[spmem:s25] =	stream.linear.scatter [tilespmem:s9], [sflag:$0x7], $0x800, $0x38;
	[tilespmem:$0x1BB80] =	vst v63  }
0x55: {  	_ =	swait.ge [sflag:s10], $0x800  }
0x56: {  	[sflag:s10] =	ssyncset.done $0x0  }
0x57: {  	s8 =	rddreg [dreg:$0x6];
	[sflag:s10] =	ssyncadd.s32 $0xFFFFF800  }
0x58: {  	[spmem:s8] =	stream.linear.scatter [tilespmem:s9], [sflag:$0x7], $0x800, $0x38;
	[tilespmem:$0x1BB80] =	vst v63  }
0x59: {  	_ =	swait.ge [sflag:s10], $0x800  }
0x5a: {  	[sflag:s10] =	ssyncset.done $0x0  }
0x5b: {  	s19 =	rddreg [dreg:$0x7];
	[sflag:s10] =	ssyncadd.s32 $0xFFFFF800  }
0x5c: {  	[spmem:s19] =	stream.linear.scatter [tilespmem:s9], [sflag:$0x7], $0x800, $0x38;
	[tilespmem:$0x1BB80] =	vst v63  }
0x5d: {  	_ =	swait.ge [sflag:s10], $0x800  }
0x5e: {  	[sflag:s10] =	ssyncset.done $0x0  }
0x5f: {  	s25 =	rddreg [dreg:$0x8];
	[sflag:s10] =	ssyncadd.s32 $0xFFFFF800  }
0x60: {  	[spmem:s25] =	stream.linear.scatter [tilespmem:s9], [sflag:$0x7], $0x800, $0x38;
	[tilespmem:$0x1BB80] =	vst v63  }
0x61: {  	_ =	swait.ge [sflag:s10], $0x800  }
0x62: {  	[sflag:s10] =	ssyncset.done $0x0  }
0x63: {  	s8 =	rddreg [dreg:$0x9];
	[sflag:s10] =	ssyncadd.s32 $0xFFFFF800  }
0x64: {  	[spmem:s8] =	stream.linear.scatter [tilespmem:s9], [sflag:$0x7], $0x800, $0x38;
	[tilespmem:$0x1BB80] =	vst v63  }
0x65: {  	_ =	swait.ge [sflag:s10], $0x800  }
0x66: {  	[sflag:s10] =	ssyncset.done $0x0  }
0x67: {  	s19 =	rddreg [dreg:$0xa];
	[sflag:s10] =	ssyncadd.s32 $0xFFFFF800  }
0x68: {  	[spmem:s19] =	stream.linear.scatter [tilespmem:s9], [sflag:$0x7], $0x800, $0x38;
	[tilespmem:$0x1BB80] =	vst v63  }
0x69: {  	_ =	swait.ge [sflag:s10], $0x800  }
0x6a: {  	[sflag:s10] =	ssyncset.done $0x0  }
0x6b: {  	s25 =	rddreg [dreg:$0xb];
	[sflag:s10] =	ssyncadd.s32 $0xFFFFF800  }
0x6c: {  	[spmem:s25] =	stream.linear.scatter [tilespmem:s9], [sflag:$0x7], $0x800, $0x38;
	[tilespmem:$0x1BB80] =	vst v63  }
0x6d: {  	_ =	swait.ge [sflag:s10], $0x800  }
0x6e: {  	[sflag:s10] =	ssyncset.done $0x0  }
0x6f: {  	s8 =	rddreg [dreg:$0xc];
	[sflag:s10] =	ssyncadd.s32 $0xFFFFF800  }
0x70: {  	[spmem:s8] =	stream.linear.scatter [tilespmem:s9], [sflag:$0x7], $0x800, $0x38;
	[tilespmem:$0x1BB80] =	vst v63  }
0x71: {  	_ =	swait.ge [sflag:s10], $0x800  }
0x72: {  	[sflag:s10] =	ssyncset.done $0x0  }
0x73: {  	s19 =	rddreg [dreg:$0xd];
	[sflag:s10] =	ssyncadd.s32 $0xFFFFF800  }
0x74: {  	[spmem:s19] =	stream.linear.scatter [tilespmem:s9], [sflag:$0x7], $0x800, $0x38;
	[tilespmem:$0x1BB80] =	vst v63  }
0x75: {  	_ =	swait.ge [sflag:s10], $0x800  }
0x76: {  	[sflag:s10] =	ssyncset.done $0x0  }
0x77: {  	s25 =	rddreg [dreg:$0xe];
	[sflag:s10] =	ssyncadd.s32 $0xFFFFF800  }
0x78: {  	[spmem:s25] =	stream.linear.scatter [tilespmem:s9], [sflag:$0x7], $0x800, $0x38;
	[tilespmem:$0x1BB80] =	vst v63  }
0x79: {  	_ =	swait.ge [sflag:s10], $0x800  }
0x7a: {  	[sflag:s10] =	ssyncset.done $0x0  }
0x7b: {  	s8 =	rddreg [dreg:$0x14];
	[sflag:s10] =	ssyncadd.s32 $0xFFFFF800  }
0x7c: {  	[spmem:s8] =	stream.linear.scatter [tilespmem:s9], [sflag:$0x7], $0x800, $0x38;
	[tilespmem:$0x1BB80] =	vst v63  }
0x7d: {  	_ =	swait.ge [sflag:s10], $0x800  }
0x7e: {  	[sflag:s10] =	ssyncset.done $0x0  }
0x7f: {  	s19 =	rddreg [dreg:$0x15];
	[sflag:s10] =	ssyncadd.s32 $0xFFFFF800  }
0x80: {  	[spmem:s19] =	stream.linear.scatter [tilespmem:s9], [sflag:$0x7], $0x800, $0x38;
	[tilespmem:$0x1BB80] =	vst v63  }
0x81: {  	_ =	swait.ge [sflag:s10], $0x800  }
0x82: {  	[sflag:s10] =	ssyncset.done $0x0  }
0x83: {  	s25 =	rddreg [dreg:$0x16];
	[sflag:s10] =	ssyncadd.s32 $0xFFFFF800  }
0x84: {  	[spmem:s25] =	stream.linear.scatter [tilespmem:s9], [sflag:$0x7], $0x800, $0x38;
	[tilespmem:$0x1BB80] =	vst v63  }
0x85: {  	_ =	swait.ge [sflag:s10], $0x800  }
0x86: {  	[sflag:s10] =	ssyncset.done $0x0  }
0x87: {  	s8 =	rddreg [dreg:$0x17];
	[sflag:s10] =	ssyncadd.s32 $0xFFFFF800  }
0x88: {  	[spmem:s8] =	stream.linear.scatter [tilespmem:s9], [sflag:$0x7], $0x800, $0x38;
	[tilespmem:$0x1BB80] =	vst v63  }
0x89: {  	_ =	swait.ge [sflag:s10], $0x800  }
0x8a: {  	[sflag:s10] =	ssyncset.done $0x0  }
0x8b: {  	s19 =	rddreg [dreg:$0x18];
	[sflag:s10] =	ssyncadd.s32 $0xFFFFF800  }
0x8c: {  	[spmem:s19] =	stream.linear.scatter [tilespmem:s9], [sflag:$0x7], $0x800, $0x38;
	[tilespmem:$0x1BB80] =	vst v63  }
0x8d: {  	_ =	swait.ge [sflag:s10], $0x800  }
0x8e: {  	[sflag:s10] =	ssyncset.done $0x0  }
0x8f: {  	s25 =	rddreg [dreg:$0x19];
	[sflag:s10] =	ssyncadd.s32 $0xFFFFF800  }
0x90: {  	[spmem:s25] =	stream.linear.scatter [tilespmem:s9], [sflag:$0x7], $0x800, $0x38;
	[tilespmem:$0x1BB80] =	vst v63  }
0x91: {  	_ =	swait.ge [sflag:s10], $0x800  }
0x92: {  	[sflag:s10] =	ssyncset.done $0x0  }
0x93: {  	s8 =	rddreg [dreg:$0x1a];
	[sflag:s10] =	ssyncadd.s32 $0xFFFFF800  }
0x94: {  	[spmem:s8] =	stream.linear.scatter [tilespmem:s9], [sflag:$0x7], $0x800, $0x38;
	[tilespmem:$0x1BB80] =	vst v63  }
0x95: {  	_ =	swait.ge [sflag:s10], $0x800  }
0x96: {  	[sflag:s10] =	ssyncset.done $0x0  }
0x97: {  	s19 =	rddreg [dreg:$0x1b];
	[sflag:s10] =	ssyncadd.s32 $0xFFFFF800  }
0x98: {  	[spmem:s19] =	stream.linear.scatter [tilespmem:s9], [sflag:$0x7], $0x800, $0x38;
	[tilespmem:$0x1BB80] =	vst v63  }
0x99: {  	_ =	swait.ge [sflag:s10], $0x800  }
0x9a: {  	[sflag:s10] =	ssyncset.done $0x0  }
0x9b: {  	s25 =	rddreg [dreg:$0x1c];
	[sflag:s10] =	ssyncadd.s32 $0xFFFFF800  }
0x9c: {  	[spmem:s25] =	stream.linear.scatter [tilespmem:s9], [sflag:$0x7], $0x800, $0x38;
	[tilespmem:$0x1BB80] =	vst v63  }
0x9d: {  	_ =	swait.ge [sflag:s10], $0x800  }
0x9e: {  	[sflag:s10] =	ssyncset.done $0x0  }
0x9f: {  	s8 =	rddreg [dreg:$0x1d];
	[sflag:s10] =	ssyncadd.s32 $0xFFFFF800  }
0xa0: {  	[spmem:s8] =	stream.linear.scatter [tilespmem:s9], [sflag:$0x7], $0x800, $0x38;
	[tilespmem:$0x1BB80] =	vst v63  }
0xa1: {  	_ =	swait.ge [sflag:s10], $0x800  }
0xa2: {  	[sflag:s10] =	ssyncset.done $0x0  }
0xa3: {  	s19 =	rddreg [dreg:$0x1e];
	[sflag:s10] =	ssyncadd.s32 $0xFFFFF800  }
0xa4: {  	[spmem:s19] =	stream.linear.scatter [tilespmem:s9], [sflag:$0x7], $0x800, $0x38;
	[tilespmem:$0x1BB80] =	vst v63  }
0xa5: {  	_ =	swait.ge [sflag:s10], $0x800  }
0xa6: {  	[sflag:s10] =	ssyncset.done $0x0  }
0xa7: {  	s25 =	rddreg [dreg:$0x1f];
	[sflag:s10] =	ssyncadd.s32 $0xFFFFF800  }
0xa8: {  	[spmem:s25] =	stream.linear.scatter [tilespmem:s9], [sflag:$0x7], $0x800, $0x38;
	[tilespmem:$0x1BB80] =	vst v63  }
0xa9: {  	_ =	swait.ge [sflag:s10], $0x800  }
0xaa: {  	s8 =	sld [smem:$0x7EC]  }
0xab: {  	[sflag:s10] =	ssyncset.done $0x0  }
0xac: {  	[sflag:s10] =	ssyncadd.s32 $0xFFFFF800  }
0xad: {  	[spmem:s8] =	stream.linear.scatter [tilespmem:s9], [sflag:$0x7], $0x800, $0x38;
	[tilespmem:$0x1BB80] =	vst v63  }
0xae: {  	_ =	swait.ge [sflag:s10], $0x800  }
0xaf: {  	s19 =	sld [smem:$0x7ED]  }
0xb0: {  	[sflag:s10] =	ssyncset.done $0x0  }
0xb1: {  	[sflag:s10] =	ssyncadd.s32 $0xFFFFF800  }
0xb2: {  	[spmem:s19] =	stream.linear.scatter [tilespmem:s9], [sflag:$0x7], $0x800, $0x38;
	[tilespmem:$0x1BB80] =	vst v63  }
0xb3: {  	_ =	swait.ge [sflag:s10], $0x800  }
0xb4: {  	s25 =	sld [smem:$0x7EE]  }
0xb5: {  	[sflag:s10] =	ssyncset.done $0x0  }
0xb6: {  	[sflag:s10] =	ssyncadd.s32 $0xFFFFF800  }
0xb7: {  	[spmem:s25] =	stream.linear.scatter [tilespmem:s9], [sflag:$0x7], $0x800, $0x38;
	[tilespmem:$0x1BB80] =	vst v63  }
0xb8: {  	_ =	swait.ge [sflag:s10], $0x800  }
0xb9: {  	s8 =	sld [smem:$0x7EF]  }
0xba: {  	[sflag:s10] =	ssyncset.done $0x0  }
0xbb: {  	[sflag:s10] =	ssyncadd.s32 $0xFFFFF800  }
0xbc: {  	[spmem:s8] =	stream.linear.scatter [tilespmem:s9], [sflag:$0x7], $0x800, $0x38;
	[tilespmem:$0x1BB80] =	vst v63  }
0xbd: {  	_ =	swait.ge [sflag:s10], $0x800  }
0xbe: {  	s19 =	sld [smem:$0x7F0]  }
0xbf: {  	[sflag:s10] =	ssyncset.done $0x0  }
0xc0: {  	[sflag:s10] =	ssyncadd.s32 $0xFFFFF800  }
0xc1: {  	[spmem:s19] =	stream.linear.scatter [tilespmem:s9], [sflag:$0x7], $0x800, $0x38;
	[tilespmem:$0x1BB80] =	vst v63  }
0xc2: {  	_ =	swait.ge [sflag:s10], $0x800  }
0xc3: {  	s25 =	sld [smem:$0x7F1]  }
0xc4: {  	[sflag:s10] =	ssyncset.done $0x0  }
0xc5: {  	[sflag:s10] =	ssyncadd.s32 $0xFFFFF800  }
0xc6: {  	[spmem:s25] =	stream.linear.scatter [tilespmem:s9], [sflag:$0x7], $0x800, $0x38;
	[tilespmem:$0x1BB80] =	vst v63  }
0xc7: {  	_ =	swait.ge [sflag:s10], $0x800  }
0xc8: {  	s8 =	sld [smem:$0x7F2]  }
0xc9: {  	[sflag:s10] =	ssyncset.done $0x0  }
0xca: {  	[sflag:s10] =	ssyncadd.s32 $0xFFFFF800  }
0xcb: {  	[spmem:s8] =	stream.linear.scatter [tilespmem:s9], [sflag:$0x7], $0x800, $0x38;
	[tilespmem:$0x1BB80] =	vst v63  }
0xcc: {  	_ =	swait.ge [sflag:s10], $0x800  }
0xcd: {  	s19 =	sld [smem:$0x7F3]  }
0xce: {  	[sflag:s10] =	ssyncset.done $0x0  }
0xcf: {  	[sflag:s10] =	ssyncadd.s32 $0xFFFFF800  }
0xd0: {  	[spmem:s19] =	stream.linear.scatter [tilespmem:s9], [sflag:$0x7], $0x800, $0x38;
	[tilespmem:$0x1BB80] =	vst v63  }
0xd1: {  	_ =	swait.ge [sflag:s10], $0x800  }
0xd2: {  	s25 =	sld [smem:$0x7F4]  }
0xd3: {  	[sflag:s10] =	ssyncset.done $0x0  }
0xd4: {  	[sflag:s10] =	ssyncadd.s32 $0xFFFFF800  }
0xd5: {  	[spmem:s25] =	stream.linear.scatter [tilespmem:s9], [sflag:$0x7], $0x800, $0x38;
	[tilespmem:$0x1BB80] =	vst v63  }
0xd6: {  	_ =	swait.ge [sflag:s10], $0x800  }
0xd7: {  	s8 =	sld [smem:$0x7F5]  }
0xd8: {  	[sflag:s10] =	ssyncset.done $0x0  }
0xd9: {  	[sflag:s10] =	ssyncadd.s32 $0xFFFFF800  }
0xda: {  	[spmem:s8] =	stream.linear.scatter [tilespmem:s9], [sflag:$0x7], $0x800, $0x38;
	[tilespmem:$0x1BB80] =	vst v63  }
0xdb: {  	_ =	swait.ge [sflag:s10], $0x800  }
0xdc: {  	s19 =	sld [smem:$0x7F6]  }
0xdd: {  	[sflag:s10] =	ssyncset.done $0x0  }
0xde: {  	[sflag:s10] =	ssyncadd.s32 $0xFFFFF800  }
0xdf: {  	[spmem:s19] =	stream.linear.scatter [tilespmem:s9], [sflag:$0x7], $0x800, $0x38;
	[tilespmem:$0x1BB80] =	vst v63  }
0xe0: {  	_ =	swait.ge [sflag:s10], $0x800  }
0xe1: {  	s25 =	sld [smem:$0x7F7]  }
0xe2: {  	[sflag:s10] =	ssyncset.done $0x0  }
0xe3: {  	[sflag:s10] =	ssyncadd.s32 $0xFFFFF800  }
0xe4: {  	[spmem:s25] =	stream.linear.scatter [tilespmem:s9], [sflag:$0x7], $0x800, $0x38;
	[tilespmem:$0x1BB80] =	vst v63  }
0xe5: {  	_ =	swait.ge [sflag:s10], $0x800  }
0xe6: {  	s8 =	sld [smem:$0x7F8]  }
0xe7: {  	[sflag:s10] =	ssyncset.done $0x0  }
0xe8: {  	[sflag:s10] =	ssyncadd.s32 $0xFFFFF800  }
0xe9: {  	[spmem:s8] =	stream.linear.scatter [tilespmem:s9], [sflag:$0x7], $0x800, $0x38;
	[tilespmem:$0x1BB80] =	vst v63  }
0xea: {  	_ =	swait.ge [sflag:s10], $0x800  }
0xeb: {  	s19 =	sld [smem:$0x7F9]  }
0xec: {  	[sflag:s10] =	ssyncset.done $0x0  }
0xed: {  	[sflag:s10] =	ssyncadd.s32 $0xFFFFF800  }
0xee: {  	[spmem:s19] =	stream.linear.scatter [tilespmem:s9], [sflag:$0x7], $0x800, $0x38;
	[tilespmem:$0x1BB80] =	vst v63  }
0xef: {  	_ =	swait.ge [sflag:s10], $0x800  }
0xf0: {  	[sflag:s10] =	ssyncset.done $0x0  }
0xf1: {  	s7 =	simm.s32 @!p0 $0x1B380;
	[sflag:s10] =	ssyncadd.s32 $0xFFFFF800  }
0xf2: {  	[spmem:s31] =	stream.linear.scatter @!p0 [tilespmem:s7], [sflag:$0x7], $0x800, $0x38;
	[tilespmem:$0x1BB80] =	vst v63  }
0xf3: {  	s7 =	simm.s32 @!p0 $0x7  }
0xf4: {  	_ =	swait.ge @!p0 [sflag:s7], $0x800  }
0xf5: {  	[sflag:s7] =	ssyncset.done @!p0 $0x0;
	s8 =	rddreg [dreg:$0xf]  }
0xf6: {  	s25 =	sld [smem:$0x7FA];
	[sflag:s7] =	ssyncadd.s32 @!p0 $0xFFFFF800;
	s7 =	simm.s32 $0x0  }
0xf7: {  	[tilespmem:s11], [sflag:$0x4] =	stream.linear.gather [hbm4b:s8+s7], $0x100, $0x38;
	[tilespmem:$0x1BB80] =	vst v63  }
0xf8: {  	s19 =	sld [smem:$0x7FB]  }
0xf9: {  	[tilespmem:s12], [sflag:$0x5] =	stream.linear.gather [hbm4b:s25+s7], $0x100, $0x38;
	[tilespmem:$0x1BB80] =	vst v63  }
0xfa: {  	_ = 	snop  }
0xfb: {  	[tilespmem:s13], [sflag:$0x6] =	stream.linear.gather [hbm4b:s19+s7], $0x100, $0x38;
	[tilespmem:$0x1BB80] =	vst v63  }
0xfc: {  	_ =	swait.ge [sflag:s14], $0x100  }
0xfd: {  	[sflag:s14] =	ssyncset.done $0x0  }
0xfe: {  	[sflag:s14] =	ssyncadd.s32 $0xFFFFFF00  }
0xff: {  	[tilespmem:s16], [sflag:$0x1] =	stream.indirect.gather [hbm4b:s4+s15], $0x80, s11, s15, $0xb8;
	[tilespmem:$0x1BB80] =	vst v63  }
0x100: {  	_ =	swait.ge [sflag:s17], $0x100  }
0x101: {  	[sflag:s17] =	ssyncset.done $0x0  }
0x102: {  	[sflag:s17] =	ssyncadd.s32 $0xFFFFFF00  }
0x103: {  	[tilespmem:s18], [sflag:$0x2] =	stream.indirect.gather [hbm4b:s4+s15], $0x80, s12, s15, $0xb8;
	[tilespmem:$0x1BB80] =	vst v63  }
0x104: {  	_ = 	snop  }
0x105: {  	[tilespmem:s9], [sflag:$0x7] =	stream.linear.gather [spmem:s6], $0x400, $0x38;
	[tilespmem:$0x1BB80] =	vst v63  }
0x106: {  	_ =	swait.ge [sflag:s10], $0x400  }
0x107: {  	[sflag:s10] =	ssyncset.done $0x0  }
0x108: {  	[sflag:s10] =	ssyncadd.s32 $0xFFFFFC00  }
0x109: {  	[bflag:$0x0] =	sbarrier.arrive $0xFFFF  }
0x10a: {  	_ =	swait.ge [sflag:s20], $0x2800  }
0x10b: {  	[sflag:s20] =	ssyncset.done $0x0  }
0x10c: {  	[sflag:s20] =	ssyncadd.s32 $0xFFFFD800  }
0x10d: {  	[spmem:s1] =	stream.indirect.scatter.add.f32 [tilespmem:s16], [sflag:$0x7], $0x80, s21, s15, $0xb8;
	[tilespmem:$0x1BB80] =	vst v63  }
0x10e: {  	_ =	swait.ge [sflag:s10], $0x2800  }
0x10f: {  	s8 =	rddreg [dreg:$0x13]  }
0x110: {  	[sflag:s10] =	ssyncset.done $0x0;
	s25 =	sshrl.u32 s8, $0x3  }
0x111: {  	[sflag:s10] =	ssyncadd.s32 $0xFFFFD800;
	s7 =	sadd.s32 s5, s25  }
0x112: {  	[tilespmem:s11], [sflag:$0x4] =	stream.linear.gather [hbm4b:s7+s3], $0x100, $0x38;
	[tilespmem:$0x1BB80] =	vst v63  }
0x113: {  	_ =	swait.ge [sflag:s22], $0x100  }
0x114: {  	[sflag:s22] =	ssyncset.done $0x0  }
0x115: {  	[sflag:s22] =	ssyncadd.s32 $0xFFFFFF00  }
0x116: {  	[tilespmem:s26], [sflag:$0x3] =	stream.indirect.gather [hbm4b:s4+s15], $0x80, s13, s15, $0xb8;
	[tilespmem:$0x1BB80] =	vst v63  }
0x117: {  	_ =	swait.ge [sflag:s28], $0x2800  }
0x118: {  	[sflag:s28] =	ssyncset.done $0x0  }
0x119: {  	[sflag:s28] =	ssyncadd.s32 $0xFFFFD800  }
0x11a: {  	[spmem:s1] =	stream.indirect.scatter.add.f32 [tilespmem:s18], [sflag:$0x7], $0x80, s29, s15, $0xb8;
	[tilespmem:$0x1BB80] =	vst v63  }
0x11b: {  	_ =	swait.ge [sflag:s10], $0x2800  }
0x11c: {  	[sflag:s10] =	ssyncset.done $0x0  }
0x11d: {  	s19 =	sadd.s32 $0x0, s24;
	[sflag:s10] =	ssyncadd.s32 $0xFFFFD800  }
0x11e: {  	[tilespmem:s12], [sflag:$0x5] =	stream.linear.gather [hbm4b:s19+s3], $0x100, $0x38;
	[tilespmem:$0x1BB80] =	vst v63  }
0x11f: {  	_ =	swait.ge [sflag:s14], $0x100  }
0x120: {  	[sflag:s14] =	ssyncset.done $0x0  }
0x121: {  	[sflag:s14] =	ssyncadd.s32 $0xFFFFFF00  }
0x122: {  	[tilespmem:s16], [sflag:$0x1] =	stream.indirect.gather [hbm4b:s4+s15], $0x80, s11, s15, $0xb8;
	[tilespmem:$0x1BB80] =	vst v63  }
0x123: {  	_ =	swait.ge [sflag:s30], $0x2800  }
0x124: {  	[sflag:s30] =	ssyncset.done $0x0  }
0x125: {  	[sflag:s30] =	ssyncadd.s32 $0xFFFFD800  }
0x126: {  	[spmem:s1] =	stream.indirect.scatter.add.f32 [tilespmem:s26], [sflag:$0x7], $0x80, s0, s15, $0xb8;
	[tilespmem:$0x1BB80] =	vst v63  }
0x127: {  	_ =	swait.ge [sflag:s10], $0x2800  }
0x128: {  	[sflag:s10] =	ssyncset.done $0x0  }
0x129: {  	s25 =	sadd.s32 $0x0, s23;
	[sflag:s10] =	ssyncadd.s32 $0xFFFFD800  }
0x12a: {  	[tilespmem:s13], [sflag:$0x6] =	stream.linear.gather [hbm4b:s25+s3], $0x100, $0x38;
	[tilespmem:$0x1BB80] =	vst v63  }
0x12b: {  	_ =	swait.ge [sflag:s17], $0x100  }
0x12c: {  	[sflag:s17] =	ssyncset.done $0x0  }
0x12d: {  	s8 =	sadd.s32 $0x300, s8;
	s7 =	simm.s32 $0x60;
	[sflag:s17] =	ssyncadd.s32 $0xFFFFFF00  }
.LBB2_4:
0x12e: {  	[tilespmem:s18], [sflag:$0x2] =	stream.indirect.gather [hbm4b:s4+s15], $0x80, s12, s15, $0xb8;
	[tilespmem:$0x1BB80] =	vst v63  }
0x12f: {  	s19 =	smov.u32 s7  }
0x130: {  	p1 =	sne.s32 s7, $0xEA0;
	s7 =	sadd.s32 $0x60, s7;
	_ =	swait.ge [sflag:s20], $0x2800  }
0x131: {  	[sflag:s20] =	ssyncset.done $0x0  }
0x132: {  	[sflag:s20] =	ssyncadd.s32 $0xFFFFD800  }
0x133: {  	[spmem:s1] =	stream.indirect.scatter.add.f32 [tilespmem:s16], [sflag:$0x7], $0x80, s21, s15, $0xb8;
	[tilespmem:$0x1BB80] =	vst v63  }
0x134: {  	_ =	swait.ge [sflag:s10], $0x2800  }
0x135: {  	s25 =	sshrl.u32 s8, $0x3;
	[sflag:s10] =	ssyncset.done $0x0  }
0x136: {  	s25 =	sadd.s32 s5, s25;
	[sflag:s10] =	ssyncadd.s32 $0xFFFFD800  }
0x137: {  	[tilespmem:s11], [sflag:$0x4] =	stream.linear.gather [hbm4b:s25+s3], $0x100, $0x38;
	[tilespmem:$0x1BB80] =	vst v63  }
0x138: {  	_ =	swait.ge [sflag:s22], $0x100  }
0x139: {  	[sflag:s22] =	ssyncset.done $0x0  }
0x13a: {  	[sflag:s22] =	ssyncadd.s32 $0xFFFFFF00  }
0x13b: {  	[tilespmem:s26], [sflag:$0x3] =	stream.indirect.gather [hbm4b:s4+s15], $0x80, s13, s15, $0xb8;
	[tilespmem:$0x1BB80] =	vst v63  }
0x13c: {  	_ =	swait.ge [sflag:s28], $0x2800  }
0x13d: {  	[sflag:s28] =	ssyncset.done $0x0  }
0x13e: {  	[sflag:s28] =	ssyncadd.s32 $0xFFFFD800  }
0x13f: {  	[spmem:s1] =	stream.indirect.scatter.add.f32 [tilespmem:s18], [sflag:$0x7], $0x80, s29, s15, $0xb8;
	[tilespmem:$0x1BB80] =	vst v63  }
0x140: {  	_ =	swait.ge [sflag:s10], $0x2800  }
0x141: {  	[sflag:s10] =	ssyncset.done $0x0  }
0x142: {  	s25 =	sadd.s32 s19, s24;
	[sflag:s10] =	ssyncadd.s32 $0xFFFFD800  }
0x143: {  	[tilespmem:s12], [sflag:$0x5] =	stream.linear.gather [hbm4b:s25+s3], $0x100, $0x38;
	[tilespmem:$0x1BB80] =	vst v63  }
0x144: {  	_ =	swait.ge [sflag:s14], $0x100  }
0x145: {  	[sflag:s14] =	ssyncset.done $0x0  }
0x146: {  	[sflag:s14] =	ssyncadd.s32 $0xFFFFFF00  }
0x147: {  	[tilespmem:s16], [sflag:$0x1] =	stream.indirect.gather [hbm4b:s4+s15], $0x80, s11, s15, $0xb8;
	[tilespmem:$0x1BB80] =	vst v63  }
0x148: {  	_ =	swait.ge [sflag:s30], $0x2800  }
0x149: {  	[sflag:s30] =	ssyncset.done $0x0  }
0x14a: {  	[sflag:s30] =	ssyncadd.s32 $0xFFFFD800  }
0x14b: {  	[spmem:s1] =	stream.indirect.scatter.add.f32 [tilespmem:s26], [sflag:$0x7], $0x80, s0, s15, $0xb8;
	[tilespmem:$0x1BB80] =	vst v63  }
0x14c: {  	_ =	swait.ge [sflag:s10], $0x2800  }
0x14d: {  	[sflag:s10] =	ssyncset.done $0x0  }
.Ltmp1:
0x14e: {  	s19 =	sadd.s32 s19, s23;
	[sflag:s10] =	ssyncadd.s32 $0xFFFFD800;
	(pc) =	sbr.rel @p1 .LBB2_4-.Ltmp1, $4  }
0x14f: {  	[tilespmem:s13], [sflag:$0x6] =	stream.linear.gather [hbm4b:s19+s3], $0x100, $0x38;
	[tilespmem:$0x1BB80] =	vst v63  }
0x150: {  	_ =	swait.ge [sflag:s17], $0x100  }
0x151: {  	[sflag:s17] =	ssyncset.done $0x0  }
0x152: {  	s8 =	sadd.s32 $0x300, s8;
	[sflag:s17] =	ssyncadd.s32 $0xFFFFFF00  }
0x153: {  	[tilespmem:s18], [sflag:$0x2] =	stream.indirect.gather [hbm4b:s4+s15], $0x80, s12, s15, $0xb8;
	[tilespmem:$0x1BB80] =	vst v63  }
0x154: {  	_ =	swait.ge [sflag:s20], $0x2800  }
0x155: {  	[sflag:s20] =	ssyncset.done $0x0  }
0x156: {  	[sflag:s20] =	ssyncadd.s32 $0xFFFFD800  }
0x157: {  	[spmem:s1] =	stream.indirect.scatter.add.f32 [tilespmem:s16], [sflag:$0x7], $0x80, s21, s15, $0xb8;
	[tilespmem:$0x1BB80] =	vst v63  }
0x158: {  	_ =	swait.ge [sflag:s10], $0x2800  }
0x159: {  	s7 =	sld [smem:$0x7FC]  }
0x15a: {  	[sflag:s10] =	ssyncset.done $0x0  }
0x15b: {  	[sflag:s10] =	ssyncadd.s32 $0xFFFFD800  }
0x15c: {  	[tilespmem:s11], [sflag:$0x4] =	stream.linear.gather [hbm4b:s7+s3], $0x100, $0x38;
	[tilespmem:$0x1BB80] =	vst v63  }
0x15d: {  	_ =	swait.ge [sflag:s22], $0x100  }
0x15e: {  	[sflag:s22] =	ssyncset.done $0x0  }
0x15f: {  	[sflag:s22] =	ssyncadd.s32 $0xFFFFFF00  }
0x160: {  	[tilespmem:s26], [sflag:$0x3] =	stream.indirect.gather [hbm4b:s4+s15], $0x80, s13, s15, $0xb8;
	[tilespmem:$0x1BB80] =	vst v63  }
0x161: {  	_ =	swait.ge [sflag:s28], $0x2800  }
0x162: {  	[sflag:s28] =	ssyncset.done $0x0  }
0x163: {  	[sflag:s28] =	ssyncadd.s32 $0xFFFFD800  }
0x164: {  	[spmem:s1] =	stream.indirect.scatter.add.f32 [tilespmem:s18], [sflag:$0x7], $0x80, s29, s15, $0xb8;
	[tilespmem:$0x1BB80] =	vst v63  }
0x165: {  	_ =	swait.ge [sflag:s10], $0x2800  }
0x166: {  	s25 =	sld [smem:$0x7FD]  }
0x167: {  	[sflag:s10] =	ssyncset.done $0x0  }
0x168: {  	[sflag:s10] =	ssyncadd.s32 $0xFFFFD800  }
0x169: {  	[tilespmem:s12], [sflag:$0x5] =	stream.linear.gather [hbm4b:s25+s3], $0x100, $0x38;
	[tilespmem:$0x1BB80] =	vst v63  }
0x16a: {  	_ =	swait.ge [sflag:s14], $0x100  }
0x16b: {  	[sflag:s14] =	ssyncset.done $0x0  }
0x16c: {  	[sflag:s14] =	ssyncadd.s32 $0xFFFFFF00  }
0x16d: {  	[tilespmem:s16], [sflag:$0x1] =	stream.indirect.gather [hbm4b:s4+s15], $0x80, s11, s15, $0xb8;
	[tilespmem:$0x1BB80] =	vst v63  }
0x16e: {  	_ =	swait.ge [sflag:s30], $0x2800  }
0x16f: {  	[sflag:s30] =	ssyncset.done $0x0  }
0x170: {  	[sflag:s30] =	ssyncadd.s32 $0xFFFFD800  }
0x171: {  	[spmem:s1] =	stream.indirect.scatter.add.f32 [tilespmem:s26], [sflag:$0x7], $0x80, s0, s15, $0xb8;
	[tilespmem:$0x1BB80] =	vst v63  }
0x172: {  	_ =	swait.ge [sflag:s10], $0x2800  }
0x173: {  	[sflag:s10] =	ssyncset.done $0x0  }
0x174: {  	[sflag:s10] =	ssyncadd.s32 $0xFFFFD800  }
0x175: {  	_ =	swait.ge [sflag:s17], $0x100  }
0x176: {  	[sflag:s17] =	ssyncset.done $0x0  }
0x177: {  	[sflag:s17] =	ssyncadd.s32 $0xFFFFFF00  }
0x178: {  	[tilespmem:s18], [sflag:$0x2] =	stream.indirect.gather [hbm4b:s4+s15], $0x80, s12, s15, $0xb8;
	[tilespmem:$0x1BB80] =	vst v63  }
0x179: {  	_ =	swait.ge [sflag:s20], $0x2800  }
0x17a: {  	[sflag:s20] =	ssyncset.done $0x0  }
0x17b: {  	[sflag:s20] =	ssyncadd.s32 $0xFFFFD800  }
0x17c: {  	[spmem:s1] =	stream.indirect.scatter.add.f32 [tilespmem:s16], [sflag:$0x7], $0x80, s21, s15, $0xb8;
	[tilespmem:$0x1BB80] =	vst v63  }
0x17d: {  	_ =	swait.ge [sflag:s10], $0x2800  }
0x17e: {  	[sflag:s10] =	ssyncset.done $0x0  }
0x17f: {  	[sflag:s10] =	ssyncadd.s32 $0xFFFFD800  }
0x180: {  	_ =	swait.ge [sflag:s28], $0x2800  }
0x181: {  	[sflag:s28] =	ssyncset.done $0x0  }
0x182: {  	[sflag:s28] =	ssyncadd.s32 $0xFFFFD800  }
0x183: {  	[spmem:s1] =	stream.indirect.scatter.add.f32 [tilespmem:s18], [sflag:$0x7], $0x80, s29, s15, $0xb8;
	[tilespmem:$0x1BB80] =	vst v63  }
0x184: {  	_ =	swait.ge [sflag:s10], $0x2800  }
0x185: {  	[sflag:s10] =	ssyncset.done $0x0  }
0x186: {  	[sflag:s10] =	ssyncadd.s32 $0xFFFFD800  }
0x187: {  	s8 =	simm.s32 $0x1B780;
	[bflag:$0x0] =	sbarrier.arrive $0xFFFF  }
0x188: {  	[tilespmem:s8], [sflag:$0x7] =	stream.linear.gather [spmem:s6], $0x400, $0x38;
	[tilespmem:$0x1BB80] =	vst v63  }
0x189: {  	_ =	swait.ge [sflag:s10], $0x400  }
0x18a: {  	[sflag:s10] =	ssyncset.done $0x0  }
0x18b: {  	s19 =	stileid.u32;
	[sflag:s10] =	ssyncadd.s32 $0xFFFFFC00  }
0x18c: {  	s7 =	sshll.u32 s19, $0x6;
	[bflag:$0x0] =	sbarrier.arrive $0xFFFF  }
0x18d: {  	s7 =	sor.u32 $0x1C07, s7;
	s8 =	sshrl.u32 s6, $0x3;
	s19 =	rddreg [dreg:$0x10]  }
0x18e: {  	[hbm:s19], [sflag:s7] =	dma.local [spmem:s8], $0x2700  }
0x18f: {  	_ =	swait.ge [sflag:s10], $0x2700  }
0x190: {  	[sflag:s10] =	ssyncset.done $0x0  }
0x191: {  	s8 =	sshrl.u32 @!p0 s31, $0x3;
	s19 =	rddreg [dreg:$0x11];
	[sflag:s10] =	ssyncadd.s32 $0xFFFFD900  }
0x192: {  	[hbm:s19], [sflag:s7] =	dma.local @!p0 [spmem:s8], $0x100  }
0x193: {  	s7 =	simm.s32 @!p0 $0x7  }
0x194: {  	_ =	swait.ge @!p0 [sflag:s7], $0x100  }
0x195: {  	s2 =	sadd.s32 $0x1, s2;
	s25 =	rddreg [dreg:$0x12]  }
0x196: {  	p1 =	sne.s32 s2, s25  }
.Ltmp2:
0x197: {  	_ = 	snop;
	(pc) =	sbr.rel @p1 .LBB2_1-.Ltmp2, $3  }
0x198: {  	_ =	sdelay $0x1  }
0x199: {  	[sflag:s7] =	ssyncset.done @!p0 $0x0  }
0x19a: {  	[sflag:s7] =	ssyncadd.s32 @!p0 $0xFFFFFF00  }
0x19b: {  	_ =	sfence.sel $0x180000  }
0x19c: {  	[bflag:$0x0] =	sbarrier.arrive $0xFFFF  }
0x19d: {  	_ =	strace $0x9000004A  }
0x19e: {  	s0 =	stileid.u32;
	[bflag:$0x2] =	sbarrier.arrive $0xFFFF  }
0x19f: {  	p0 =	sne.s32 s0, $0x0;
	s0 =	rddreg [dreg:$0x2]  }
0x1a0: {  	s0 =	sadd.s32 @!p0 $0x100000, s0  }
0x1a1: {  	[sflag:s0] =	ssyncadd.tile.s32 @!p0 $0x1;
	_ =	shalt  }
.Lfunc_end2:
_tile_overlayer_lowered:
.L_overlay_start_2:
0x1a2: {  	(tag) =	ssettag $0x2  }
0x1a3: {  	s0 =	rddreg [dreg:$0x0];
	s2 =	stileid.u32  }
0x1a4: {  	s1 =	rddreg [dreg:$0x1];
	p0 =	sne.s32 s2, $0x0  }
0x1a5: {  	s3 =	rddreg [dreg:$0x2];
	[bflag:$0x3] =	sbarrier.arrive $0xFFFF;
	s2 =	simm.s32 @!p0 $0x1C07  }
0x1a6: {  	[timem:s3], [sflag:s2] =	dma.local @!p0 [hbm:s0], s1  }
0x1a7: {  	s0 =	simm.s32 @!p0 $0x7  }
0x1a8: {  	_ =	swait.ge @!p0 [sflag:s0], s1  }
0x1a9: {  	s1 =	ssub.s32 @!p0 $0x0, s1;
	[sflag:s0] =	ssyncset.done @!p0 $0x0  }
0x1aa: {  	[sflag:s0] =	ssyncadd.s32 @!p0 s1  }
0x1ab: {  	[bflag:$0x3] =	sbarrier.arrive $0xFFFF  }
0x1ac: {  	_ =	shalt  }

// kernel: kernel.14.cloned.1.call-start
scs
__scs_entry_jumppad:
0x0: {  	(pc) =	sbr.rel $0x88, $3  }
0x1: {  	(tag) =	ssettag $0x0;
	lr =	simm.s32 $0x1  }
0x2: {  	[smem:$0x3F9B] =	sst lr;
	_ =	strace $0xD0000000  }
0x3: {  	_ = 	snop  }
0x4: {  	_ = 	snop  }
0x5: {  	_ = 	snop  }
0x6: {  	_ = 	snop  }
0x7: {  	_ = 	snop  }
__scs_overlays_trampoline_lowered:
0x8: {  	[smem:$0x3FAA] =	sst s0  }
0x9: {  	[smem:$0x3FAB] =	sst s1  }
0xa: {  	[smem:$0x3FAC] =	sst s2  }
0xb: {  	[smem:$0x3FAD] =	sst s3  }
0xc: {  	[smem:$0x3FAE] =	sst s4  }
0xd: {  	[smem:$0x3FAF] =	sst s5  }
0xe: {  	[smem:$0x3FB0] =	sst s6  }
0xf: {  	[smem:$0x3FB1] =	sst s7  }
0x10: {  	[smem:$0x3FB2] =	sst s8  }
0x11: {  	[smem:$0x3FB3] =	sst s9;
	s0 =	simm.s32 @!p0 $0x0  }
0x12: {  	s1 =	sld [smem:$0x3F99];
	s0 =	simm.s32 @p0 $0x1  }
0x13: {  	[smem:$0x3FB4] =	sst s0;
	s0 =	simm.s32 @!p1 $0x0  }
0x14: {  	s2 =	sld [smem:$0x3F98];
	s0 =	simm.s32 @p1 $0x1  }
0x15: {  	[smem:$0x3FB5] =	sst s0;
	s0 =	simm.s32 @!p2 $0x0  }
0x16: {  	s3 =	sld [smem:$0x3FDB];
	s0 =	simm.s32 @p2 $0x1  }
0x17: {  	s4 =	simm.s32 $0x1BF5;
	[smem:$0x3FB7] =	sst s0  }
0x18: {  	s0 =	sld [smem:$0x3F9A];
	_ =	swait.ge [sflag:s4], $0x0  }
0x19: {  	s7 =	sld [smem:$0x3F9B]  }
0x1a: {  	s8 =	sadd.s32 $0xFFFFE003, lr  }
0x1b: {  	s9 =	sadd.s32 $0xFFFFFEF7, lr;
	s5 =	simm.s32 $0xFFFFFFFF;
	p2 =	slt.u32 s8, $0xFFFFF086  }
0x1c: {  	p1 =	slt.u32 s9, $0xF7A;
	s5 =	simm.s32 @!p2 $0x0  }
0x1d: {  	s5 =	simm.s32 @p1 $0x1;
	p0 =	seq.s32 s7, s2  }
0x1e: {  	s7 =	smul.u32 @!p0 $0xF7A, s2;
	p2 =	seq.s32 @!p0 s5, $0x0  }
0x1f: {  	s9 =	smul.u32 $0xF7A, s1;
	s8 =	simm.s32 @!p0 $0x1BF5;
	p2 =	por !p2, p0  }
0x20: {  	[sflag:s8] =	ssyncset.s32 @!p0 $0xFFFFF086;
	s6 =	sadd.s32 @!p0 s3, s7;
	s7 =	simm.s32 @!p0 $0x108  }
0x21: {  	s3 =	sadd.s32 s3, s9;
	s6 =	sadd.s32 @!p0 $0x88, s6;
	s7 =	simm.s32 @p2 $0x1082  }
0x22: {  	[simem:s7], [sflag:s8] =	dma.local @!p0 [hbm:s6], $0xF7A  }
0x23: {  	s9 =	sor.u32 $0xD0000000, s2;
	s6 =	simm.s32 $0x108;
	_ =	swait.ge @!p0 [sflag:s8], $0x0  }
0x24: {  	s3 =	sadd.s32 $0x88, s3;
	s6 =	simm.s32 @!p1 $0x1082;
	[sflag:s4] =	ssyncset.s32 $0xFFFFF086  }
0x25: {  	[simem:s6], [sflag:s4] =	dma.local [hbm:s3], $0xF7A  }
0x26: {  	[smem:$0x3F9B] =	sst s1;
	(tag) =	ssettag s2;
	_ =	strace s9  }
0x27: {  	s1 =	sld [smem:$0x3FAB]  }
0x28: {  	s2 =	sld [smem:$0x3FAC]  }
0x29: {  	s4 =	sld [smem:$0x3FAE]  }
0x2a: {  	p0 =	seq.s32 s5, $0x0;
	s5 =	sld [smem:$0x3FAF]  }
0x2b: {  	s6 =	sld [smem:$0x3FB0]  }
0x2c: {  	s7 =	sld [smem:$0x3FB1]  }
0x2d: {  	s3 =	simm.s32 $0x108;
	s8 =	sld [smem:$0x3FB2]  }
0x2e: {  	s3 =	simm.s32 @!p0 $0x1082;
	s9 =	sld [smem:$0x3FB3]  }
0x2f: {  	lr =	sadd.s32 s0, s3;
	s0 =	sld [smem:$0x3FAA]  }
0x30: {  	s3 =	sld [smem:$0x3FAD]  }
0x31: {  	[smem:$0x3FB6] =	sst s10  }
0x32: {  	s10 =	sld [smem:$0x3FB4];
	_ =	sdelay $0x3  }
0x33: {  	p0 =	seq.s32 s10, $0x1;
	s10 =	sld [smem:$0x3FB6];
	_ =	sdelay $0x3  }
0x34: {  	[smem:$0x3FB6] =	sst s10  }
0x35: {  	s10 =	sld [smem:$0x3FB5];
	_ =	sdelay $0x3  }
0x36: {  	p1 =	seq.s32 s10, $0x1;
	s10 =	sld [smem:$0x3FB6];
	_ =	sdelay $0x3  }
0x37: {  	[smem:$0x3FB6] =	sst s10  }
0x38: {  	s10 =	sld [smem:$0x3FB7]  }
0x39: {  	_ = 	snop;
	(pc) =	sbr.ind lr, $3  }
0x3a: {  	_ = 	snop  }
0x3b: {  	_ = 	snop  }
0x3c: {  	p2 =	seq.s32 s10, $0x1;
	s10 =	sld [smem:$0x3FB6]  }
0x3d: {  	_ =	shalt  }
0x3e: {  	_ =	shalt  }
0x3f: {  	_ =	shalt  }
0x40: {  	_ =	shalt  }
0x41: {  	_ =	shalt  }
0x42: {  	_ =	shalt  }
0x43: {  	_ =	shalt  }
0x44: {  	_ =	shalt  }
0x45: {  	_ =	shalt  }
0x46: {  	_ =	shalt  }
0x47: {  	_ =	shalt  }
0x48: {  	_ =	shalt  }
0x49: {  	_ =	shalt  }
0x4a: {  	_ =	shalt  }
0x4b: {  	_ =	shalt  }
0x4c: {  	_ =	shalt  }
0x4d: {  	_ =	shalt  }
0x4e: {  	_ =	shalt  }
0x4f: {  	_ =	shalt  }
0x50: {  	_ =	shalt  }
0x51: {  	_ =	shalt  }
0x52: {  	_ =	shalt  }
0x53: {  	_ =	shalt  }
0x54: {  	_ =	shalt  }
0x55: {  	_ =	shalt  }
0x56: {  	_ =	shalt  }
0x57: {  	_ =	shalt  }
0x58: {  	_ =	shalt  }
0x59: {  	_ =	shalt  }
0x5a: {  	_ =	shalt  }
0x5b: {  	_ =	shalt  }
0x5c: {  	_ =	shalt  }
0x5d: {  	_ =	shalt  }
0x5e: {  	_ =	shalt  }
0x5f: {  	_ =	shalt  }
0x60: {  	_ =	shalt  }
0x61: {  	_ =	shalt  }
0x62: {  	_ =	shalt  }
0x63: {  	_ =	shalt  }
0x64: {  	_ =	shalt  }
0x65: {  	_ =	shalt  }
0x66: {  	_ =	shalt  }
0x67: {  	_ =	shalt  }
0x68: {  	_ =	shalt  }
0x69: {  	_ =	shalt  }
0x6a: {  	_ =	shalt  }
0x6b: {  	_ =	shalt  }
0x6c: {  	_ =	shalt  }
0x6d: {  	_ =	shalt  }
0x6e: {  	_ =	shalt  }
0x6f: {  	_ =	shalt  }
0x70: {  	_ =	shalt  }
0x71: {  	_ =	shalt  }
0x72: {  	_ =	shalt  }
0x73: {  	_ =	shalt  }
0x74: {  	_ =	shalt  }
0x75: {  	_ =	shalt  }
0x76: {  	_ =	shalt  }
0x77: {  	_ =	shalt  }
0x78: {  	_ =	shalt  }
0x79: {  	_ =	shalt  }
0x7a: {  	_ =	shalt  }
0x7b: {  	_ =	shalt  }
0x7c: {  	_ =	shalt  }
0x7d: {  	_ =	shalt  }
0x7e: {  	_ =	shalt  }
0x7f: {  	_ =	shalt  }
0x80: {  	_ =	shalt  }
0x81: {  	_ =	shalt  }
0x82: {  	_ =	shalt  }
0x83: {  	_ =	shalt  }
0x84: {  	_ =	shalt  }
0x85: {  	_ =	shalt  }
0x86: {  	_ =	shalt  }
0x87: {  	_ =	shalt  }
.Lfunc_end0:
.L_simem_size_0:
called_computation.2_lowered:
.L_overlay_start_0:
0x88: {  	s2 =	sld [smem:$0x3FD9]  }
0x89: {  	s3 =	sld [smem:$0x3FFE];
	_ =	sdelay $0x1  }
0x8a: {  	s1 =	srdreg.scid  }
0x8b: {  	s0 =	sand.u32 $0x1, s1  }
0x8c: {  	s17 =	sshll.u32 s0, $0xA;
	s2 =	sadd.s32 s3, s2  }
0x8d: {  	s2 =	sadd.s32 s2, s17  }
0x8e: {  	[smem:$0x3FC2] =	sst s2  }
0x8f: {  	_ = 	snop  }
0x90: {  	s2 =	sld [smem:$0x3FD0];
	(tm) =	ssettm $0x1  }
0x91: {  	s18 =	sld [smem:$0x3FFB];
	_ =	sdelay $0x3  }
0x92: {  	_ =	strace s18  }
0x93: {  	s3 =	sld [smem:$0x3FFC];
	_ =	sdelay $0x3  }
0x94: {  	_ =	strace s3  }
0x95: {  	s3 =	sld [smem:$0x3FFD];
	_ =	sdelay $0x3  }
0x96: {  	_ =	strace s3  }
0x97: {  	_ =	strace $0x8FFFFFFF  }
0x98: {  	s19 =	sld [smem:$0x3FDB];
	_ =	sdelay $0x1  }
0x99: {  	s4 =	simm.s32 $_scs_section_size  }
0x9a: {  	s5 =	simm.s32 $_size__tile_overlayer_lowered;
	s6 =	simm.s32 $_tile_overlayer_lowered  }
0x9b: {  	s22 =	simm.s32 $0x1BFF;
	s21 =	sshll.u32 s6, $0x1;
	s3 =	sadd.s32 s4, s19  }
0x9c: {  	s7 =	simm.s32 $0x0;
	s20 =	sshll.u32 s5, $0x1;
	s5 =	sadd.s32 s21, s3  }
0x9d: {  	[timem:s7], [sflag:s22] =	dma.local [hbm:s5], s20  }
0x9e: {  	_ =	swait.ge [sflag:s22], s20  }
0x9f: {  	s4 =	ssub.s32 $0x0, s20;
	[sflag:s22] =	ssyncset.done $0x0  }
0xa0: {  	[sflag:s22] =	ssyncadd.s32 s4;
	_ =	sdelay $0x1  }
0xa1: {  	s23 =	simm.s32 $0x1B8B  }
0xa2: {  	_ =	swait.ge [sflag:s23], $0x1  }
0xa3: {  	[sflag:s23] =	ssyncset.done $0x0  }
0xa4: {  	s25 =	simm.s32 $0x1B8E;
	s24 =	sld [smem:$0x3FFE];
	[sflag:s23] =	ssyncadd.s32 $0xFFFFFFFF  }
0xa5: {  	s26 =	simm.s32 $execute0_lowered;
	[smem:$0x3FD2] =	sst s25  }
0xa6: {  	s5 =	sshll.u32 s26, $0x1;
	_ =	strace $0x8000004C;
	[dreg:$0x1] =	wrdreg $0xFFFFFFFF  }
0xa7: {  	s28 =	simm.s32 $_size_execute0_lowered;
	s3 =	sadd.s32 s3, s5;
	[dreg:$0x0] =	wrdreg $0x0  }
0xa8: {  	s5 =	sshll.u32 s28, $0x1;
	[dreg:$0x2] =	wrdreg s3  }
0xa9: {  	[dreg:$0x3] =	wrdreg s5  }
0xaa: {  	[dreg:$0x4] =	wrdreg $0xC0  }
0xab: {  	_ =	task [dreg:s7], $0x5FFFF  }
0xac: {  	[dreg:$0x1] =	wrdreg $0xFFFFFFFF  }
0xad: {  	[dreg:$0x0] =	wrdreg $0x60  }
0xae: {  	[dreg:$0x2] =	wrdreg s24  }
0xaf: {  	[dreg:$0x3] =	wrdreg s2  }
0xb0: {  	[dreg:$0x4] =	wrdreg $0x9  }
0xb1: {  	_ =	task.clear_ibuf [dreg:s7], $0x5FFFF;
	_ =	strace $0x9000004C  }
0xb2: {  	s29 =	simm.s32 $0x9;
	_ =	strace $0x8000004E  }
0xb3: {  	_ =	swait.ge [sflag:s29], $0x1  }
0xb4: {  	[sflag:s29] =	ssyncadd.s32 $0xFFFFFFFF  }
0xb5: {  	_ =	strace $0x9000004E  }
0xb6: {  	_ =	sfence  }
0xb7: {  	s30 =	sld [smem:$0x0];
	_ =	sdelay $0x2  }
0xb8: {  	s31 =	sshll.u32 s1, $0xD;
	s1 =	sshrl.u32 s1, $0x2  }
0xb9: {  	s3 =	sand.u32 $0x4000, s31;
	s1 =	sadd.s32 s1, s30  }
0xba: {  	s0 =	sor.u32 s3, s0;
	s1 =	sshll.u32 s1, $0x11  }
0xbb: {  	s0 =	sor.u32 s1, s0  }
0xbc: {  	s0 =	sadd.s32 $0x8F2B, s0  }
0xbd: {  	[sflag:s0] =	ssyncadd.remote.s32 $0x1  }
0xbe: {  	_ =	sfence.sel $0xFFFF  }
0xbf: {  	[dreg:$0x0] =	wrdreg $0xFFFFFFFF;
	(pc) =	sbr.abs _section_cstart, $3  }
0xc0: {  	[dreg:$0x1] =	wrdreg $0xFFFFFFFF  }
0xc1: {  	_ =	task.clear_ibuf [dreg:s7], $0x2FFFF;
	_ =	strace $0x9FFFFFFF  }
0xc2: {  	(tm) =	ssettm $0x7FFFFFFF  }
0xc3: {  	_ =	shalt  }
tec
execute0_lowered:
.L_overlay_start_1:
0x0: {  	(tag) =	ssettag $0x1  }
0x1: {  	s0 =	srdreg.scid;
	s6 =	rddreg [dreg:$0x0]  }
0x2: {  	s2 =	rddreg [dreg:$0x1];
	s4 =	sand.u32 $0x1, s0  }
0x3: {  	s3 =	simm.s32 $0x0;
	s0 =	stileid.u32;
	s1 =	sshll.u32 s4, $0x4  }
0x4: {  	s9 =	simm.s32 $0xA480;
	s10 =	simm.s32 $0x80;
	s5 =	sor.u32 s0, s1  }
0x5: {  	s11 =	simm.s32 $0x400;
	[smem:$0x7FF] =	sst s3;
	s1 =	sshrl.u32 s5, $0x3  }
0x6: {  	s8 =	sshll.u32 s0, $0x7;
	s4 =	ssub.s32 $0x2, s4;
	s7 =	smul.u32 $0x13C00, s1  }
0x7: {  	s8 =	sand.u32 $0x380, s8;
	s31 =	sshrl.u32 s4, $0x1;
	s5 =	smul.u32 $0xFA0, s5  }
0x8: {  	s1 =	rddreg [dreg:$0x2];
	_ =	strace $0x8000004D;
	s7 =	sor.u32 s8, s7  }
0x9: {  	s5 =	sadd.s32 s5, s6;
	s8 =	simm.s32 $0x1;
	s7 =	sshrl.u32 s7, $0x3  }
0xa: {  	s6 =	sadd.s32 s7, s6;
	s7 =	ssub.s32 s4, s31;
	s4 =	sadd.s32 $0x1600, s5  }
0xb: {  	v0 =	vimm.f32 $0.0e+00;
	s5 =	sadd.s32 $0x20A00, s6;
	s6 =	smax.u32 s7, $0x1;
	s7 =	simm.s32 $0x7D00  }
.LBB2_1:
0xc: {  	s12 =	simm.s32 $0x40;
	s13 =	simm.s32 $0x0  }
.LBB2_2:
0xd: {  	p0 =	sne.s32 s12, $0x9C00;
	[tilespmem:s13+$0xA480] =	vst v0;
	s13 =	smov.u32 s12;
	s12 =	sadd.s32 $0x40, s12  }
.Ltmp0:
0xe: {  	(pc) =	sbr.rel @p0 .LBB2_2-.Ltmp0, $2  }
0xf: {  	_ =	sdelay $0x2  }
0x10: {  	s13 =	sshra.s32 s13, $0x2  }
0x11: {  	[tilespmem:s13+$0xA480] =	vst v0;
	s12 =	simm.s32 $0x0  }
0x12: {  	[tilespmem:s7], [sflag:$0x1] =	stream.linear.gather [hbm4b:s2+s12], $0x2780, $0x38;
	[tilespmem:$0xCC00] =	vst v63  }
0x13: {  	_ =	swait.ge [sflag:s8], $0x2780  }
0x14: {  	[sflag:s8] =	ssyncset.done $0x0  }
0x15: {  	[sflag:s8] =	ssyncadd.s32 $0xFFFFD880  }
0x16: {  	[tilespmem:s12], [sflag:$0x1] =	stream.linear.gather [hbm4b:s4+s12], $0x7D00, $0x38;
	[tilespmem:$0xCC00] =	vst v63  }
0x17: {  	_ =	swait.ge [sflag:s8], $0x7D00  }
0x18: {  	[sflag:s8] =	ssyncset.done $0x0  }
0x19: {  	[sflag:s8] =	ssyncadd.s32 $0xFFFF8300  }
.LBB2_4:
0x1a: {  	s13 =	sshra.s32 s12, $0x2  }
0x1b: {  	v1 =	vld [tilespmem:s13+$0x0];
	_ =	sdelay $0x4  }
0x1c: {  	v2 =	vld [tilespmem:s13+$0x80];
	_ =	sdelay $0x2  }
0x1d: {  	v1 =	vld.idx.msk [tilespmem:v1+s7+$0x0], $0xffff;
	_ =	sdelay $0x4  }
0x1e: {  	[tilespmem:v2+s9+$0x0] =	vst.idx.add.f32.msk $0xffff, v1  }
0x1f: {  	v1 =	vld [tilespmem:s13+$0x10];
	_ =	sdelay $0x4  }
0x20: {  	v2 =	vld [tilespmem:s13+$0x90];
	_ =	sdelay $0x2  }
0x21: {  	v1 =	vld.idx.msk [tilespmem:v1+s7+$0x0], $0xffff;
	_ =	sdelay $0x4  }
0x22: {  	[tilespmem:v2+s9+$0x0] =	vst.idx.add.f32.msk $0xffff, v1  }
0x23: {  	v1 =	vld [tilespmem:s13+$0x20];
	_ =	sdelay $0x4  }
0x24: {  	v2 =	vld [tilespmem:s13+$0xA0];
	_ =	sdelay $0x2  }
0x25: {  	v1 =	vld.idx.msk [tilespmem:v1+s7+$0x0], $0xffff;
	_ =	sdelay $0x4  }
0x26: {  	[tilespmem:v2+s9+$0x0] =	vst.idx.add.f32.msk $0xffff, v1  }
0x27: {  	v1 =	vld [tilespmem:s13+$0x30];
	_ =	sdelay $0x4  }
0x28: {  	v2 =	vld [tilespmem:s13+$0xB0];
	_ =	sdelay $0x2  }
0x29: {  	v1 =	vld.idx.msk [tilespmem:v1+s7+$0x0], $0xffff;
	_ =	sdelay $0x4  }
0x2a: {  	[tilespmem:v2+s9+$0x0] =	vst.idx.add.f32.msk $0xffff, v1  }
0x2b: {  	v1 =	vld [tilespmem:s13+$0x40];
	_ =	sdelay $0x4  }
0x2c: {  	v2 =	vld [tilespmem:s13+$0xC0];
	_ =	sdelay $0x2  }
0x2d: {  	p0 =	sne.s32 s12, $0x1F000;
	v1 =	vld.idx.msk [tilespmem:v1+s7+$0x0], $0xffff  }
.Ltmp1:
0x2e: {  	_ = 	snop;
	(pc) =	sbr.rel @p0 .LBB2_4-.Ltmp1, $2  }
0x2f: {  	_ =	sdelay $0x2  }
0x30: {  	s12 =	sadd.s32 $0x400, s12;
	[tilespmem:v2+s9+$0x0] =	vst.idx.add.f32.msk $0xffff, v1  }
0x31: {  	s3 =	sadd.s32 $0x1, s3  }
0x32: {  	p0 =	sne.s32 s3, s6  }
.Ltmp2:
0x33: {  	_ = 	snop;
	(pc) =	sbr.rel @p0 .LBB2_1-.Ltmp2, $4  }
0x34: {  	[hbm4b:s5+s10] =	stream.strided.scatter [tilespmem:s9], [sflag:$0x1], $0x2780, s11, s10, $0x38;
	[tilespmem:$0xCC00] =	vst v63  }
0x35: {  	_ =	swait.ge [sflag:s8], $0x2780  }
0x36: {  	[sflag:s8] =	ssyncset.done $0x0  }
0x37: {  	[sflag:s8] =	ssyncadd.s32 $0xFFFFD880  }
0x38: {  	_ =	sfence.sel $0x180000  }
0x39: {  	[bflag:$0x0] =	sbarrier.arrive $0xFFFF  }
0x3a: {  	p0 =	sne.s32 s0, $0x0;
	_ =	strace $0x9000004D  }
0x3b: {  	s0 =	sadd.s32 @!p0 $0x100000, s1;
	[bflag:$0x2] =	sbarrier.arrive $0xFFFF  }
0x3c: {  	[sflag:s0] =	ssyncadd.tile.s32 @!p0 $0x1;
	_ =	shalt  }
.Lfunc_end2:
_tile_overlayer_lowered:
.L_overlay_start_2:
0x3d: {  	(tag) =	ssettag $0x2  }
0x3e: {  	s0 =	rddreg [dreg:$0x0];
	s2 =	stileid.u32  }
0x3f: {  	s1 =	rddreg [dreg:$0x1];
	p0 =	sne.s32 s2, $0x0  }
0x40: {  	s3 =	rddreg [dreg:$0x2];
	[bflag:$0x3] =	sbarrier.arrive $0xFFFF;
	s2 =	simm.s32 @!p0 $0x1C01  }
0x41: {  	[timem:s3], [sflag:s2] =	dma.local @!p0 [hbm:s0], s1  }
0x42: {  	s0 =	simm.s32 @!p0 $0x1  }
0x43: {  	_ =	swait.ge @!p0 [sflag:s0], s1  }
0x44: {  	s1 =	ssub.s32 @!p0 $0x0, s1;
	[sflag:s0] =	ssyncset.done @!p0 $0x0  }
0x45: {  	[sflag:s0] =	ssyncadd.s32 @!p0 s1  }
0x46: {  	[bflag:$0x3] =	sbarrier.arrive $0xFFFF  }
0x47: {  	_ =	shalt  }

// kernel: kernel.8.cloned.1.call-start
scs
__scs_entry_jumppad:
0x0: {  	(pc) =	sbr.rel $0x88, $3  }
0x1: {  	(tag) =	ssettag $0x0;
	lr =	simm.s32 $0x1  }
0x2: {  	[smem:$0x3F9B] =	sst lr;
	_ =	strace $0xD0000000  }
0x3: {  	_ = 	snop  }
0x4: {  	_ = 	snop  }
0x5: {  	_ = 	snop  }
0x6: {  	_ = 	snop  }
0x7: {  	_ = 	snop  }
__scs_overlays_trampoline_lowered:
0x8: {  	[smem:$0x3FAA] =	sst s0  }
0x9: {  	[smem:$0x3FAB] =	sst s1  }
0xa: {  	[smem:$0x3FAC] =	sst s2  }
0xb: {  	[smem:$0x3FAD] =	sst s3  }
0xc: {  	[smem:$0x3FAE] =	sst s4  }
0xd: {  	[smem:$0x3FAF] =	sst s5  }
0xe: {  	[smem:$0x3FB0] =	sst s6  }
0xf: {  	[smem:$0x3FB1] =	sst s7  }
0x10: {  	[smem:$0x3FB2] =	sst s8  }
0x11: {  	[smem:$0x3FB3] =	sst s9;
	s0 =	simm.s32 @!p0 $0x0  }
0x12: {  	s1 =	sld [smem:$0x3F99];
	s0 =	simm.s32 @p0 $0x1  }
0x13: {  	[smem:$0x3FB4] =	sst s0;
	s0 =	simm.s32 @!p1 $0x0  }
0x14: {  	s2 =	sld [smem:$0x3F98];
	s0 =	simm.s32 @p1 $0x1  }
0x15: {  	[smem:$0x3FB5] =	sst s0;
	s0 =	simm.s32 @!p2 $0x0  }
0x16: {  	s3 =	sld [smem:$0x3FDB];
	s0 =	simm.s32 @p2 $0x1  }
0x17: {  	s4 =	simm.s32 $0x1BF5;
	[smem:$0x3FB7] =	sst s0  }
0x18: {  	s0 =	sld [smem:$0x3F9A];
	_ =	swait.ge [sflag:s4], $0x0  }
0x19: {  	s7 =	sld [smem:$0x3F9B]  }
0x1a: {  	s8 =	sadd.s32 $0xFFFFE003, lr  }
0x1b: {  	s9 =	sadd.s32 $0xFFFFFEF7, lr;
	s5 =	simm.s32 $0xFFFFFFFF;
	p2 =	slt.u32 s8, $0xFFFFF086  }
0x1c: {  	p1 =	slt.u32 s9, $0xF7A;
	s5 =	simm.s32 @!p2 $0x0  }
0x1d: {  	s5 =	simm.s32 @p1 $0x1;
	p0 =	seq.s32 s7, s2  }
0x1e: {  	s7 =	smul.u32 @!p0 $0xF7A, s2;
	p2 =	seq.s32 @!p0 s5, $0x0  }
0x1f: {  	s9 =	smul.u32 $0xF7A, s1;
	s8 =	simm.s32 @!p0 $0x1BF5;
	p2 =	por !p2, p0  }
0x20: {  	[sflag:s8] =	ssyncset.s32 @!p0 $0xFFFFF086;
	s6 =	sadd.s32 @!p0 s3, s7;
	s7 =	simm.s32 @!p0 $0x108  }
0x21: {  	s3 =	sadd.s32 s3, s9;
	s6 =	sadd.s32 @!p0 $0x88, s6;
	s7 =	simm.s32 @p2 $0x1082  }
0x22: {  	[simem:s7], [sflag:s8] =	dma.local @!p0 [hbm:s6], $0xF7A  }
0x23: {  	s9 =	sor.u32 $0xD0000000, s2;
	s6 =	simm.s32 $0x108;
	_ =	swait.ge @!p0 [sflag:s8], $0x0  }
0x24: {  	s3 =	sadd.s32 $0x88, s3;
	s6 =	simm.s32 @!p1 $0x1082;
	[sflag:s4] =	ssyncset.s32 $0xFFFFF086  }
0x25: {  	[simem:s6], [sflag:s4] =	dma.local [hbm:s3], $0xF7A  }
0x26: {  	[smem:$0x3F9B] =	sst s1;
	(tag) =	ssettag s2;
	_ =	strace s9  }
0x27: {  	s1 =	sld [smem:$0x3FAB]  }
0x28: {  	s2 =	sld [smem:$0x3FAC]  }
0x29: {  	s4 =	sld [smem:$0x3FAE]  }
0x2a: {  	p0 =	seq.s32 s5, $0x0;
	s5 =	sld [smem:$0x3FAF]  }
0x2b: {  	s6 =	sld [smem:$0x3FB0]  }
0x2c: {  	s7 =	sld [smem:$0x3FB1]  }
0x2d: {  	s3 =	simm.s32 $0x108;
	s8 =	sld [smem:$0x3FB2]  }
0x2e: {  	s3 =	simm.s32 @!p0 $0x1082;
	s9 =	sld [smem:$0x3FB3]  }
0x2f: {  	lr =	sadd.s32 s0, s3;
	s0 =	sld [smem:$0x3FAA]  }
0x30: {  	s3 =	sld [smem:$0x3FAD]  }
0x31: {  	[smem:$0x3FB6] =	sst s10  }
0x32: {  	s10 =	sld [smem:$0x3FB4];
	_ =	sdelay $0x3  }
0x33: {  	p0 =	seq.s32 s10, $0x1;
	s10 =	sld [smem:$0x3FB6];
	_ =	sdelay $0x3  }
0x34: {  	[smem:$0x3FB6] =	sst s10  }
0x35: {  	s10 =	sld [smem:$0x3FB5];
	_ =	sdelay $0x3  }
0x36: {  	p1 =	seq.s32 s10, $0x1;
	s10 =	sld [smem:$0x3FB6];
	_ =	sdelay $0x3  }
0x37: {  	[smem:$0x3FB6] =	sst s10  }
0x38: {  	s10 =	sld [smem:$0x3FB7]  }
0x39: {  	_ = 	snop;
	(pc) =	sbr.ind lr, $3  }
0x3a: {  	_ = 	snop  }
0x3b: {  	_ = 	snop  }
0x3c: {  	p2 =	seq.s32 s10, $0x1;
	s10 =	sld [smem:$0x3FB6]  }
0x3d: {  	_ =	shalt  }
0x3e: {  	_ =	shalt  }
0x3f: {  	_ =	shalt  }
0x40: {  	_ =	shalt  }
0x41: {  	_ =	shalt  }
0x42: {  	_ =	shalt  }
0x43: {  	_ =	shalt  }
0x44: {  	_ =	shalt  }
0x45: {  	_ =	shalt  }
0x46: {  	_ =	shalt  }
0x47: {  	_ =	shalt  }
0x48: {  	_ =	shalt  }
0x49: {  	_ =	shalt  }
0x4a: {  	_ =	shalt  }
0x4b: {  	_ =	shalt  }
0x4c: {  	_ =	shalt  }
0x4d: {  	_ =	shalt  }
0x4e: {  	_ =	shalt  }
0x4f: {  	_ =	shalt  }
0x50: {  	_ =	shalt  }
0x51: {  	_ =	shalt  }
0x52: {  	_ =	shalt  }
0x53: {  	_ =	shalt  }
0x54: {  	_ =	shalt  }
0x55: {  	_ =	shalt  }
0x56: {  	_ =	shalt  }
0x57: {  	_ =	shalt  }
0x58: {  	_ =	shalt  }
0x59: {  	_ =	shalt  }
0x5a: {  	_ =	shalt  }
0x5b: {  	_ =	shalt  }
0x5c: {  	_ =	shalt  }
0x5d: {  	_ =	shalt  }
0x5e: {  	_ =	shalt  }
0x5f: {  	_ =	shalt  }
0x60: {  	_ =	shalt  }
0x61: {  	_ =	shalt  }
0x62: {  	_ =	shalt  }
0x63: {  	_ =	shalt  }
0x64: {  	_ =	shalt  }
0x65: {  	_ =	shalt  }
0x66: {  	_ =	shalt  }
0x67: {  	_ =	shalt  }
0x68: {  	_ =	shalt  }
0x69: {  	_ =	shalt  }
0x6a: {  	_ =	shalt  }
0x6b: {  	_ =	shalt  }
0x6c: {  	_ =	shalt  }
0x6d: {  	_ =	shalt  }
0x6e: {  	_ =	shalt  }
0x6f: {  	_ =	shalt  }
0x70: {  	_ =	shalt  }
0x71: {  	_ =	shalt  }
0x72: {  	_ =	shalt  }
0x73: {  	_ =	shalt  }
0x74: {  	_ =	shalt  }
0x75: {  	_ =	shalt  }
0x76: {  	_ =	shalt  }
0x77: {  	_ =	shalt  }
0x78: {  	_ =	shalt  }
0x79: {  	_ =	shalt  }
0x7a: {  	_ =	shalt  }
0x7b: {  	_ =	shalt  }
0x7c: {  	_ =	shalt  }
0x7d: {  	_ =	shalt  }
0x7e: {  	_ =	shalt  }
0x7f: {  	_ =	shalt  }
0x80: {  	_ =	shalt  }
0x81: {  	_ =	shalt  }
0x82: {  	_ =	shalt  }
0x83: {  	_ =	shalt  }
0x84: {  	_ =	shalt  }
0x85: {  	_ =	shalt  }
0x86: {  	_ =	shalt  }
0x87: {  	_ =	shalt  }
.Lfunc_end0:
.L_simem_size_0:
called_computation_lowered:
.L_overlay_start_0:
0x88: {  	s2 =	sld [smem:$0x3FD9]  }
0x89: {  	s3 =	sld [smem:$0x3FFE];
	_ =	sdelay $0x1  }
0x8a: {  	s1 =	srdreg.scid  }
0x8b: {  	s0 =	sand.u32 $0x1, s1  }
0x8c: {  	s16 =	sshll.u32 s0, $0xA;
	s2 =	sadd.s32 s3, s2  }
0x8d: {  	s2 =	sadd.s32 s2, s16  }
0x8e: {  	[smem:$0x3FC2] =	sst s2  }
0x8f: {  	_ = 	snop  }
0x90: {  	(tm) =	ssettm $0x1  }
0x91: {  	s17 =	sld [smem:$0x3FFB];
	_ =	sdelay $0x3  }
0x92: {  	_ =	strace s17  }
0x93: {  	s2 =	sld [smem:$0x3FFC];
	_ =	sdelay $0x3  }
0x94: {  	_ =	strace s2  }
0x95: {  	s2 =	sld [smem:$0x3FFD];
	_ =	sdelay $0x3  }
0x96: {  	_ =	strace s2  }
0x97: {  	_ =	strace $0x8FFFFFFF  }
0x98: {  	s18 =	sld [smem:$0x3FDB];
	_ =	sdelay $0x1  }
0x99: {  	s19 =	simm.s32 $_scs_section_size  }
0x9a: {  	s4 =	simm.s32 $_size__tile_overlayer_lowered;
	s5 =	simm.s32 $_tile_overlayer_lowered  }
0x9b: {  	s22 =	simm.s32 $0x1BFF;
	s21 =	sshll.u32 s5, $0x1;
	s2 =	sadd.s32 s19, s18  }
0x9c: {  	s6 =	simm.s32 $0x0;
	s20 =	sshll.u32 s4, $0x1;
	s4 =	sadd.s32 s21, s2  }
0x9d: {  	[timem:s6], [sflag:s22] =	dma.local [hbm:s4], s20  }
0x9e: {  	_ =	swait.ge [sflag:s22], s20  }
0x9f: {  	s3 =	ssub.s32 $0x0, s20;
	[sflag:s22] =	ssyncset.done $0x0  }
0xa0: {  	[sflag:s22] =	ssyncadd.s32 s3;
	_ =	sdelay $0x1  }
0xa1: {  	s23 =	simm.s32 $0x1B8B  }
0xa2: {  	_ =	swait.ge [sflag:s23], $0x1  }
0xa3: {  	[sflag:s23] =	ssyncset.done $0x0  }
0xa4: {  	s25 =	simm.s32 $0x1B8E;
	s24 =	sld [smem:$0x3FFE];
	[sflag:s23] =	ssyncadd.s32 $0xFFFFFFFF  }
0xa5: {  	s26 =	simm.s32 $execute0_lowered;
	[smem:$0x3FD2] =	sst s25  }
0xa6: {  	s4 =	sshll.u32 s26, $0x1;
	_ =	strace $0x80000046;
	[dreg:$0x1] =	wrdreg $0xFFFFFFFF  }
0xa7: {  	s28 =	simm.s32 $_size_execute0_lowered;
	s2 =	sadd.s32 s2, s4;
	[dreg:$0x0] =	wrdreg $0x0  }
0xa8: {  	s4 =	sshll.u32 s28, $0x1;
	[dreg:$0x2] =	wrdreg s2  }
0xa9: {  	[dreg:$0x3] =	wrdreg s4  }
0xaa: {  	[dreg:$0x4] =	wrdreg $0xC0  }
0xab: {  	_ =	task [dreg:s6], $0x5FFFF  }
0xac: {  	[dreg:$0x1] =	wrdreg $0xFFFFFFFF  }
0xad: {  	[dreg:$0x0] =	wrdreg $0x60  }
0xae: {  	[dreg:$0x2] =	wrdreg s24  }
0xaf: {  	[dreg:$0x3] =	wrdreg $0x9  }
0xb0: {  	_ =	task.clear_ibuf [dreg:s6], $0x4FFFF;
	_ =	strace $0x90000046  }
0xb1: {  	s29 =	simm.s32 $0x9;
	_ =	strace $0x80000048  }
0xb2: {  	_ =	swait.ge [sflag:s29], $0x1  }
0xb3: {  	[sflag:s29] =	ssyncadd.s32 $0xFFFFFFFF  }
0xb4: {  	_ =	strace $0x90000048  }
0xb5: {  	_ =	sfence  }
0xb6: {  	s30 =	sld [smem:$0x0];
	_ =	sdelay $0x2  }
0xb7: {  	s31 =	sshll.u32 s1, $0xD;
	s1 =	sshrl.u32 s1, $0x2  }
0xb8: {  	s3 =	sand.u32 $0x4000, s31;
	s1 =	sadd.s32 s1, s30  }
0xb9: {  	s0 =	sor.u32 s3, s0;
	s1 =	sshll.u32 s1, $0x11  }
0xba: {  	s0 =	sor.u32 s1, s0  }
0xbb: {  	s0 =	sadd.s32 $0x8F2B, s0  }
0xbc: {  	[sflag:s0] =	ssyncadd.remote.s32 $0x1  }
0xbd: {  	_ =	sfence.sel $0xFFFF  }
0xbe: {  	[dreg:$0x0] =	wrdreg $0xFFFFFFFF;
	(pc) =	sbr.abs _section_cstart, $3  }
0xbf: {  	[dreg:$0x1] =	wrdreg $0xFFFFFFFF  }
0xc0: {  	_ =	task.clear_ibuf [dreg:s6], $0x2FFFF;
	_ =	strace $0x9FFFFFFF  }
0xc1: {  	(tm) =	ssettm $0x7FFFFFFF  }
tec
execute0_lowered:
.L_overlay_start_1:
0x0: {  	(tag) =	ssettag $0x1  }
0x1: {  	s0 =	srdreg.scid  }
0x2: {  	s5 =	rddreg [dreg:$0x0];
	s3 =	sand.u32 $0x1, s0  }
0x3: {  	s2 =	simm.s32 $0x0;
	s0 =	stileid.u32;
	s1 =	sshll.u32 s3, $0x4  }
0x4: {  	s8 =	simm.s32 $0x80;
	s9 =	simm.s32 $0x400;
	s4 =	sor.u32 s0, s1  }
0x5: {  	s10 =	simm.s32 $0x0;
	[smem:$0x7FF] =	sst s2;
	s1 =	sshrl.u32 s4, $0x3  }
0x6: {  	s7 =	sshll.u32 s0, $0x7;
	s3 =	ssub.s32 $0x2, s3;
	s6 =	smul.u32 $0x13C00, s1  }
0x7: {  	s7 =	sand.u32 $0x380, s7;
	s31 =	sshrl.u32 s3, $0x1;
	s4 =	smul.u32 $0xFA0, s4  }
0x8: {  	s1 =	rddreg [dreg:$0x1];
	_ =	strace $0x80000047;
	s6 =	sor.u32 s7, s6  }
0x9: {  	s4 =	sadd.s32 s4, s5;
	s7 =	simm.s32 $0x7D00;
	s6 =	sshrl.u32 s6, $0x3  }
0xa: {  	s5 =	sadd.s32 s6, s5;
	s6 =	ssub.s32 s3, s31;
	s3 =	sadd.s32 $0x1600, s4  }
0xb: {  	v0 =	vimm.f32 $0.0e+00;
	v1 =	vimm.f32 $1.000000000e+00;
	s4 =	sadd.s32 $0x20A00, s5;
	s5 =	smax.u32 s6, $0x1;
	s6 =	simm.s32 $0x1  }
.LBB2_1:
0xc: {  	s11 =	simm.s32 $0x40;
	s12 =	simm.s32 $0x0  }
.LBB2_2:
0xd: {  	p0 =	sne.s32 s11, $0x9C00;
	[tilespmem:s12+$0x7D00] =	vst v0;
	s12 =	smov.u32 s11;
	s11 =	sadd.s32 $0x40, s11  }
.Ltmp0:
0xe: {  	(pc) =	sbr.rel @p0 .LBB2_2-.Ltmp0, $2  }
0xf: {  	_ =	sdelay $0x2  }
0x10: {  	s12 =	sshra.s32 s12, $0x2  }
0x11: {  	[tilespmem:s12+$0x7D00] =	vst v0  }
0x12: {  	[tilespmem:s2], [sflag:$0x1] =	stream.linear.gather [hbm4b:s3+s2], $0x7D00, $0x38;
	[tilespmem:$0xA480] =	vst v63  }
0x13: {  	_ =	swait.ge [sflag:s6], $0x7D00  }
0x14: {  	[sflag:s6] =	ssyncset.done $0x0  }
0x15: {  	s11 =	simm.s32 $0x300;
	[sflag:s6] =	ssyncadd.s32 $0xFFFF8300  }
.LBB2_4:
0x16: {  	s12 =	sshra.s32 s11, $0x2  }
0x17: {  	v2 =	vld [tilespmem:s12+$0xFFFFFFC0];
	_ =	sdelay $0x7  }
0x18: {  	[tilespmem:v2+s7+$0x0] =	vst.idx.add.f32.msk $0xffff, v1  }
0x19: {  	v2 =	vld [tilespmem:s12+$0xFFFFFFD0];
	_ =	sdelay $0x7  }
0x1a: {  	[tilespmem:v2+s7+$0x0] =	vst.idx.add.f32.msk $0xffff, v1  }
0x1b: {  	v2 =	vld [tilespmem:s12+$0xFFFFFFE0];
	_ =	sdelay $0x7  }
0x1c: {  	[tilespmem:v2+s7+$0x0] =	vst.idx.add.f32.msk $0xffff, v1  }
0x1d: {  	v2 =	vld [tilespmem:s12+$0xFFFFFFF0];
	_ =	sdelay $0x7  }
0x1e: {  	[tilespmem:v2+s7+$0x0] =	vst.idx.add.f32.msk $0xffff, v1  }
0x1f: {  	v2 =	vld [tilespmem:s12+$0x0];
	_ =	sdelay $0x2  }
0x20: {  	p0 =	sne.s32 s11, $0x1F300  }
.Ltmp1:
0x21: {  	_ = 	snop;
	(pc) =	sbr.rel @p0 .LBB2_4-.Ltmp1, $2  }
0x22: {  	_ =	sdelay $0x2  }
0x23: {  	s11 =	sadd.s32 $0x400, s11;
	[tilespmem:v2+s7+$0x0] =	vst.idx.add.f32.msk $0xffff, v1  }
0x24: {  	s10 =	sadd.s32 $0x1, s10  }
0x25: {  	p0 =	sne.s32 s10, s5  }
.Ltmp2:
0x26: {  	_ = 	snop;
	(pc) =	sbr.rel @p0 .LBB2_1-.Ltmp2, $4  }
0x27: {  	[hbm4b:s4+s8] =	stream.strided.scatter [tilespmem:s7], [sflag:$0x1], $0x2780, s9, s8, $0x38;
	[tilespmem:$0xA480] =	vst v63  }
0x28: {  	_ =	swait.ge [sflag:s6], $0x2780  }
0x29: {  	[sflag:s6] =	ssyncset.done $0x0  }
0x2a: {  	[sflag:s6] =	ssyncadd.s32 $0xFFFFD880  }
0x2b: {  	_ =	sfence.sel $0x180000  }
0x2c: {  	[bflag:$0x0] =	sbarrier.arrive $0xFFFF  }
0x2d: {  	p0 =	sne.s32 s0, $0x0;
	_ =	strace $0x90000047  }
0x2e: {  	s0 =	sadd.s32 @!p0 $0x100000, s1;
	[bflag:$0x2] =	sbarrier.arrive $0xFFFF  }
0x2f: {  	[sflag:s0] =	ssyncadd.tile.s32 @!p0 $0x1;
	_ =	shalt  }
.Lfunc_end2:
_tile_overlayer_lowered:
.L_overlay_start_2:
0x30: {  	(tag) =	ssettag $0x2  }
0x31: {  	s0 =	rddreg [dreg:$0x0];
	s2 =	stileid.u32  }
0x32: {  	s1 =	rddreg [dreg:$0x1];
	p0 =	sne.s32 s2, $0x0  }
0x33: {  	s3 =	rddreg [dreg:$0x2];
	[bflag:$0x3] =	sbarrier.arrive $0xFFFF;
	s2 =	simm.s32 @!p0 $0x1C01  }
0x34: {  	[timem:s3], [sflag:s2] =	dma.local @!p0 [hbm:s0], s1  }
0x35: {  	s0 =	simm.s32 @!p0 $0x1  }
0x36: {  	_ =	swait.ge @!p0 [sflag:s0], s1  }
0x37: {  	s1 =	ssub.s32 @!p0 $0x0, s1;
	[sflag:s0] =	ssyncset.done @!p0 $0x0  }
0x38: {  	[sflag:s0] =	ssyncadd.s32 @!p0 s1  }
0x39: {  	[bflag:$0x3] =	sbarrier.arrive $0xFFFF  }
0x3a: {  	_ =	shalt  }

</sc_bundles>
